<compile_context>
chip_gen: v7x
topology: tpu7x:2x2x1
jax: 0.10.2.dev20260603
libtpu: 0.0.44.dev20260713+nightly
codegen_flags: <defaults>
</compile_context>

<pallas_src>
import functools

import jax
import jax.numpy as jnp
from jax import lax
from jax.experimental import pallas as pl
from jax.experimental.pallas import tpu as pltpu
from jax.experimental.pallas import tpu_sc as plsc

NW = 32
CH = 80
NCHUNK = 125
D = 128
NGRP = CH // 16
UNROLL = 8


def _decoder_body(z_hbm, src_hbm, dst_hbm, out_hbm,
                  idx_s, idx_d, rows_s0, rows_d0, rows_s1, rows_d1, out_v,
                  sem_s0, sem_d0, sem_s1, sem_d1):
    wid = lax.axis_index("s") * 2 + lax.axis_index("c")

    pltpu.sync_copy(src_hbm.at[wid], idx_s)
    pltpu.sync_copy(dst_hbm.at[wid], idx_d)

    def start(c, rows_s, rows_d, sem_s, sem_d):
        pltpu.async_copy(z_hbm.at[idx_s.at[c]], rows_s, sem_s)
        pltpu.async_copy(z_hbm.at[idx_d.at[c]], rows_d, sem_d)

    def wait(c, rows_s, rows_d, sem_s, sem_d):
        pltpu.make_async_copy(z_hbm.at[idx_s.at[c]], rows_s, sem_s).wait()
        pltpu.make_async_copy(z_hbm.at[idx_d.at[c]], rows_d, sem_d).wait()

    def compute(c, rows_s, rows_d):
        for g in range(NGRP):
            row16 = g * 16 + lax.iota(jnp.int32, 16)

            def jbody(it, jcarry):
                ss, jv = jcarry
                for k in range(UNROLL):
                    col = jv + k
                    a = plsc.load_gather(rows_s, [row16, col])
                    b = plsc.load_gather(rows_d, [row16, col])
                    d = a - b
                    ss = ss + d * d
                return ss, jv + UNROLL

            ss, _ = lax.fori_loop(
                0, D // UNROLL, jbody,
                (jnp.zeros((16,), jnp.float32), jnp.zeros((16,), jnp.int32)))

            col127 = jnp.full((16,), D - 1, jnp.int32)
            a127 = plsc.load_gather(rows_s, [row16, col127])
            mass = plsc.load_gather(rows_d, [row16, col127])
            dm = a127 - mass
            ss = ss - dm * dm
            res = 1.0 / (1.0 + ss * jnp.exp(-mass))
            out_v[c, pl.ds(g * 16, 16)] = res

    start(0, rows_s0, rows_d0, sem_s0, sem_d0)

    def pair_body(i, carry):
        c0 = 2 * i
        start(c0 + 1, rows_s1, rows_d1, sem_s1, sem_d1)
        wait(c0, rows_s0, rows_d0, sem_s0, sem_d0)
        compute(c0, rows_s0, rows_d0)
        start(c0 + 2, rows_s0, rows_d0, sem_s0, sem_d0)
        wait(c0 + 1, rows_s1, rows_d1, sem_s1, sem_d1)
        compute(c0 + 1, rows_s1, rows_d1)
        return carry

    lax.fori_loop(0, (NCHUNK - 1) // 2, pair_body, 0)
    wait(NCHUNK - 1, rows_s0, rows_d0, sem_s0, sem_d0)
    compute(NCHUNK - 1, rows_s0, rows_d0)

    pltpu.sync_copy(out_v, out_hbm.at[wid])


@jax.jit
def _decoder(z, src, dst):
    mesh = plsc.VectorSubcoreMesh(
        core_axis_name="c", subcore_axis_name="s", num_cores=2, num_subcores=16)
    f = pl.kernel(
        _decoder_body,
        out_type=jax.ShapeDtypeStruct((NW, NCHUNK, CH), jnp.float32),
        mesh=mesh,
        scratch_types=[
            pltpu.VMEM((NCHUNK, CH), jnp.int32),
            pltpu.VMEM((NCHUNK, CH), jnp.int32),
            pltpu.VMEM((CH, D), jnp.float32),
            pltpu.VMEM((CH, D), jnp.float32),
            pltpu.VMEM((CH, D), jnp.float32),
            pltpu.VMEM((CH, D), jnp.float32),
            pltpu.VMEM((NCHUNK, CH), jnp.float32),
            pltpu.SemaphoreType.DMA,
            pltpu.SemaphoreType.DMA,
            pltpu.SemaphoreType.DMA,
            pltpu.SemaphoreType.DMA,
        ],
        compiler_params=pltpu.CompilerParams(needs_layout_passes=False),
    )
    return f(z, src, dst)


def kernel(z, edge_index):
    src = edge_index[0].astype(jnp.int32).reshape(NW, NCHUNK, CH)
    dst = edge_index[1].astype(jnp.int32).reshape(NW, NCHUNK, CH)
    out = _decoder(z, src, dst)
    return out.reshape(-1, 1)

# --- scband reference (transcript-rebuilt; emitter-appended) ---
"""Pipeline reference for scband-gravity-decoder-51771535786608 (READ-ONLY COPY).

The authoritative reference and input builder live on the scoring server;
editing this copy changes nothing except your own understanding.
"""

import jax, jax.numpy as jnp
import numpy as np

LAMDA = 1.0

def setup_inputs(seed: int = 0) -> dict:
    key = jax.random.key(seed)
    k1, k2 = jax.random.split(key)
    z = jax.random.normal(k1, (10000, 128), dtype=jnp.float32)
    edge_index = jax.random.randint(k2, (2, 320000), 0, 10000, dtype=jnp.int64)
    return {"z": z, "edge_index": edge_index}

def reference(z, edge_index):
    d = z.shape[1]
    src = edge_index[0]
    dst = edge_index[1]
    # gather node embeddings for each edge endpoint (first d-1 dims)
    z_src = jnp.take(z, src, axis=0)[:, 0:d - 1]
    z_dst = jnp.take(z, dst, axis=0)[:, 0:d - 1]
    diff = z_src - z_dst
    dist = jnp.linalg.norm(diff, axis=1, keepdims=True) + 1e-10
    mass = jnp.take(z, dst, axis=0)[:, d - 1:d]
    outputs = mass - LAMDA * jnp.log(dist ** 2)
    return jax.nn.sigmoid(outputs)

if __name__ == "__main__":
    import jax
    _d = setup_inputs()
    print(jax.jit(kernel)(*tuple(_d.values())))

</pallas_src>

<mosaic_0001>
#map = affine_map<(d0, d1) -> (0, 0)>
#map1 = affine_map<(d0, d1) -> (0, 0, 0)>
module attributes {stable_mosaic.version = 14 : i64} {
  func.func @_decoder_body(%arg0: i32, %arg1: i32, %arg2: memref<10000x128xf32, #tpu.memory_space<hbm>>, %arg3: memref<32x125x80xi32, #tpu.memory_space<hbm>>, %arg4: memref<32x125x80xi32, #tpu.memory_space<hbm>>, %arg5: memref<32x125x80xf32, #tpu.memory_space<hbm>>, %arg6: memref<125x80xi32, #tpu.memory_space<vmem>>, %arg7: memref<125x80xi32, #tpu.memory_space<vmem>>, %arg8: memref<80x128xf32, #tpu.memory_space<vmem>>, %arg9: memref<80x128xf32, #tpu.memory_space<vmem>>, %arg10: memref<80x128xf32, #tpu.memory_space<vmem>>, %arg11: memref<80x128xf32, #tpu.memory_space<vmem>>, %arg12: memref<125x80xf32, #tpu.memory_space<vmem>>, %arg13: memref<!tpu.dma_semaphore, #tpu.memory_space<semaphore_mem>>, %arg14: memref<!tpu.dma_semaphore, #tpu.memory_space<semaphore_mem>>, %arg15: memref<!tpu.dma_semaphore, #tpu.memory_space<semaphore_mem>>, %arg16: memref<!tpu.dma_semaphore, #tpu.memory_space<semaphore_mem>>) attributes {dimension_semantics = [#tpu.dimension_semantics<core_parallel>, #tpu.dimension_semantics<subcore_parallel>], iteration_bounds = array<i64: 2, 16>, scalar_prefetch = 0 : i64, scratch_operands = 11 : i64, tpu.core_type = #tpu.core_type<sc_vector_subcore>, window_params = [{transform_indices = #map}, {transform_indices = #map1}, {transform_indices = #map1}, {transform_indices = #map1}]} {
    %mul3A = arith.constant 2 : i32
    %mul3A_0 = arith.muli %arg1, %mul3A : i32
    %add3A = arith.addi %mul3A_0, %arg0 : i32
    "tpu.region"() ({
      %run_scoped3A = tpu.sem_alloc : memref<!tpu.dma_semaphore, #tpu.memory_space<semaphore_mem>>
      %dma_start3A_204 = arith.constant 0 : i32
      %dma_start3A_205 = arith.constant 0 : i32
      %dma_start3A_206 = tpu.memref_slice %arg3[%add3A, %dma_start3A_204, %dma_start3A_205] : memref<32x125x80xi32, #tpu.memory_space<hbm>> -> memref<1x125x80xi32, #tpu.memory_space<hbm>>
      %dma_start3A_207 = tpu.memref_squeeze %dma_start3A_206 : memref<1x125x80xi32, #tpu.memory_space<hbm>> -> memref<125x80xi32, #tpu.memory_space<hbm>>
      %dma_start3A_208 = arith.constant 0 : i32
      %dma_start3A_209 = arith.constant 0 : i32
      %dma_start3A_210 = tpu.memref_slice %arg3[%add3A, %dma_start3A_208, %dma_start3A_209] : memref<32x125x80xi32, #tpu.memory_space<hbm>> -> memref<1x125x80xi32, #tpu.memory_space<hbm>>
      %dma_start3A_211 = tpu.memref_squeeze %dma_start3A_210 : memref<1x125x80xi32, #tpu.memory_space<hbm>> -> memref<125x80xi32, #tpu.memory_space<hbm>>
      tpu.enqueue_dma source(%dma_start3A_211 : memref<125x80xi32, #tpu.memory_space<hbm>>) target(%arg6 : memref<125x80xi32, #tpu.memory_space<vmem>>) target_semaphore(%run_scoped3A : memref<!tpu.dma_semaphore, #tpu.memory_space<semaphore_mem>>)
      %dma_wait3A_212 = arith.constant 0 : i32
      %dma_wait3A_213 = arith.constant 0 : i32
      %dma_wait3A_214 = tpu.memref_slice %arg3[%add3A, %dma_wait3A_212, %dma_wait3A_213] : memref<32x125x80xi32, #tpu.memory_space<hbm>> -> memref<1x125x80xi32, #tpu.memory_space<hbm>>
      %dma_wait3A_215 = tpu.memref_squeeze %dma_wait3A_214 : memref<1x125x80xi32, #tpu.memory_space<hbm>> -> memref<125x80xi32, #tpu.memory_space<hbm>>
      %dma_wait3A_216 = arith.constant 0 : i32
      %dma_wait3A_217 = arith.constant 0 : i32
      %dma_wait3A_218 = tpu.memref_slice %arg3[%add3A, %dma_wait3A_216, %dma_wait3A_217] : memref<32x125x80xi32, #tpu.memory_space<hbm>> -> memref<1x125x80xi32, #tpu.memory_space<hbm>>
      %dma_wait3A_219 = tpu.memref_squeeze %dma_wait3A_218 : memref<1x125x80xi32, #tpu.memory_space<hbm>> -> memref<125x80xi32, #tpu.memory_space<hbm>>
      tpu.wait_dma2 semaphore(%run_scoped3A : memref<!tpu.dma_semaphore, #tpu.memory_space<semaphore_mem>>) src(%dma_wait3A_219 : memref<125x80xi32, #tpu.memory_space<hbm>>) dst(%arg6 : memref<125x80xi32, #tpu.memory_space<vmem>>)
      tpu.yield
    }) : () -> ()
    "tpu.region"() ({
      %run_scoped3A = tpu.sem_alloc : memref<!tpu.dma_semaphore, #tpu.memory_space<semaphore_mem>>
      %dma_start3A_204 = arith.constant 0 : i32
      %dma_start3A_205 = arith.constant 0 : i32
      %dma_start3A_206 = tpu.memref_slice %arg4[%add3A, %dma_start3A_204, %dma_start3A_205] : memref<32x125x80xi32, #tpu.memory_space<hbm>> -> memref<1x125x80xi32, #tpu.memory_space<hbm>>
      %dma_start3A_207 = tpu.memref_squeeze %dma_start3A_206 : memref<1x125x80xi32, #tpu.memory_space<hbm>> -> memref<125x80xi32, #tpu.memory_space<hbm>>
      %dma_start3A_208 = arith.constant 0 : i32
      %dma_start3A_209 = arith.constant 0 : i32
      %dma_start3A_210 = tpu.memref_slice %arg4[%add3A, %dma_start3A_208, %dma_start3A_209] : memref<32x125x80xi32, #tpu.memory_space<hbm>> -> memref<1x125x80xi32, #tpu.memory_space<hbm>>
      %dma_start3A_211 = tpu.memref_squeeze %dma_start3A_210 : memref<1x125x80xi32, #tpu.memory_space<hbm>> -> memref<125x80xi32, #tpu.memory_space<hbm>>
      tpu.enqueue_dma source(%dma_start3A_211 : memref<125x80xi32, #tpu.memory_space<hbm>>) target(%arg7 : memref<125x80xi32, #tpu.memory_space<vmem>>) target_semaphore(%run_scoped3A : memref<!tpu.dma_semaphore, #tpu.memory_space<semaphore_mem>>)
      %dma_wait3A_212 = arith.constant 0 : i32
      %dma_wait3A_213 = arith.constant 0 : i32
      %dma_wait3A_214 = tpu.memref_slice %arg4[%add3A, %dma_wait3A_212, %dma_wait3A_213] : memref<32x125x80xi32, #tpu.memory_space<hbm>> -> memref<1x125x80xi32, #tpu.memory_space<hbm>>
      %dma_wait3A_215 = tpu.memref_squeeze %dma_wait3A_214 : memref<1x125x80xi32, #tpu.memory_space<hbm>> -> memref<125x80xi32, #tpu.memory_space<hbm>>
      %dma_wait3A_216 = arith.constant 0 : i32
      %dma_wait3A_217 = arith.constant 0 : i32
      %dma_wait3A_218 = tpu.memref_slice %arg4[%add3A, %dma_wait3A_216, %dma_wait3A_217] : memref<32x125x80xi32, #tpu.memory_space<hbm>> -> memref<1x125x80xi32, #tpu.memory_space<hbm>>
      %dma_wait3A_219 = tpu.memref_squeeze %dma_wait3A_218 : memref<1x125x80xi32, #tpu.memory_space<hbm>> -> memref<125x80xi32, #tpu.memory_space<hbm>>
      tpu.wait_dma2 semaphore(%run_scoped3A : memref<!tpu.dma_semaphore, #tpu.memory_space<semaphore_mem>>) src(%dma_wait3A_219 : memref<125x80xi32, #tpu.memory_space<hbm>>) dst(%arg7 : memref<125x80xi32, #tpu.memory_space<vmem>>)
      tpu.yield
    }) : () -> ()
    %dma_start3A = arith.constant 0 : i32
    %dma_start3A_1 = arith.constant 0 : i32
    %dma_start3A_2 = tpu.memref_slice %arg6[%dma_start3A, %dma_start3A_1] : memref<125x80xi32, #tpu.memory_space<vmem>> -> memref<1x80xi32, #tpu.memory_space<vmem>>
    %dma_start3A_3 = tpu.memref_squeeze %dma_start3A_2 : memref<1x80xi32, #tpu.memory_space<vmem>> -> memref<80xi32, #tpu.memory_space<vmem>>
    %dma_start3A_4 = arith.constant 0 : i32
    %dma_start3A_5 = arith.constant 0 : i32
    %dma_start3A_6 = tpu.memref_slice %arg2[%dma_start3A_4, %dma_start3A_5] : memref<10000x128xf32, #tpu.memory_space<hbm>> -> memref<10000x128xf32, #tpu.memory_space<hbm>>
    tpu.enqueue_indirect_dma source(%dma_start3A_6 : memref<10000x128xf32, #tpu.memory_space<hbm>>) target(%arg8 : memref<80x128xf32, #tpu.memory_space<vmem>>) offsets(%dma_start3A_3 : memref<80xi32, #tpu.memory_space<vmem>>) semaphore(%arg13 : memref<!tpu.dma_semaphore, #tpu.memory_space<semaphore_mem>>)
    %dma_start3A_7 = arith.constant 0 : i32
    %dma_start3A_8 = arith.constant 0 : i32
    %dma_start3A_9 = tpu.memref_slice %arg7[%dma_start3A_7, %dma_start3A_8] : memref<125x80xi32, #tpu.memory_space<vmem>> -> memref<1x80xi32, #tpu.memory_space<vmem>>
    %dma_start3A_10 = tpu.memref_squeeze %dma_start3A_9 : memref<1x80xi32, #tpu.memory_space<vmem>> -> memref<80xi32, #tpu.memory_space<vmem>>
    %dma_start3A_11 = arith.constant 0 : i32
    %dma_start3A_12 = arith.constant 0 : i32
    %dma_start3A_13 = tpu.memref_slice %arg2[%dma_start3A_11, %dma_start3A_12] : memref<10000x128xf32, #tpu.memory_space<hbm>> -> memref<10000x128xf32, #tpu.memory_space<hbm>>
    tpu.enqueue_indirect_dma source(%dma_start3A_13 : memref<10000x128xf32, #tpu.memory_space<hbm>>) target(%arg9 : memref<80x128xf32, #tpu.memory_space<vmem>>) offsets(%dma_start3A_10 : memref<80xi32, #tpu.memory_space<vmem>>) semaphore(%arg14 : memref<!tpu.dma_semaphore, #tpu.memory_space<semaphore_mem>>)
    %scan3A = arith.constant 0 : i32
    %scan3A_14 = arith.constant 0 : i32
    %scan3A_15 = arith.constant 62 : i32
    %scan3A_16 = arith.addi %scan3A_14, %scan3A_15 : i32
    %scan3A_17 = arith.constant 1 : i32
    scf.for %scan3A_204 = %scan3A_14 to %scan3A_16 step %scan3A_17  : i32 {
      %mul3A_205 = arith.constant 2 : i32
      %mul3A_206 = arith.muli %mul3A_205, %scan3A_204 : i32
      %add3A_207 = arith.constant 1 : i32
      %add3A_208 = arith.addi %mul3A_206, %add3A_207 : i32
      %dma_start3A_209 = arith.constant 0 : i32
      %dma_start3A_210 = tpu.memref_slice %arg6[%add3A_208, %dma_start3A_209] : memref<125x80xi32, #tpu.memory_space<vmem>> -> memref<1x80xi32, #tpu.memory_space<vmem>>
      %dma_start3A_211 = tpu.memref_squeeze %dma_start3A_210 : memref<1x80xi32, #tpu.memory_space<vmem>> -> memref<80xi32, #tpu.memory_space<vmem>>
      %dma_start3A_212 = arith.constant 0 : i32
      %dma_start3A_213 = arith.constant 0 : i32
      %dma_start3A_214 = tpu.memref_slice %arg2[%dma_start3A_212, %dma_start3A_213] : memref<10000x128xf32, #tpu.memory_space<hbm>> -> memref<10000x128xf32, #tpu.memory_space<hbm>>
      tpu.enqueue_indirect_dma source(%dma_start3A_214 : memref<10000x128xf32, #tpu.memory_space<hbm>>) target(%arg10 : memref<80x128xf32, #tpu.memory_space<vmem>>) offsets(%dma_start3A_211 : memref<80xi32, #tpu.memory_space<vmem>>) semaphore(%arg15 : memref<!tpu.dma_semaphore, #tpu.memory_space<semaphore_mem>>)
      %dma_start3A_215 = arith.constant 0 : i32
      %dma_start3A_216 = tpu.memref_slice %arg7[%add3A_208, %dma_start3A_215] : memref<125x80xi32, #tpu.memory_space<vmem>> -> memref<1x80xi32, #tpu.memory_space<vmem>>
      %dma_start3A_217 = tpu.memref_squeeze %dma_start3A_216 : memref<1x80xi32, #tpu.memory_space<vmem>> -> memref<80xi32, #tpu.memory_space<vmem>>
      %dma_start3A_218 = arith.constant 0 : i32
      %dma_start3A_219 = arith.constant 0 : i32
      %dma_start3A_220 = tpu.memref_slice %arg2[%dma_start3A_218, %dma_start3A_219] : memref<10000x128xf32, #tpu.memory_space<hbm>> -> memref<10000x128xf32, #tpu.memory_space<hbm>>
      tpu.enqueue_indirect_dma source(%dma_start3A_220 : memref<10000x128xf32, #tpu.memory_space<hbm>>) target(%arg11 : memref<80x128xf32, #tpu.memory_space<vmem>>) offsets(%dma_start3A_217 : memref<80xi32, #tpu.memory_space<vmem>>) semaphore(%arg16 : memref<!tpu.dma_semaphore, #tpu.memory_space<semaphore_mem>>)
      %dma_wait3A_221 = arith.constant 0 : i32
      %dma_wait3A_222 = tpu.memref_slice %arg6[%mul3A_206, %dma_wait3A_221] : memref<125x80xi32, #tpu.memory_space<vmem>> -> memref<1x80xi32, #tpu.memory_space<vmem>>
      %dma_wait3A_223 = tpu.memref_squeeze %dma_wait3A_222 : memref<1x80xi32, #tpu.memory_space<vmem>> -> memref<80xi32, #tpu.memory_space<vmem>>
      %dma_wait3A_224 = arith.constant 0 : i32
      %dma_wait3A_225 = arith.constant 0 : i32
      %dma_wait3A_226 = tpu.memref_slice %arg2[%dma_wait3A_224, %dma_wait3A_225] : memref<10000x128xf32, #tpu.memory_space<hbm>> -> memref<10000x128xf32, #tpu.memory_space<hbm>>
      tpu.wait_indirect_dma semaphore(%arg13 : memref<!tpu.dma_semaphore, #tpu.memory_space<semaphore_mem>>) src(%dma_wait3A_226 : memref<10000x128xf32, #tpu.memory_space<hbm>>) dst(%arg8 : memref<80x128xf32, #tpu.memory_space<vmem>>)
      %dma_wait3A_227 = arith.constant 0 : i32
      %dma_wait3A_228 = tpu.memref_slice %arg7[%mul3A_206, %dma_wait3A_227] : memref<125x80xi32, #tpu.memory_space<vmem>> -> memref<1x80xi32, #tpu.memory_space<vmem>>
      %dma_wait3A_229 = tpu.memref_squeeze %dma_wait3A_228 : memref<1x80xi32, #tpu.memory_space<vmem>> -> memref<80xi32, #tpu.memory_space<vmem>>
      %dma_wait3A_230 = arith.constant 0 : i32
      %dma_wait3A_231 = arith.constant 0 : i32
      %dma_wait3A_232 = tpu.memref_slice %arg2[%dma_wait3A_230, %dma_wait3A_231] : memref<10000x128xf32, #tpu.memory_space<hbm>> -> memref<10000x128xf32, #tpu.memory_space<hbm>>
      tpu.wait_indirect_dma semaphore(%arg14 : memref<!tpu.dma_semaphore, #tpu.memory_space<semaphore_mem>>) src(%dma_wait3A_232 : memref<10000x128xf32, #tpu.memory_space<hbm>>) dst(%arg9 : memref<80x128xf32, #tpu.memory_space<vmem>>)
      %iota3A_233 = tpu.iota {dimensions = array<i32: 0>} : vector<16xi32>
      %add3A_234 = arith.constant 0 : i32
      %add3A_235 = vector.broadcast %add3A_234 : i32 to vector<16xi32>
      %add3A_236 = arith.addi %add3A_235, %iota3A_233 : vector<16xi32>
      %broadcast_in_dim3A_237 = arith.constant 0.000000e+00 : f32
      %broadcast_in_dim3A_238 = vector.broadcast %broadcast_in_dim3A_237 : f32 to vector<16xf32>
      %broadcast_in_dim3A_239 = arith.constant 0 : i32
      %broadcast_in_dim3A_240 = vector.broadcast %broadcast_in_dim3A_239 : i32 to vector<16xi32>
      %scan3A_241 = arith.constant 0 : i32
      %scan3A_242 = arith.constant 16 : i32
      %scan3A_243 = arith.addi %scan3A_241, %scan3A_242 : i32
      %scan3A_244 = arith.constant 1 : i32
      %scan3A_245:2 = scf.for %scan3A_613 = %scan3A_241 to %scan3A_243 step %scan3A_244 iter_args(%scan3A_614 = %broadcast_in_dim3A_238, %scan3A_615 = %broadcast_in_dim3A_240) -> (vector<16xf32>, vector<16xi32>)  : i32 {
        %add3A_616 = arith.constant 0 : i32
        %add3A_617 = vector.broadcast %add3A_616 : i32 to vector<16xi32>
        %add3A_618 = arith.addi %scan3A_615, %add3A_617 : vector<16xi32>
        %gather3A_619 = tpu.vector_load_idx %arg8[%add3A_236, %add3A_618] : memref<80x128xf32, #tpu.memory_space<vmem>>[vector<16xi32>, vector<16xi32>], vector<16xf32>,
        %gather3A_620 = tpu.vector_load_idx %arg9[%add3A_236, %add3A_618] : memref<80x128xf32, #tpu.memory_space<vmem>>[vector<16xi32>, vector<16xi32>], vector<16xf32>,
        %sub3A_621 = arith.subf %gather3A_619, %gather3A_620 : vector<16xf32>
        %mul3A_622 = arith.mulf %sub3A_621, %sub3A_621 : vector<16xf32>
        %add3A_623 = arith.addf %scan3A_614, %mul3A_622 : vector<16xf32>
        %add3A_624 = arith.constant 1 : i32
        %add3A_625 = vector.broadcast %add3A_624 : i32 to vector<16xi32>
        %add3A_626 = arith.addi %scan3A_615, %add3A_625 : vector<16xi32>
        %gather3A_627 = tpu.vector_load_idx %arg8[%add3A_236, %add3A_626] : memref<80x128xf32, #tpu.memory_space<vmem>>[vector<16xi32>, vector<16xi32>], vector<16xf32>,
        %gather3A_628 = tpu.vector_load_idx %arg9[%add3A_236, %add3A_626] : memref<80x128xf32, #tpu.memory_space<vmem>>[vector<16xi32>, vector<16xi32>], vector<16xf32>,
        %sub3A_629 = arith.subf %gather3A_627, %gather3A_628 : vector<16xf32>
        %mul3A_630 = arith.mulf %sub3A_629, %sub3A_629 : vector<16xf32>
        %add3A_631 = arith.addf %add3A_623, %mul3A_630 : vector<16xf32>
        %add3A_632 = arith.constant 2 : i32
        %add3A_633 = vector.broadcast %add3A_632 : i32 to vector<16xi32>
        %add3A_634 = arith.addi %scan3A_615, %add3A_633 : vector<16xi32>
        %gather3A_635 = tpu.vector_load_idx %arg8[%add3A_236, %add3A_634] : memref<80x128xf32, #tpu.memory_space<vmem>>[vector<16xi32>, vector<16xi32>], vector<16xf32>,
        %gather3A_636 = tpu.vector_load_idx %arg9[%add3A_236, %add3A_634] : memref<80x128xf32, #tpu.memory_space<vmem>>[vector<16xi32>, vector<16xi32>], vector<16xf32>,
        %sub3A_637 = arith.subf %gather3A_635, %gather3A_636 : vector<16xf32>
        %mul3A_638 = arith.mulf %sub3A_637, %sub3A_637 : vector<16xf32>
        %add3A_639 = arith.addf %add3A_631, %mul3A_638 : vector<16xf32>
        %add3A_640 = arith.constant 3 : i32
        %add3A_641 = vector.broadcast %add3A_640 : i32 to vector<16xi32>
        %add3A_642 = arith.addi %scan3A_615, %add3A_641 : vector<16xi32>
        %gather3A_643 = tpu.vector_load_idx %arg8[%add3A_236, %add3A_642] : memref<80x128xf32, #tpu.memory_space<vmem>>[vector<16xi32>, vector<16xi32>], vector<16xf32>,
        %gather3A_644 = tpu.vector_load_idx %arg9[%add3A_236, %add3A_642] : memref<80x128xf32, #tpu.memory_space<vmem>>[vector<16xi32>, vector<16xi32>], vector<16xf32>,
        %sub3A_645 = arith.subf %gather3A_643, %gather3A_644 : vector<16xf32>
        %mul3A_646 = arith.mulf %sub3A_645, %sub3A_645 : vector<16xf32>
        %add3A_647 = arith.addf %add3A_639, %mul3A_646 : vector<16xf32>
        %add3A_648 = arith.constant 4 : i32
        %add3A_649 = vector.broadcast %add3A_648 : i32 to vector<16xi32>
        %add3A_650 = arith.addi %scan3A_615, %add3A_649 : vector<16xi32>
        %gather3A_651 = tpu.vector_load_idx %arg8[%add3A_236, %add3A_650] : memref<80x128xf32, #tpu.memory_space<vmem>>[vector<16xi32>, vector<16xi32>], vector<16xf32>,
        %gather3A_652 = tpu.vector_load_idx %arg9[%add3A_236, %add3A_650] : memref<80x128xf32, #tpu.memory_space<vmem>>[vector<16xi32>, vector<16xi32>], vector<16xf32>,
        %sub3A_653 = arith.subf %gather3A_651, %gather3A_652 : vector<16xf32>
        %mul3A_654 = arith.mulf %sub3A_653, %sub3A_653 : vector<16xf32>
        %add3A_655 = arith.addf %add3A_647, %mul3A_654 : vector<16xf32>
        %add3A_656 = arith.constant 5 : i32
        %add3A_657 = vector.broadcast %add3A_656 : i32 to vector<16xi32>
        %add3A_658 = arith.addi %scan3A_615, %add3A_657 : vector<16xi32>
        %gather3A_659 = tpu.vector_load_idx %arg8[%add3A_236, %add3A_658] : memref<80x128xf32, #tpu.memory_space<vmem>>[vector<16xi32>, vector<16xi32>], vector<16xf32>,
        %gather3A_660 = tpu.vector_load_idx %arg9[%add3A_236, %add3A_658] : memref<80x128xf32, #tpu.memory_space<vmem>>[vector<16xi32>, vector<16xi32>], vector<16xf32>,
        %sub3A_661 = arith.subf %gather3A_659, %gather3A_660 : vector<16xf32>
        %mul3A_662 = arith.mulf %sub3A_661, %sub3A_661 : vector<16xf32>
        %add3A_663 = arith.addf %add3A_655, %mul3A_662 : vector<16xf32>
        %add3A_664 = arith.constant 6 : i32
        %add3A_665 = vector.broadcast %add3A_664 : i32 to vector<16xi32>
        %add3A_666 = arith.addi %scan3A_615, %add3A_665 : vector<16xi32>
        %gather3A_667 = tpu.vector_load_idx %arg8[%add3A_236, %add3A_666] : memref<80x128xf32, #tpu.memory_space<vmem>>[vector<16xi32>, vector<16xi32>], vector<16xf32>,
        %gather3A_668 = tpu.vector_load_idx %arg9[%add3A_236, %add3A_666] : memref<80x128xf32, #tpu.memory_space<vmem>>[vector<16xi32>, vector<16xi32>], vector<16xf32>,
        %sub3A_669 = arith.subf %gather3A_667, %gather3A_668 : vector<16xf32>
        %mul3A_670 = arith.mulf %sub3A_669, %sub3A_669 : vector<16xf32>
        %add3A_671 = arith.addf %add3A_663, %mul3A_670 : vector<16xf32>
        %add3A_672 = arith.constant 7 : i32
        %add3A_673 = vector.broadcast %add3A_672 : i32 to vector<16xi32>
        %add3A_674 = arith.addi %scan3A_615, %add3A_673 : vector<16xi32>
        %gather3A_675 = tpu.vector_load_idx %arg8[%add3A_236, %add3A_674] : memref<80x128xf32, #tpu.memory_space<vmem>>[vector<16xi32>, vector<16xi32>], vector<16xf32>,
        %gather3A_676 = tpu.vector_load_idx %arg9[%add3A_236, %add3A_674] : memref<80x128xf32, #tpu.memory_space<vmem>>[vector<16xi32>, vector<16xi32>], vector<16xf32>,
        %sub3A_677 = arith.subf %gather3A_675, %gather3A_676 : vector<16xf32>
        %mul3A_678 = arith.mulf %sub3A_677, %sub3A_677 : vector<16xf32>
        %add3A_679 = arith.addf %add3A_671, %mul3A_678 : vector<16xf32>
        %add3A_680 = arith.constant 8 : i32
        %add3A_681 = vector.broadcast %add3A_680 : i32 to vector<16xi32>
        %add3A_682 = arith.addi %scan3A_615, %add3A_681 : vector<16xi32>
        scf.yield %add3A_679, %add3A_682 : vector<16xf32>, vector<16xi32>
      }
      %scan3A_246 = arith.constant 16 : i32
      %broadcast_in_dim3A_247 = arith.constant 127 : i32
      %broadcast_in_dim3A_248 = vector.broadcast %broadcast_in_dim3A_247 : i32 to vector<16xi32>
      %gather3A_249 = tpu.vector_load_idx %arg8[%add3A_236, %broadcast_in_dim3A_248] : memref<80x128xf32, #tpu.memory_space<vmem>>[vector<16xi32>, vector<16xi32>], vector<16xf32>,
      %gather3A_250 = tpu.vector_load_idx %arg9[%add3A_236, %broadcast_in_dim3A_248] : memref<80x128xf32, #tpu.memory_space<vmem>>[vector<16xi32>, vector<16xi32>], vector<16xf32>,
      %sub3A_251 = arith.subf %gather3A_249, %gather3A_250 : vector<16xf32>
      %mul3A_252 = arith.mulf %sub3A_251, %sub3A_251 : vector<16xf32>
      %sub3A_253 = arith.subf %scan3A_245#0, %mul3A_252 : vector<16xf32>
      %neg3A_254 = arith.constant 0.000000e+00 : f32
      %neg3A_255 = vector.broadcast %neg3A_254 : f32 to vector<16xf32>
      %neg3A_256 = arith.subf %neg3A_255, %gather3A_250 : vector<16xf32>
      %exp3A_257 = math.exp %neg3A_256 : vector<16xf32>
      %mul3A_258 = arith.mulf %sub3A_253, %exp3A_257 : vector<16xf32>
      %add3A_259 = arith.constant 1.000000e+00 : f32
      %add3A_260 = vector.broadcast %add3A_259 : f32 to vector<16xf32>
      %add3A_261 = arith.addf %add3A_260, %mul3A_258 : vector<16xf32>
      %div3A_262 = arith.constant 1.000000e+00 : f32
      %div3A_263 = vector.broadcast %div3A_262 : f32 to vector<16xf32>
      %div3A_264 = arith.divf %div3A_263, %add3A_261 : vector<16xf32>
      %swap3A_265 = arith.index_cast %mul3A_206 : i32 to index
      %swap3A_266 = arith.constant 0 : index
      %swap3A_267 = tpu.vector_load %arg12[%swap3A_265, %swap3A_266] {strides = array<i32>} : memref<125x80xf32, #tpu.memory_space<vmem>>, vector<16xf32>,
      tpu.vector_store %arg12[%swap3A_265, %swap3A_266], %div3A_264 {strides = array<i32>} : memref<125x80xf32, #tpu.memory_space<vmem>>, vector<16xf32>,
      %iota3A_268 = tpu.iota {dimensions = array<i32: 0>} : vector<16xi32>
      %add3A_269 = arith.constant 16 : i32
      %add3A_270 = vector.broadcast %add3A_269 : i32 to vector<16xi32>
      %add3A_271 = arith.addi %add3A_270, %iota3A_268 : vector<16xi32>
      %broadcast_in_dim3A_272 = arith.constant 0.000000e+00 : f32
      %broadcast_in_dim3A_273 = vector.broadcast %broadcast_in_dim3A_272 : f32 to vector<16xf32>
      %broadcast_in_dim3A_274 = arith.constant 0 : i32
      %broadcast_in_dim3A_275 = vector.broadcast %broadcast_in_dim3A_274 : i32 to vector<16xi32>
      %scan3A_276 = arith.constant 0 : i32
      %scan3A_277 = arith.constant 16 : i32
      %scan3A_278 = arith.addi %scan3A_276, %scan3A_277 : i32
      %scan3A_279 = arith.constant 1 : i32
      %scan3A_280:2 = scf.for %scan3A_613 = %scan3A_276 to %scan3A_278 step %scan3A_279 iter_args(%scan3A_614 = %broadcast_in_dim3A_273, %scan3A_615 = %broadcast_in_dim3A_275) -> (vector<16xf32>, vector<16xi32>)  : i32 {
        %add3A_616 = arith.constant 0 : i32
        %add3A_617 = vector.broadcast %add3A_616 : i32 to vector<16xi32>
        %add3A_618 = arith.addi %scan3A_615, %add3A_617 : vector<16xi32>
        %gather3A_619 = tpu.vector_load_idx %arg8[%add3A_271, %add3A_618] : memref<80x128xf32, #tpu.memory_space<vmem>>[vector<16xi32>, vector<16xi32>], vector<16xf32>,
        %gather3A_620 = tpu.vector_load_idx %arg9[%add3A_271, %add3A_618] : memref<80x128xf32, #tpu.memory_space<vmem>>[vector<16xi32>, vector<16xi32>], vector<16xf32>,
        %sub3A_621 = arith.subf %gather3A_619, %gather3A_620 : vector<16xf32>
        %mul3A_622 = arith.mulf %sub3A_621, %sub3A_621 : vector<16xf32>
        %add3A_623 = arith.addf %scan3A_614, %mul3A_622 : vector<16xf32>
        %add3A_624 = arith.constant 1 : i32
        %add3A_625 = vector.broadcast %add3A_624 : i32 to vector<16xi32>
        %add3A_626 = arith.addi %scan3A_615, %add3A_625 : vector<16xi32>
        %gather3A_627 = tpu.vector_load_idx %arg8[%add3A_271, %add3A_626] : memref<80x128xf32, #tpu.memory_space<vmem>>[vector<16xi32>, vector<16xi32>], vector<16xf32>,
        %gather3A_628 = tpu.vector_load_idx %arg9[%add3A_271, %add3A_626] : memref<80x128xf32, #tpu.memory_space<vmem>>[vector<16xi32>, vector<16xi32>], vector<16xf32>,
        %sub3A_629 = arith.subf %gather3A_627, %gather3A_628 : vector<16xf32>
        %mul3A_630 = arith.mulf %sub3A_629, %sub3A_629 : vector<16xf32>
        %add3A_631 = arith.addf %add3A_623, %mul3A_630 : vector<16xf32>
        %add3A_632 = arith.constant 2 : i32
        %add3A_633 = vector.broadcast %add3A_632 : i32 to vector<16xi32>
        %add3A_634 = arith.addi %scan3A_615, %add3A_633 : vector<16xi32>
        %gather3A_635 = tpu.vector_load_idx %arg8[%add3A_271, %add3A_634] : memref<80x128xf32, #tpu.memory_space<vmem>>[vector<16xi32>, vector<16xi32>], vector<16xf32>,
        %gather3A_636 = tpu.vector_load_idx %arg9[%add3A_271, %add3A_634] : memref<80x128xf32, #tpu.memory_space<vmem>>[vector<16xi32>, vector<16xi32>], vector<16xf32>,
        %sub3A_637 = arith.subf %gather3A_635, %gather3A_636 : vector<16xf32>
        %mul3A_638 = arith.mulf %sub3A_637, %sub3A_637 : vector<16xf32>
        %add3A_639 = arith.addf %add3A_631, %mul3A_638 : vector<16xf32>
        %add3A_640 = arith.constant 3 : i32
        %add3A_641 = vector.broadcast %add3A_640 : i32 to vector<16xi32>
        %add3A_642 = arith.addi %scan3A_615, %add3A_641 : vector<16xi32>
        %gather3A_643 = tpu.vector_load_idx %arg8[%add3A_271, %add3A_642] : memref<80x128xf32, #tpu.memory_space<vmem>>[vector<16xi32>, vector<16xi32>], vector<16xf32>,
        %gather3A_644 = tpu.vector_load_idx %arg9[%add3A_271, %add3A_642] : memref<80x128xf32, #tpu.memory_space<vmem>>[vector<16xi32>, vector<16xi32>], vector<16xf32>,
        %sub3A_645 = arith.subf %gather3A_643, %gather3A_644 : vector<16xf32>
        %mul3A_646 = arith.mulf %sub3A_645, %sub3A_645 : vector<16xf32>
        %add3A_647 = arith.addf %add3A_639, %mul3A_646 : vector<16xf32>
        %add3A_648 = arith.constant 4 : i32
        %add3A_649 = vector.broadcast %add3A_648 : i32 to vector<16xi32>
        %add3A_650 = arith.addi %scan3A_615, %add3A_649 : vector<16xi32>
        %gather3A_651 = tpu.vector_load_idx %arg8[%add3A_271, %add3A_650] : memref<80x128xf32, #tpu.memory_space<vmem>>[vector<16xi32>, vector<16xi32>], vector<16xf32>,
        %gather3A_652 = tpu.vector_load_idx %arg9[%add3A_271, %add3A_650] : memref<80x128xf32, #tpu.memory_space<vmem>>[vector<16xi32>, vector<16xi32>], vector<16xf32>,
        %sub3A_653 = arith.subf %gather3A_651, %gather3A_652 : vector<16xf32>
        %mul3A_654 = arith.mulf %sub3A_653, %sub3A_653 : vector<16xf32>
        %add3A_655 = arith.addf %add3A_647, %mul3A_654 : vector<16xf32>
        %add3A_656 = arith.constant 5 : i32
        %add3A_657 = vector.broadcast %add3A_656 : i32 to vector<16xi32>
        %add3A_658 = arith.addi %scan3A_615, %add3A_657 : vector<16xi32>
        %gather3A_659 = tpu.vector_load_idx %arg8[%add3A_271, %add3A_658] : memref<80x128xf32, #tpu.memory_space<vmem>>[vector<16xi32>, vector<16xi32>], vector<16xf32>,
        %gather3A_660 = tpu.vector_load_idx %arg9[%add3A_271, %add3A_658] : memref<80x128xf32, #tpu.memory_space<vmem>>[vector<16xi32>, vector<16xi32>], vector<16xf32>,
        %sub3A_661 = arith.subf %gather3A_659, %gather3A_660 : vector<16xf32>
        %mul3A_662 = arith.mulf %sub3A_661, %sub3A_661 : vector<16xf32>
        %add3A_663 = arith.addf %add3A_655, %mul3A_662 : vector<16xf32>
        %add3A_664 = arith.constant 6 : i32
        %add3A_665 = vector.broadcast %add3A_664 : i32 to vector<16xi32>
        %add3A_666 = arith.addi %scan3A_615, %add3A_665 : vector<16xi32>
        %gather3A_667 = tpu.vector_load_idx %arg8[%add3A_271, %add3A_666] : memref<80x128xf32, #tpu.memory_space<vmem>>[vector<16xi32>, vector<16xi32>], vector<16xf32>,
        %gather3A_668 = tpu.vector_load_idx %arg9[%add3A_271, %add3A_666] : memref<80x128xf32, #tpu.memory_space<vmem>>[vector<16xi32>, vector<16xi32>], vector<16xf32>,
        %sub3A_669 = arith.subf %gather3A_667, %gather3A_668 : vector<16xf32>
        %mul3A_670 = arith.mulf %sub3A_669, %sub3A_669 : vector<16xf32>
        %add3A_671 = arith.addf %add3A_663, %mul3A_670 : vector<16xf32>
        %add3A_672 = arith.constant 7 : i32
        %add3A_673 = vector.broadcast %add3A_672 : i32 to vector<16xi32>
        %add3A_674 = arith.addi %scan3A_615, %add3A_673 : vector<16xi32>
        %gather3A_675 = tpu.vector_load_idx %arg8[%add3A_271, %add3A_674] : memref<80x128xf32, #tpu.memory_space<vmem>>[vector<16xi32>, vector<16xi32>], vector<16xf32>,
        %gather3A_676 = tpu.vector_load_idx %arg9[%add3A_271, %add3A_674] : memref<80x128xf32, #tpu.memory_space<vmem>>[vector<16xi32>, vector<16xi32>], vector<16xf32>,
        %sub3A_677 = arith.subf %gather3A_675, %gather3A_676 : vector<16xf32>
        %mul3A_678 = arith.mulf %sub3A_677, %sub3A_677 : vector<16xf32>
        %add3A_679 = arith.addf %add3A_671, %mul3A_678 : vector<16xf32>
        %add3A_680 = arith.constant 8 : i32
        %add3A_681 = vector.broadcast %add3A_680 : i32 to vector<16xi32>
        %add3A_682 = arith.addi %scan3A_615, %add3A_681 : vector<16xi32>
        scf.yield %add3A_679, %add3A_682 : vector<16xf32>, vector<16xi32>
      }
      %scan3A_281 = arith.constant 16 : i32
      %broadcast_in_dim3A_282 = arith.constant 127 : i32
      %broadcast_in_dim3A_283 = vector.broadcast %broadcast_in_dim3A_282 : i32 to vector<16xi32>
      %gather3A_284 = tpu.vector_load_idx %arg8[%add3A_271, %broadcast_in_dim3A_283] : memref<80x128xf32, #tpu.memory_space<vmem>>[vector<16xi32>, vector<16xi32>], vector<16xf32>,
      %gather3A_285 = tpu.vector_load_idx %arg9[%add3A_271, %broadcast_in_dim3A_283] : memref<80x128xf32, #tpu.memory_space<vmem>>[vector<16xi32>, vector<16xi32>], vector<16xf32>,
      %sub3A_286 = arith.subf %gather3A_284, %gather3A_285 : vector<16xf32>
      %mul3A_287 = arith.mulf %sub3A_286, %sub3A_286 : vector<16xf32>
      %sub3A_288 = arith.subf %scan3A_280#0, %mul3A_287 : vector<16xf32>
      %neg3A_289 = arith.constant 0.000000e+00 : f32
      %neg3A_290 = vector.broadcast %neg3A_289 : f32 to vector<16xf32>
      %neg3A_291 = arith.subf %neg3A_290, %gather3A_285 : vector<16xf32>
      %exp3A_292 = math.exp %neg3A_291 : vector<16xf32>
      %mul3A_293 = arith.mulf %sub3A_288, %exp3A_292 : vector<16xf32>
      %add3A_294 = arith.constant 1.000000e+00 : f32
      %add3A_295 = vector.broadcast %add3A_294 : f32 to vector<16xf32>
      %add3A_296 = arith.addf %add3A_295, %mul3A_293 : vector<16xf32>
      %div3A_297 = arith.constant 1.000000e+00 : f32
      %div3A_298 = vector.broadcast %div3A_297 : f32 to vector<16xf32>
      %div3A_299 = arith.divf %div3A_298, %add3A_296 : vector<16xf32>
      %swap3A_300 = arith.index_cast %mul3A_206 : i32 to index
      %swap3A_301 = arith.constant 16 : index
      %swap3A_302 = tpu.vector_load %arg12[%swap3A_300, %swap3A_301] {strides = array<i32>} : memref<125x80xf32, #tpu.memory_space<vmem>>, vector<16xf32>,
      tpu.vector_store %arg12[%swap3A_300, %swap3A_301], %div3A_299 {strides = array<i32>} : memref<125x80xf32, #tpu.memory_space<vmem>>, vector<16xf32>,
      %iota3A_303 = tpu.iota {dimensions = array<i32: 0>} : vector<16xi32>
      %add3A_304 = arith.constant 32 : i32
      %add3A_305 = vector.broadcast %add3A_304 : i32 to vector<16xi32>
      %add3A_306 = arith.addi %add3A_305, %iota3A_303 : vector<16xi32>
      %broadcast_in_dim3A_307 = arith.constant 0.000000e+00 : f32
      %broadcast_in_dim3A_308 = vector.broadcast %broadcast_in_dim3A_307 : f32 to vector<16xf32>
      %broadcast_in_dim3A_309 = arith.constant 0 : i32
      %broadcast_in_dim3A_310 = vector.broadcast %broadcast_in_dim3A_309 : i32 to vector<16xi32>
      %scan3A_311 = arith.constant 0 : i32
      %scan3A_312 = arith.constant 16 : i32
      %scan3A_313 = arith.addi %scan3A_311, %scan3A_312 : i32
      %scan3A_314 = arith.constant 1 : i32
      %scan3A_315:2 = scf.for %scan3A_613 = %scan3A_311 to %scan3A_313 step %scan3A_314 iter_args(%scan3A_614 = %broadcast_in_dim3A_308, %scan3A_615 = %broadcast_in_dim3A_310) -> (vector<16xf32>, vector<16xi32>)  : i32 {
        %add3A_616 = arith.constant 0 : i32
        %add3A_617 = vector.broadcast %add3A_616 : i32 to vector<16xi32>
        %add3A_618 = arith.addi %scan3A_615, %add3A_617 : vector<16xi32>
        %gather3A_619 = tpu.vector_load_idx %arg8[%add3A_306, %add3A_618] : memref<80x128xf32, #tpu.memory_space<vmem>>[vector<16xi32>, vector<16xi32>], vector<16xf32>,
        %gather3A_620 = tpu.vector_load_idx %arg9[%add3A_306, %add3A_618] : memref<80x128xf32, #tpu.memory_space<vmem>>[vector<16xi32>, vector<16xi32>], vector<16xf32>,
        %sub3A_621 = arith.subf %gather3A_619, %gather3A_620 : vector<16xf32>
        %mul3A_622 = arith.mulf %sub3A_621, %sub3A_621 : vector<16xf32>
        %add3A_623 = arith.addf %scan3A_614, %mul3A_622 : vector<16xf32>
        %add3A_624 = arith.constant 1 : i32
        %add3A_625 = vector.broadcast %add3A_624 : i32 to vector<16xi32>
        %add3A_626 = arith.addi %scan3A_615, %add3A_625 : vector<16xi32>
        %gather3A_627 = tpu.vector_load_idx %arg8[%add3A_306, %add3A_626] : memref<80x128xf32, #tpu.memory_space<vmem>>[vector<16xi32>, vector<16xi32>], vector<16xf32>,
        %gather3A_628 = tpu.vector_load_idx %arg9[%add3A_306, %add3A_626] : memref<80x128xf32, #tpu.memory_space<vmem>>[vector<16xi32>, vector<16xi32>], vector<16xf32>,
        %sub3A_629 = arith.subf %gather3A_627, %gather3A_628 : vector<16xf32>
        %mul3A_630 = arith.mulf %sub3A_629, %sub3A_629 : vector<16xf32>
        %add3A_631 = arith.addf %add3A_623, %mul3A_630 : vector<16xf32>
        %add3A_632 = arith.constant 2 : i32
        %add3A_633 = vector.broadcast %add3A_632 : i32 to vector<16xi32>
        %add3A_634 = arith.addi %scan3A_615, %add3A_633 : vector<16xi32>
        %gather3A_635 = tpu.vector_load_idx %arg8[%add3A_306, %add3A_634] : memref<80x128xf32, #tpu.memory_space<vmem>>[vector<16xi32>, vector<16xi32>], vector<16xf32>,
        %gather3A_636 = tpu.vector_load_idx %arg9[%add3A_306, %add3A_634] : memref<80x128xf32, #tpu.memory_space<vmem>>[vector<16xi32>, vector<16xi32>], vector<16xf32>,
        %sub3A_637 = arith.subf %gather3A_635, %gather3A_636 : vector<16xf32>
        %mul3A_638 = arith.mulf %sub3A_637, %sub3A_637 : vector<16xf32>
        %add3A_639 = arith.addf %add3A_631, %mul3A_638 : vector<16xf32>
        %add3A_640 = arith.constant 3 : i32
        %add3A_641 = vector.broadcast %add3A_640 : i32 to vector<16xi32>
        %add3A_642 = arith.addi %scan3A_615, %add3A_641 : vector<16xi32>
        %gather3A_643 = tpu.vector_load_idx %arg8[%add3A_306, %add3A_642] : memref<80x128xf32, #tpu.memory_space<vmem>>[vector<16xi32>, vector<16xi32>], vector<16xf32>,
        %gather3A_644 = tpu.vector_load_idx %arg9[%add3A_306, %add3A_642] : memref<80x128xf32, #tpu.memory_space<vmem>>[vector<16xi32>, vector<16xi32>], vector<16xf32>,
        %sub3A_645 = arith.subf %gather3A_643, %gather3A_644 : vector<16xf32>
        %mul3A_646 = arith.mulf %sub3A_645, %sub3A_645 : vector<16xf32>
        %add3A_647 = arith.addf %add3A_639, %mul3A_646 : vector<16xf32>
        %add3A_648 = arith.constant 4 : i32
        %add3A_649 = vector.broadcast %add3A_648 : i32 to vector<16xi32>
        %add3A_650 = arith.addi %scan3A_615, %add3A_649 : vector<16xi32>
        %gather3A_651 = tpu.vector_load_idx %arg8[%add3A_306, %add3A_650] : memref<80x128xf32, #tpu.memory_space<vmem>>[vector<16xi32>, vector<16xi32>], vector<16xf32>,
        %gather3A_652 = tpu.vector_load_idx %arg9[%add3A_306, %add3A_650] : memref<80x128xf32, #tpu.memory_space<vmem>>[vector<16xi32>, vector<16xi32>], vector<16xf32>,
        %sub3A_653 = arith.subf %gather3A_651, %gather3A_652 : vector<16xf32>
        %mul3A_654 = arith.mulf %sub3A_653, %sub3A_653 : vector<16xf32>
        %add3A_655 = arith.addf %add3A_647, %mul3A_654 : vector<16xf32>
        %add3A_656 = arith.constant 5 : i32
        %add3A_657 = vector.broadcast %add3A_656 : i32 to vector<16xi32>
        %add3A_658 = arith.addi %scan3A_615, %add3A_657 : vector<16xi32>
        %gather3A_659 = tpu.vector_load_idx %arg8[%add3A_306, %add3A_658] : memref<80x128xf32, #tpu.memory_space<vmem>>[vector<16xi32>, vector<16xi32>], vector<16xf32>,
        %gather3A_660 = tpu.vector_load_idx %arg9[%add3A_306, %add3A_658] : memref<80x128xf32, #tpu.memory_space<vmem>>[vector<16xi32>, vector<16xi32>], vector<16xf32>,
        %sub3A_661 = arith.subf %gather3A_659, %gather3A_660 : vector<16xf32>
        %mul3A_662 = arith.mulf %sub3A_661, %sub3A_661 : vector<16xf32>
        %add3A_663 = arith.addf %add3A_655, %mul3A_662 : vector<16xf32>
        %add3A_664 = arith.constant 6 : i32
        %add3A_665 = vector.broadcast %add3A_664 : i32 to vector<16xi32>
        %add3A_666 = arith.addi %scan3A_615, %add3A_665 : vector<16xi32>
        %gather3A_667 = tpu.vector_load_idx %arg8[%add3A_306, %add3A_666] : memref<80x128xf32, #tpu.memory_space<vmem>>[vector<16xi32>, vector<16xi32>], vector<16xf32>,
        %gather3A_668 = tpu.vector_load_idx %arg9[%add3A_306, %add3A_666] : memref<80x128xf32, #tpu.memory_space<vmem>>[vector<16xi32>, vector<16xi32>], vector<16xf32>,
        %sub3A_669 = arith.subf %gather3A_667, %gather3A_668 : vector<16xf32>
        %mul3A_670 = arith.mulf %sub3A_669, %sub3A_669 : vector<16xf32>
        %add3A_671 = arith.addf %add3A_663, %mul3A_670 : vector<16xf32>
        %add3A_672 = arith.constant 7 : i32
        %add3A_673 = vector.broadcast %add3A_672 : i32 to vector<16xi32>
        %add3A_674 = arith.addi %scan3A_615, %add3A_673 : vector<16xi32>
        %gather3A_675 = tpu.vector_load_idx %arg8[%add3A_306, %add3A_674] : memref<80x128xf32, #tpu.memory_space<vmem>>[vector<16xi32>, vector<16xi32>], vector<16xf32>,
        %gather3A_676 = tpu.vector_load_idx %arg9[%add3A_306, %add3A_674] : memref<80x128xf32, #tpu.memory_space<vmem>>[vector<16xi32>, vector<16xi32>], vector<16xf32>,
        %sub3A_677 = arith.subf %gather3A_675, %gather3A_676 : vector<16xf32>
        %mul3A_678 = arith.mulf %sub3A_677, %sub3A_677 : vector<16xf32>
        %add3A_679 = arith.addf %add3A_671, %mul3A_678 : vector<16xf32>
        %add3A_680 = arith.constant 8 : i32
        %add3A_681 = vector.broadcast %add3A_680 : i32 to vector<16xi32>
        %add3A_682 = arith.addi %scan3A_615, %add3A_681 : vector<16xi32>
        scf.yield %add3A_679, %add3A_682 : vector<16xf32>, vector<16xi32>
      }
      %scan3A_316 = arith.constant 16 : i32
      %broadcast_in_dim3A_317 = arith.constant 127 : i32
      %broadcast_in_dim3A_318 = vector.broadcast %broadcast_in_dim3A_317 : i32 to vector<16xi32>
      %gather3A_319 = tpu.vector_load_idx %arg8[%add3A_306, %broadcast_in_dim3A_318] : memref<80x128xf32, #tpu.memory_space<vmem>>[vector<16xi32>, vector<16xi32>], vector<16xf32>,
      %gather3A_320 = tpu.vector_load_idx %arg9[%add3A_306, %broadcast_in_dim3A_318] : memref<80x128xf32, #tpu.memory_space<vmem>>[vector<16xi32>, vector<16xi32>], vector<16xf32>,
      %sub3A_321 = arith.subf %gather3A_319, %gather3A_320 : vector<16xf32>
      %mul3A_322 = arith.mulf %sub3A_321, %sub3A_321 : vector<16xf32>
      %sub3A_323 = arith.subf %scan3A_315#0, %mul3A_322 : vector<16xf32>
      %neg3A_324 = arith.constant 0.000000e+00 : f32
      %neg3A_325 = vector.broadcast %neg3A_324 : f32 to vector<16xf32>
      %neg3A_326 = arith.subf %neg3A_325, %gather3A_320 : vector<16xf32>
      %exp3A_327 = math.exp %neg3A_326 : vector<16xf32>
      %mul3A_328 = arith.mulf %sub3A_323, %exp3A_327 : vector<16xf32>
      %add3A_329 = arith.constant 1.000000e+00 : f32
      %add3A_330 = vector.broadcast %add3A_329 : f32 to vector<16xf32>
      %add3A_331 = arith.addf %add3A_330, %mul3A_328 : vector<16xf32>
      %div3A_332 = arith.constant 1.000000e+00 : f32
      %div3A_333 = vector.broadcast %div3A_332 : f32 to vector<16xf32>
      %div3A_334 = arith.divf %div3A_333, %add3A_331 : vector<16xf32>
      %swap3A_335 = arith.index_cast %mul3A_206 : i32 to index
      %swap3A_336 = arith.constant 32 : index
      %swap3A_337 = tpu.vector_load %arg12[%swap3A_335, %swap3A_336] {strides = array<i32>} : memref<125x80xf32, #tpu.memory_space<vmem>>, vector<16xf32>,
      tpu.vector_store %arg12[%swap3A_335, %swap3A_336], %div3A_334 {strides = array<i32>} : memref<125x80xf32, #tpu.memory_space<vmem>>, vector<16xf32>,
      %iota3A_338 = tpu.iota {dimensions = array<i32: 0>} : vector<16xi32>
      %add3A_339 = arith.constant 48 : i32
      %add3A_340 = vector.broadcast %add3A_339 : i32 to vector<16xi32>
      %add3A_341 = arith.addi %add3A_340, %iota3A_338 : vector<16xi32>
      %broadcast_in_dim3A_342 = arith.constant 0.000000e+00 : f32
      %broadcast_in_dim3A_343 = vector.broadcast %broadcast_in_dim3A_342 : f32 to vector<16xf32>
      %broadcast_in_dim3A_344 = arith.constant 0 : i32
      %broadcast_in_dim3A_345 = vector.broadcast %broadcast_in_dim3A_344 : i32 to vector<16xi32>
      %scan3A_346 = arith.constant 0 : i32
      %scan3A_347 = arith.constant 16 : i32
      %scan3A_348 = arith.addi %scan3A_346, %scan3A_347 : i32
      %scan3A_349 = arith.constant 1 : i32
      %scan3A_350:2 = scf.for %scan3A_613 = %scan3A_346 to %scan3A_348 step %scan3A_349 iter_args(%scan3A_614 = %broadcast_in_dim3A_343, %scan3A_615 = %broadcast_in_dim3A_345) -> (vector<16xf32>, vector<16xi32>)  : i32 {
        %add3A_616 = arith.constant 0 : i32
        %add3A_617 = vector.broadcast %add3A_616 : i32 to vector<16xi32>
        %add3A_618 = arith.addi %scan3A_615, %add3A_617 : vector<16xi32>
        %gather3A_619 = tpu.vector_load_idx %arg8[%add3A_341, %add3A_618] : memref<80x128xf32, #tpu.memory_space<vmem>>[vector<16xi32>, vector<16xi32>], vector<16xf32>,
        %gather3A_620 = tpu.vector_load_idx %arg9[%add3A_341, %add3A_618] : memref<80x128xf32, #tpu.memory_space<vmem>>[vector<16xi32>, vector<16xi32>], vector<16xf32>,
        %sub3A_621 = arith.subf %gather3A_619, %gather3A_620 : vector<16xf32>
        %mul3A_622 = arith.mulf %sub3A_621, %sub3A_621 : vector<16xf32>
        %add3A_623 = arith.addf %scan3A_614, %mul3A_622 : vector<16xf32>
        %add3A_624 = arith.constant 1 : i32
        %add3A_625 = vector.broadcast %add3A_624 : i32 to vector<16xi32>
        %add3A_626 = arith.addi %scan3A_615, %add3A_625 : vector<16xi32>
        %gather3A_627 = tpu.vector_load_idx %arg8[%add3A_341, %add3A_626] : memref<80x128xf32, #tpu.memory_space<vmem>>[vector<16xi32>, vector<16xi32>], vector<16xf32>,
        %gather3A_628 = tpu.vector_load_idx %arg9[%add3A_341, %add3A_626] : memref<80x128xf32, #tpu.memory_space<vmem>>[vector<16xi32>, vector<16xi32>], vector<16xf32>,
        %sub3A_629 = arith.subf %gather3A_627, %gather3A_628 : vector<16xf32>
        %mul3A_630 = arith.mulf %sub3A_629, %sub3A_629 : vector<16xf32>
        %add3A_631 = arith.addf %add3A_623, %mul3A_630 : vector<16xf32>
        %add3A_632 = arith.constant 2 : i32
        %add3A_633 = vector.broadcast %add3A_632 : i32 to vector<16xi32>
        %add3A_634 = arith.addi %scan3A_615, %add3A_633 : vector<16xi32>
        %gather3A_635 = tpu.vector_load_idx %arg8[%add3A_341, %add3A_634] : memref<80x128xf32, #tpu.memory_space<vmem>>[vector<16xi32>, vector<16xi32>], vector<16xf32>,
        %gather3A_636 = tpu.vector_load_idx %arg9[%add3A_341, %add3A_634] : memref<80x128xf32, #tpu.memory_space<vmem>>[vector<16xi32>, vector<16xi32>], vector<16xf32>,
        %sub3A_637 = arith.subf %gather3A_635, %gather3A_636 : vector<16xf32>
        %mul3A_638 = arith.mulf %sub3A_637, %sub3A_637 : vector<16xf32>
        %add3A_639 = arith.addf %add3A_631, %mul3A_638 : vector<16xf32>
        %add3A_640 = arith.constant 3 : i32
        %add3A_641 = vector.broadcast %add3A_640 : i32 to vector<16xi32>
        %add3A_642 = arith.addi %scan3A_615, %add3A_641 : vector<16xi32>
        %gather3A_643 = tpu.vector_load_idx %arg8[%add3A_341, %add3A_642] : memref<80x128xf32, #tpu.memory_space<vmem>>[vector<16xi32>, vector<16xi32>], vector<16xf32>,
        %gather3A_644 = tpu.vector_load_idx %arg9[%add3A_341, %add3A_642] : memref<80x128xf32, #tpu.memory_space<vmem>>[vector<16xi32>, vector<16xi32>], vector<16xf32>,
        %sub3A_645 = arith.subf %gather3A_643, %gather3A_644 : vector<16xf32>
        %mul3A_646 = arith.mulf %sub3A_645, %sub3A_645 : vector<16xf32>
        %add3A_647 = arith.addf %add3A_639, %mul3A_646 : vector<16xf32>
        %add3A_648 = arith.constant 4 : i32
        %add3A_649 = vector.broadcast %add3A_648 : i32 to vector<16xi32>
        %add3A_650 = arith.addi %scan3A_615, %add3A_649 : vector<16xi32>
        %gather3A_651 = tpu.vector_load_idx %arg8[%add3A_341, %add3A_650] : memref<80x128xf32, #tpu.memory_space<vmem>>[vector<16xi32>, vector<16xi32>], vector<16xf32>,
        %gather3A_652 = tpu.vector_load_idx %arg9[%add3A_341, %add3A_650] : memref<80x128xf32, #tpu.memory_space<vmem>>[vector<16xi32>, vector<16xi32>], vector<16xf32>,
        %sub3A_653 = arith.subf %gather3A_651, %gather3A_652 : vector<16xf32>
        %mul3A_654 = arith.mulf %sub3A_653, %sub3A_653 : vector<16xf32>
        %add3A_655 = arith.addf %add3A_647, %mul3A_654 : vector<16xf32>
        %add3A_656 = arith.constant 5 : i32
        %add3A_657 = vector.broadcast %add3A_656 : i32 to vector<16xi32>
        %add3A_658 = arith.addi %scan3A_615, %add3A_657 : vector<16xi32>
        %gather3A_659 = tpu.vector_load_idx %arg8[%add3A_341, %add3A_658] : memref<80x128xf32, #tpu.memory_space<vmem>>[vector<16xi32>, vector<16xi32>], vector<16xf32>,
        %gather3A_660 = tpu.vector_load_idx %arg9[%add3A_341, %add3A_658] : memref<80x128xf32, #tpu.memory_space<vmem>>[vector<16xi32>, vector<16xi32>], vector<16xf32>,
        %sub3A_661 = arith.subf %gather3A_659, %gather3A_660 : vector<16xf32>
        %mul3A_662 = arith.mulf %sub3A_661, %sub3A_661 : vector<16xf32>
        %add3A_663 = arith.addf %add3A_655, %mul3A_662 : vector<16xf32>
        %add3A_664 = arith.constant 6 : i32
        %add3A_665 = vector.broadcast %add3A_664 : i32 to vector<16xi32>
        %add3A_666 = arith.addi %scan3A_615, %add3A_665 : vector<16xi32>
        %gather3A_667 = tpu.vector_load_idx %arg8[%add3A_341, %add3A_666] : memref<80x128xf32, #tpu.memory_space<vmem>>[vector<16xi32>, vector<16xi32>], vector<16xf32>,
        %gather3A_668 = tpu.vector_load_idx %arg9[%add3A_341, %add3A_666] : memref<80x128xf32, #tpu.memory_space<vmem>>[vector<16xi32>, vector<16xi32>], vector<16xf32>,
        %sub3A_669 = arith.subf %gather3A_667, %gather3A_668 : vector<16xf32>
        %mul3A_670 = arith.mulf %sub3A_669, %sub3A_669 : vector<16xf32>
        %add3A_671 = arith.addf %add3A_663, %mul3A_670 : vector<16xf32>
        %add3A_672 = arith.constant 7 : i32
        %add3A_673 = vector.broadcast %add3A_672 : i32 to vector<16xi32>
        %add3A_674 = arith.addi %scan3A_615, %add3A_673 : vector<16xi32>
        %gather3A_675 = tpu.vector_load_idx %arg8[%add3A_341, %add3A_674] : memref<80x128xf32, #tpu.memory_space<vmem>>[vector<16xi32>, vector<16xi32>], vector<16xf32>,
        %gather3A_676 = tpu.vector_load_idx %arg9[%add3A_341, %add3A_674] : memref<80x128xf32, #tpu.memory_space<vmem>>[vector<16xi32>, vector<16xi32>], vector<16xf32>,
        %sub3A_677 = arith.subf %gather3A_675, %gather3A_676 : vector<16xf32>
        %mul3A_678 = arith.mulf %sub3A_677, %sub3A_677 : vector<16xf32>
        %add3A_679 = arith.addf %add3A_671, %mul3A_678 : vector<16xf32>
        %add3A_680 = arith.constant 8 : i32
        %add3A_681 = vector.broadcast %add3A_680 : i32 to vector<16xi32>
        %add3A_682 = arith.addi %scan3A_615, %add3A_681 : vector<16xi32>
        scf.yield %add3A_679, %add3A_682 : vector<16xf32>, vector<16xi32>
      }
      %scan3A_351 = arith.constant 16 : i32
      %broadcast_in_dim3A_352 = arith.constant 127 : i32
      %broadcast_in_dim3A_353 = vector.broadcast %broadcast_in_dim3A_352 : i32 to vector<16xi32>
      %gather3A_354 = tpu.vector_load_idx %arg8[%add3A_341, %broadcast_in_dim3A_353] : memref<80x128xf32, #tpu.memory_space<vmem>>[vector<16xi32>, vector<16xi32>], vector<16xf32>,
      %gather3A_355 = tpu.vector_load_idx %arg9[%add3A_341, %broadcast_in_dim3A_353] : memref<80x128xf32, #tpu.memory_space<vmem>>[vector<16xi32>, vector<16xi32>], vector<16xf32>,
      %sub3A_356 = arith.subf %gather3A_354, %gather3A_355 : vector<16xf32>
      %mul3A_357 = arith.mulf %sub3A_356, %sub3A_356 : vector<16xf32>
      %sub3A_358 = arith.subf %scan3A_350#0, %mul3A_357 : vector<16xf32>
      %neg3A_359 = arith.constant 0.000000e+00 : f32
      %neg3A_360 = vector.broadcast %neg3A_359 : f32 to vector<16xf32>
      %neg3A_361 = arith.subf %neg3A_360, %gather3A_355 : vector<16xf32>
      %exp3A_362 = math.exp %neg3A_361 : vector<16xf32>
      %mul3A_363 = arith.mulf %sub3A_358, %exp3A_362 : vector<16xf32>
      %add3A_364 = arith.constant 1.000000e+00 : f32
      %add3A_365 = vector.broadcast %add3A_364 : f32 to vector<16xf32>
      %add3A_366 = arith.addf %add3A_365, %mul3A_363 : vector<16xf32>
      %div3A_367 = arith.constant 1.000000e+00 : f32
      %div3A_368 = vector.broadcast %div3A_367 : f32 to vector<16xf32>
      %div3A_369 = arith.divf %div3A_368, %add3A_366 : vector<16xf32>
      %swap3A_370 = arith.index_cast %mul3A_206 : i32 to index
      %swap3A_371 = arith.constant 48 : index
      %swap3A_372 = tpu.vector_load %arg12[%swap3A_370, %swap3A_371] {strides = array<i32>} : memref<125x80xf32, #tpu.memory_space<vmem>>, vector<16xf32>,
      tpu.vector_store %arg12[%swap3A_370, %swap3A_371], %div3A_369 {strides = array<i32>} : memref<125x80xf32, #tpu.memory_space<vmem>>, vector<16xf32>,
      %iota3A_373 = tpu.iota {dimensions = array<i32: 0>} : vector<16xi32>
      %add3A_374 = arith.constant 64 : i32
      %add3A_375 = vector.broadcast %add3A_374 : i32 to vector<16xi32>
      %add3A_376 = arith.addi %add3A_375, %iota3A_373 : vector<16xi32>
      %broadcast_in_dim3A_377 = arith.constant 0.000000e+00 : f32
      %broadcast_in_dim3A_378 = vector.broadcast %broadcast_in_dim3A_377 : f32 to vector<16xf32>
      %broadcast_in_dim3A_379 = arith.constant 0 : i32
      %broadcast_in_dim3A_380 = vector.broadcast %broadcast_in_dim3A_379 : i32 to vector<16xi32>
      %scan3A_381 = arith.constant 0 : i32
      %scan3A_382 = arith.constant 16 : i32
      %scan3A_383 = arith.addi %scan3A_381, %scan3A_382 : i32
      %scan3A_384 = arith.constant 1 : i32
      %scan3A_385:2 = scf.for %scan3A_613 = %scan3A_381 to %scan3A_383 step %scan3A_384 iter_args(%scan3A_614 = %broadcast_in_dim3A_378, %scan3A_615 = %broadcast_in_dim3A_380) -> (vector<16xf32>, vector<16xi32>)  : i32 {
        %add3A_616 = arith.constant 0 : i32
        %add3A_617 = vector.broadcast %add3A_616 : i32 to vector<16xi32>
        %add3A_618 = arith.addi %scan3A_615, %add3A_617 : vector<16xi32>
        %gather3A_619 = tpu.vector_load_idx %arg8[%add3A_376, %add3A_618] : memref<80x128xf32, #tpu.memory_space<vmem>>[vector<16xi32>, vector<16xi32>], vector<16xf32>,
        %gather3A_620 = tpu.vector_load_idx %arg9[%add3A_376, %add3A_618] : memref<80x128xf32, #tpu.memory_space<vmem>>[vector<16xi32>, vector<16xi32>], vector<16xf32>,
        %sub3A_621 = arith.subf %gather3A_619, %gather3A_620 : vector<16xf32>
        %mul3A_622 = arith.mulf %sub3A_621, %sub3A_621 : vector<16xf32>
        %add3A_623 = arith.addf %scan3A_614, %mul3A_622 : vector<16xf32>
        %add3A_624 = arith.constant 1 : i32
        %add3A_625 = vector.broadcast %add3A_624 : i32 to vector<16xi32>
        %add3A_626 = arith.addi %scan3A_615, %add3A_625 : vector<16xi32>
        %gather3A_627 = tpu.vector_load_idx %arg8[%add3A_376, %add3A_626] : memref<80x128xf32, #tpu.memory_space<vmem>>[vector<16xi32>, vector<16xi32>], vector<16xf32>,
        %gather3A_628 = tpu.vector_load_idx %arg9[%add3A_376, %add3A_626] : memref<80x128xf32, #tpu.memory_space<vmem>>[vector<16xi32>, vector<16xi32>], vector<16xf32>,
        %sub3A_629 = arith.subf %gather3A_627, %gather3A_628 : vector<16xf32>
        %mul3A_630 = arith.mulf %sub3A_629, %sub3A_629 : vector<16xf32>
        %add3A_631 = arith.addf %add3A_623, %mul3A_630 : vector<16xf32>
        %add3A_632 = arith.constant 2 : i32
        %add3A_633 = vector.broadcast %add3A_632 : i32 to vector<16xi32>
        %add3A_634 = arith.addi %scan3A_615, %add3A_633 : vector<16xi32>
        %gather3A_635 = tpu.vector_load_idx %arg8[%add3A_376, %add3A_634] : memref<80x128xf32, #tpu.memory_space<vmem>>[vector<16xi32>, vector<16xi32>], vector<16xf32>,
        %gather3A_636 = tpu.vector_load_idx %arg9[%add3A_376, %add3A_634] : memref<80x128xf32, #tpu.memory_space<vmem>>[vector<16xi32>, vector<16xi32>], vector<16xf32>,
        %sub3A_637 = arith.subf %gather3A_635, %gather3A_636 : vector<16xf32>
        %mul3A_638 = arith.mulf %sub3A_637, %sub3A_637 : vector<16xf32>
        %add3A_639 = arith.addf %add3A_631, %mul3A_638 : vector<16xf32>
        %add3A_640 = arith.constant 3 : i32
        %add3A_641 = vector.broadcast %add3A_640 : i32 to vector<16xi32>
        %add3A_642 = arith.addi %scan3A_615, %add3A_641 : vector<16xi32>
        %gather3A_643 = tpu.vector_load_idx %arg8[%add3A_376, %add3A_642] : memref<80x128xf32, #tpu.memory_space<vmem>>[vector<16xi32>, vector<16xi32>], vector<16xf32>,
        %gather3A_644 = tpu.vector_load_idx %arg9[%add3A_376, %add3A_642] : memref<80x128xf32, #tpu.memory_space<vmem>>[vector<16xi32>, vector<16xi32>], vector<16xf32>,
        %sub3A_645 = arith.subf %gather3A_643, %gather3A_644 : vector<16xf32>
        %mul3A_646 = arith.mulf %sub3A_645, %sub3A_645 : vector<16xf32>
        %add3A_647 = arith.addf %add3A_639, %mul3A_646 : vector<16xf32>
        %add3A_648 = arith.constant 4 : i32
        %add3A_649 = vector.broadcast %add3A_648 : i32 to vector<16xi32>
        %add3A_650 = arith.addi %scan3A_615, %add3A_649 : vector<16xi32>
        %gather3A_651 = tpu.vector_load_idx %arg8[%add3A_376, %add3A_650] : memref<80x128xf32, #tpu.memory_space<vmem>>[vector<16xi32>, vector<16xi32>], vector<16xf32>,
        %gather3A_652 = tpu.vector_load_idx %arg9[%add3A_376, %add3A_650] : memref<80x128xf32, #tpu.memory_space<vmem>>[vector<16xi32>, vector<16xi32>], vector<16xf32>,
        %sub3A_653 = arith.subf %gather3A_651, %gather3A_652 : vector<16xf32>
        %mul3A_654 = arith.mulf %sub3A_653, %sub3A_653 : vector<16xf32>
        %add3A_655 = arith.addf %add3A_647, %mul3A_654 : vector<16xf32>
        %add3A_656 = arith.constant 5 : i32
        %add3A_657 = vector.broadcast %add3A_656 : i32 to vector<16xi32>
        %add3A_658 = arith.addi %scan3A_615, %add3A_657 : vector<16xi32>
        %gather3A_659 = tpu.vector_load_idx %arg8[%add3A_376, %add3A_658] : memref<80x128xf32, #tpu.memory_space<vmem>>[vector<16xi32>, vector<16xi32>], vector<16xf32>,
        %gather3A_660 = tpu.vector_load_idx %arg9[%add3A_376, %add3A_658] : memref<80x128xf32, #tpu.memory_space<vmem>>[vector<16xi32>, vector<16xi32>], vector<16xf32>,
        %sub3A_661 = arith.subf %gather3A_659, %gather3A_660 : vector<16xf32>
        %mul3A_662 = arith.mulf %sub3A_661, %sub3A_661 : vector<16xf32>
        %add3A_663 = arith.addf %add3A_655, %mul3A_662 : vector<16xf32>
        %add3A_664 = arith.constant 6 : i32
        %add3A_665 = vector.broadcast %add3A_664 : i32 to vector<16xi32>
        %add3A_666 = arith.addi %scan3A_615, %add3A_665 : vector<16xi32>
        %gather3A_667 = tpu.vector_load_idx %arg8[%add3A_376, %add3A_666] : memref<80x128xf32, #tpu.memory_space<vmem>>[vector<16xi32>, vector<16xi32>], vector<16xf32>,
        %gather3A_668 = tpu.vector_load_idx %arg9[%add3A_376, %add3A_666] : memref<80x128xf32, #tpu.memory_space<vmem>>[vector<16xi32>, vector<16xi32>], vector<16xf32>,
        %sub3A_669 = arith.subf %gather3A_667, %gather3A_668 : vector<16xf32>
        %mul3A_670 = arith.mulf %sub3A_669, %sub3A_669 : vector<16xf32>
        %add3A_671 = arith.addf %add3A_663, %mul3A_670 : vector<16xf32>
        %add3A_672 = arith.constant 7 : i32
        %add3A_673 = vector.broadcast %add3A_672 : i32 to vector<16xi32>
        %add3A_674 = arith.addi %scan3A_615, %add3A_673 : vector<16xi32>
        %gather3A_675 = tpu.vector_load_idx %arg8[%add3A_376, %add3A_674] : memref<80x128xf32, #tpu.memory_space<vmem>>[vector<16xi32>, vector<16xi32>], vector<16xf32>,
        %gather3A_676 = tpu.vector_load_idx %arg9[%add3A_376, %add3A_674] : memref<80x128xf32, #tpu.memory_space<vmem>>[vector<16xi32>, vector<16xi32>], vector<16xf32>,
        %sub3A_677 = arith.subf %gather3A_675, %gather3A_676 : vector<16xf32>
        %mul3A_678 = arith.mulf %sub3A_677, %sub3A_677 : vector<16xf32>
        %add3A_679 = arith.addf %add3A_671, %mul3A_678 : vector<16xf32>
        %add3A_680 = arith.constant 8 : i32
        %add3A_681 = vector.broadcast %add3A_680 : i32 to vector<16xi32>
        %add3A_682 = arith.addi %scan3A_615, %add3A_681 : vector<16xi32>
        scf.yield %add3A_679, %add3A_682 : vector<16xf32>, vector<16xi32>
      }
      %scan3A_386 = arith.constant 16 : i32
      %broadcast_in_dim3A_387 = arith.constant 127 : i32
      %broadcast_in_dim3A_388 = vector.broadcast %broadcast_in_dim3A_387 : i32 to vector<16xi32>
      %gather3A_389 = tpu.vector_load_idx %arg8[%add3A_376, %broadcast_in_dim3A_388] : memref<80x128xf32, #tpu.memory_space<vmem>>[vector<16xi32>, vector<16xi32>], vector<16xf32>,
      %gather3A_390 = tpu.vector_load_idx %arg9[%add3A_376, %broadcast_in_dim3A_388] : memref<80x128xf32, #tpu.memory_space<vmem>>[vector<16xi32>, vector<16xi32>], vector<16xf32>,
      %sub3A_391 = arith.subf %gather3A_389, %gather3A_390 : vector<16xf32>
      %mul3A_392 = arith.mulf %sub3A_391, %sub3A_391 : vector<16xf32>
      %sub3A_393 = arith.subf %scan3A_385#0, %mul3A_392 : vector<16xf32>
      %neg3A_394 = arith.constant 0.000000e+00 : f32
      %neg3A_395 = vector.broadcast %neg3A_394 : f32 to vector<16xf32>
      %neg3A_396 = arith.subf %neg3A_395, %gather3A_390 : vector<16xf32>
      %exp3A_397 = math.exp %neg3A_396 : vector<16xf32>
      %mul3A_398 = arith.mulf %sub3A_393, %exp3A_397 : vector<16xf32>
      %add3A_399 = arith.constant 1.000000e+00 : f32
      %add3A_400 = vector.broadcast %add3A_399 : f32 to vector<16xf32>
      %add3A_401 = arith.addf %add3A_400, %mul3A_398 : vector<16xf32>
      %div3A_402 = arith.constant 1.000000e+00 : f32
      %div3A_403 = vector.broadcast %div3A_402 : f32 to vector<16xf32>
      %div3A_404 = arith.divf %div3A_403, %add3A_401 : vector<16xf32>
      %swap3A_405 = arith.index_cast %mul3A_206 : i32 to index
      %swap3A_406 = arith.constant 64 : index
      %swap3A_407 = tpu.vector_load %arg12[%swap3A_405, %swap3A_406] {strides = array<i32>} : memref<125x80xf32, #tpu.memory_space<vmem>>, vector<16xf32>,
      tpu.vector_store %arg12[%swap3A_405, %swap3A_406], %div3A_404 {strides = array<i32>} : memref<125x80xf32, #tpu.memory_space<vmem>>, vector<16xf32>,
      %add3A_408 = arith.constant 2 : i32
      %add3A_409 = arith.addi %mul3A_206, %add3A_408 : i32
      %dma_start3A_410 = arith.constant 0 : i32
      %dma_start3A_411 = tpu.memref_slice %arg6[%add3A_409, %dma_start3A_410] : memref<125x80xi32, #tpu.memory_space<vmem>> -> memref<1x80xi32, #tpu.memory_space<vmem>>
      %dma_start3A_412 = tpu.memref_squeeze %dma_start3A_411 : memref<1x80xi32, #tpu.memory_space<vmem>> -> memref<80xi32, #tpu.memory_space<vmem>>
      %dma_start3A_413 = arith.constant 0 : i32
      %dma_start3A_414 = arith.constant 0 : i32
      %dma_start3A_415 = tpu.memref_slice %arg2[%dma_start3A_413, %dma_start3A_414] : memref<10000x128xf32, #tpu.memory_space<hbm>> -> memref<10000x128xf32, #tpu.memory_space<hbm>>
      tpu.enqueue_indirect_dma source(%dma_start3A_415 : memref<10000x128xf32, #tpu.memory_space<hbm>>) target(%arg8 : memref<80x128xf32, #tpu.memory_space<vmem>>) offsets(%dma_start3A_412 : memref<80xi32, #tpu.memory_space<vmem>>) semaphore(%arg13 : memref<!tpu.dma_semaphore, #tpu.memory_space<semaphore_mem>>)
      %dma_start3A_416 = arith.constant 0 : i32
      %dma_start3A_417 = tpu.memref_slice %arg7[%add3A_409, %dma_start3A_416] : memref<125x80xi32, #tpu.memory_space<vmem>> -> memref<1x80xi32, #tpu.memory_space<vmem>>
      %dma_start3A_418 = tpu.memref_squeeze %dma_start3A_417 : memref<1x80xi32, #tpu.memory_space<vmem>> -> memref<80xi32, #tpu.memory_space<vmem>>
      %dma_start3A_419 = arith.constant 0 : i32
      %dma_start3A_420 = arith.constant 0 : i32
      %dma_start3A_421 = tpu.memref_slice %arg2[%dma_start3A_419, %dma_start3A_420] : memref<10000x128xf32, #tpu.memory_space<hbm>> -> memref<10000x128xf32, #tpu.memory_space<hbm>>
      tpu.enqueue_indirect_dma source(%dma_start3A_421 : memref<10000x128xf32, #tpu.memory_space<hbm>>) target(%arg9 : memref<80x128xf32, #tpu.memory_space<vmem>>) offsets(%dma_start3A_418 : memref<80xi32, #tpu.memory_space<vmem>>) semaphore(%arg14 : memref<!tpu.dma_semaphore, #tpu.memory_space<semaphore_mem>>)
      %add3A_422 = arith.constant 1 : i32
      %add3A_423 = arith.addi %mul3A_206, %add3A_422 : i32
      %dma_wait3A_424 = arith.constant 0 : i32
      %dma_wait3A_425 = tpu.memref_slice %arg6[%add3A_423, %dma_wait3A_424] : memref<125x80xi32, #tpu.memory_space<vmem>> -> memref<1x80xi32, #tpu.memory_space<vmem>>
      %dma_wait3A_426 = tpu.memref_squeeze %dma_wait3A_425 : memref<1x80xi32, #tpu.memory_space<vmem>> -> memref<80xi32, #tpu.memory_space<vmem>>
      %dma_wait3A_427 = arith.constant 0 : i32
      %dma_wait3A_428 = arith.constant 0 : i32
      %dma_wait3A_429 = tpu.memref_slice %arg2[%dma_wait3A_427, %dma_wait3A_428] : memref<10000x128xf32, #tpu.memory_space<hbm>> -> memref<10000x128xf32, #tpu.memory_space<hbm>>
      tpu.wait_indirect_dma semaphore(%arg15 : memref<!tpu.dma_semaphore, #tpu.memory_space<semaphore_mem>>) src(%dma_wait3A_429 : memref<10000x128xf32, #tpu.memory_space<hbm>>) dst(%arg10 : memref<80x128xf32, #tpu.memory_space<vmem>>)
      %dma_wait3A_430 = arith.constant 0 : i32
      %dma_wait3A_431 = tpu.memref_slice %arg7[%add3A_423, %dma_wait3A_430] : memref<125x80xi32, #tpu.memory_space<vmem>> -> memref<1x80xi32, #tpu.memory_space<vmem>>
      %dma_wait3A_432 = tpu.memref_squeeze %dma_wait3A_431 : memref<1x80xi32, #tpu.memory_space<vmem>> -> memref<80xi32, #tpu.memory_space<vmem>>
      %dma_wait3A_433 = arith.constant 0 : i32
      %dma_wait3A_434 = arith.constant 0 : i32
      %dma_wait3A_435 = tpu.memref_slice %arg2[%dma_wait3A_433, %dma_wait3A_434] : memref<10000x128xf32, #tpu.memory_space<hbm>> -> memref<10000x128xf32, #tpu.memory_space<hbm>>
      tpu.wait_indirect_dma semaphore(%arg16 : memref<!tpu.dma_semaphore, #tpu.memory_space<semaphore_mem>>) src(%dma_wait3A_435 : memref<10000x128xf32, #tpu.memory_space<hbm>>) dst(%arg11 : memref<80x128xf32, #tpu.memory_space<vmem>>)
      %add3A_436 = arith.constant 1 : i32
      %add3A_437 = arith.addi %mul3A_206, %add3A_436 : i32
      %iota3A_438 = tpu.iota {dimensions = array<i32: 0>} : vector<16xi32>
      %add3A_439 = arith.constant 0 : i32
      %add3A_440 = vector.broadcast %add3A_439 : i32 to vector<16xi32>
      %add3A_441 = arith.addi %add3A_440, %iota3A_438 : vector<16xi32>
      %broadcast_in_dim3A_442 = arith.constant 0.000000e+00 : f32
      %broadcast_in_dim3A_443 = vector.broadcast %broadcast_in_dim3A_442 : f32 to vector<16xf32>
      %broadcast_in_dim3A_444 = arith.constant 0 : i32
      %broadcast_in_dim3A_445 = vector.broadcast %broadcast_in_dim3A_444 : i32 to vector<16xi32>
      %scan3A_446 = arith.constant 0 : i32
      %scan3A_447 = arith.constant 16 : i32
      %scan3A_448 = arith.addi %scan3A_446, %scan3A_447 : i32
      %scan3A_449 = arith.constant 1 : i32
      %scan3A_450:2 = scf.for %scan3A_613 = %scan3A_446 to %scan3A_448 step %scan3A_449 iter_args(%scan3A_614 = %broadcast_in_dim3A_443, %scan3A_615 = %broadcast_in_dim3A_445) -> (vector<16xf32>, vector<16xi32>)  : i32 {
        %add3A_616 = arith.constant 0 : i32
        %add3A_617 = vector.broadcast %add3A_616 : i32 to vector<16xi32>
        %add3A_618 = arith.addi %scan3A_615, %add3A_617 : vector<16xi32>
        %gather3A_619 = tpu.vector_load_idx %arg10[%add3A_441, %add3A_618] : memref<80x128xf32, #tpu.memory_space<vmem>>[vector<16xi32>, vector<16xi32>], vector<16xf32>,
        %gather3A_620 = tpu.vector_load_idx %arg11[%add3A_441, %add3A_618] : memref<80x128xf32, #tpu.memory_space<vmem>>[vector<16xi32>, vector<16xi32>], vector<16xf32>,
        %sub3A_621 = arith.subf %gather3A_619, %gather3A_620 : vector<16xf32>
        %mul3A_622 = arith.mulf %sub3A_621, %sub3A_621 : vector<16xf32>
        %add3A_623 = arith.addf %scan3A_614, %mul3A_622 : vector<16xf32>
        %add3A_624 = arith.constant 1 : i32
        %add3A_625 = vector.broadcast %add3A_624 : i32 to vector<16xi32>
        %add3A_626 = arith.addi %scan3A_615, %add3A_625 : vector<16xi32>
        %gather3A_627 = tpu.vector_load_idx %arg10[%add3A_441, %add3A_626] : memref<80x128xf32, #tpu.memory_space<vmem>>[vector<16xi32>, vector<16xi32>], vector<16xf32>,
        %gather3A_628 = tpu.vector_load_idx %arg11[%add3A_441, %add3A_626] : memref<80x128xf32, #tpu.memory_space<vmem>>[vector<16xi32>, vector<16xi32>], vector<16xf32>,
        %sub3A_629 = arith.subf %gather3A_627, %gather3A_628 : vector<16xf32>
        %mul3A_630 = arith.mulf %sub3A_629, %sub3A_629 : vector<16xf32>
        %add3A_631 = arith.addf %add3A_623, %mul3A_630 : vector<16xf32>
        %add3A_632 = arith.constant 2 : i32
        %add3A_633 = vector.broadcast %add3A_632 : i32 to vector<16xi32>
        %add3A_634 = arith.addi %scan3A_615, %add3A_633 : vector<16xi32>
        %gather3A_635 = tpu.vector_load_idx %arg10[%add3A_441, %add3A_634] : memref<80x128xf32, #tpu.memory_space<vmem>>[vector<16xi32>, vector<16xi32>], vector<16xf32>,
        %gather3A_636 = tpu.vector_load_idx %arg11[%add3A_441, %add3A_634] : memref<80x128xf32, #tpu.memory_space<vmem>>[vector<16xi32>, vector<16xi32>], vector<16xf32>,
        %sub3A_637 = arith.subf %gather3A_635, %gather3A_636 : vector<16xf32>
        %mul3A_638 = arith.mulf %sub3A_637, %sub3A_637 : vector<16xf32>
        %add3A_639 = arith.addf %add3A_631, %mul3A_638 : vector<16xf32>
        %add3A_640 = arith.constant 3 : i32
        %add3A_641 = vector.broadcast %add3A_640 : i32 to vector<16xi32>
        %add3A_642 = arith.addi %scan3A_615, %add3A_641 : vector<16xi32>
        %gather3A_643 = tpu.vector_load_idx %arg10[%add3A_441, %add3A_642] : memref<80x128xf32, #tpu.memory_space<vmem>>[vector<16xi32>, vector<16xi32>], vector<16xf32>,
        %gather3A_644 = tpu.vector_load_idx %arg11[%add3A_441, %add3A_642] : memref<80x128xf32, #tpu.memory_space<vmem>>[vector<16xi32>, vector<16xi32>], vector<16xf32>,
        %sub3A_645 = arith.subf %gather3A_643, %gather3A_644 : vector<16xf32>
        %mul3A_646 = arith.mulf %sub3A_645, %sub3A_645 : vector<16xf32>
        %add3A_647 = arith.addf %add3A_639, %mul3A_646 : vector<16xf32>
        %add3A_648 = arith.constant 4 : i32
        %add3A_649 = vector.broadcast %add3A_648 : i32 to vector<16xi32>
        %add3A_650 = arith.addi %scan3A_615, %add3A_649 : vector<16xi32>
        %gather3A_651 = tpu.vector_load_idx %arg10[%add3A_441, %add3A_650] : memref<80x128xf32, #tpu.memory_space<vmem>>[vector<16xi32>, vector<16xi32>], vector<16xf32>,
        %gather3A_652 = tpu.vector_load_idx %arg11[%add3A_441, %add3A_650] : memref<80x128xf32, #tpu.memory_space<vmem>>[vector<16xi32>, vector<16xi32>], vector<16xf32>,
        %sub3A_653 = arith.subf %gather3A_651, %gather3A_652 : vector<16xf32>
        %mul3A_654 = arith.mulf %sub3A_653, %sub3A_653 : vector<16xf32>
        %add3A_655 = arith.addf %add3A_647, %mul3A_654 : vector<16xf32>
        %add3A_656 = arith.constant 5 : i32
        %add3A_657 = vector.broadcast %add3A_656 : i32 to vector<16xi32>
        %add3A_658 = arith.addi %scan3A_615, %add3A_657 : vector<16xi32>
        %gather3A_659 = tpu.vector_load_idx %arg10[%add3A_441, %add3A_658] : memref<80x128xf32, #tpu.memory_space<vmem>>[vector<16xi32>, vector<16xi32>], vector<16xf32>,
        %gather3A_660 = tpu.vector_load_idx %arg11[%add3A_441, %add3A_658] : memref<80x128xf32, #tpu.memory_space<vmem>>[vector<16xi32>, vector<16xi32>], vector<16xf32>,
        %sub3A_661 = arith.subf %gather3A_659, %gather3A_660 : vector<16xf32>
        %mul3A_662 = arith.mulf %sub3A_661, %sub3A_661 : vector<16xf32>
        %add3A_663 = arith.addf %add3A_655, %mul3A_662 : vector<16xf32>
        %add3A_664 = arith.constant 6 : i32
        %add3A_665 = vector.broadcast %add3A_664 : i32 to vector<16xi32>
        %add3A_666 = arith.addi %scan3A_615, %add3A_665 : vector<16xi32>
        %gather3A_667 = tpu.vector_load_idx %arg10[%add3A_441, %add3A_666] : memref<80x128xf32, #tpu.memory_space<vmem>>[vector<16xi32>, vector<16xi32>], vector<16xf32>,
        %gather3A_668 = tpu.vector_load_idx %arg11[%add3A_441, %add3A_666] : memref<80x128xf32, #tpu.memory_space<vmem>>[vector<16xi32>, vector<16xi32>], vector<16xf32>,
        %sub3A_669 = arith.subf %gather3A_667, %gather3A_668 : vector<16xf32>
        %mul3A_670 = arith.mulf %sub3A_669, %sub3A_669 : vector<16xf32>
        %add3A_671 = arith.addf %add3A_663, %mul3A_670 : vector<16xf32>
        %add3A_672 = arith.constant 7 : i32
        %add3A_673 = vector.broadcast %add3A_672 : i32 to vector<16xi32>
        %add3A_674 = arith.addi %scan3A_615, %add3A_673 : vector<16xi32>
        %gather3A_675 = tpu.vector_load_idx %arg10[%add3A_441, %add3A_674] : memref<80x128xf32, #tpu.memory_space<vmem>>[vector<16xi32>, vector<16xi32>], vector<16xf32>,
        %gather3A_676 = tpu.vector_load_idx %arg11[%add3A_441, %add3A_674] : memref<80x128xf32, #tpu.memory_space<vmem>>[vector<16xi32>, vector<16xi32>], vector<16xf32>,
        %sub3A_677 = arith.subf %gather3A_675, %gather3A_676 : vector<16xf32>
        %mul3A_678 = arith.mulf %sub3A_677, %sub3A_677 : vector<16xf32>
        %add3A_679 = arith.addf %add3A_671, %mul3A_678 : vector<16xf32>
        %add3A_680 = arith.constant 8 : i32
        %add3A_681 = vector.broadcast %add3A_680 : i32 to vector<16xi32>
        %add3A_682 = arith.addi %scan3A_615, %add3A_681 : vector<16xi32>
        scf.yield %add3A_679, %add3A_682 : vector<16xf32>, vector<16xi32>
      }
      %scan3A_451 = arith.constant 16 : i32
      %broadcast_in_dim3A_452 = arith.constant 127 : i32
      %broadcast_in_dim3A_453 = vector.broadcast %broadcast_in_dim3A_452 : i32 to vector<16xi32>
      %gather3A_454 = tpu.vector_load_idx %arg10[%add3A_441, %broadcast_in_dim3A_453] : memref<80x128xf32, #tpu.memory_space<vmem>>[vector<16xi32>, vector<16xi32>], vector<16xf32>,
      %gather3A_455 = tpu.vector_load_idx %arg11[%add3A_441, %broadcast_in_dim3A_453] : memref<80x128xf32, #tpu.memory_space<vmem>>[vector<16xi32>, vector<16xi32>], vector<16xf32>,
      %sub3A_456 = arith.subf %gather3A_454, %gather3A_455 : vector<16xf32>
      %mul3A_457 = arith.mulf %sub3A_456, %sub3A_456 : vector<16xf32>
      %sub3A_458 = arith.subf %scan3A_450#0, %mul3A_457 : vector<16xf32>
      %neg3A_459 = arith.constant 0.000000e+00 : f32
      %neg3A_460 = vector.broadcast %neg3A_459 : f32 to vector<16xf32>
      %neg3A_461 = arith.subf %neg3A_460, %gather3A_455 : vector<16xf32>
      %exp3A_462 = math.exp %neg3A_461 : vector<16xf32>
      %mul3A_463 = arith.mulf %sub3A_458, %exp3A_462 : vector<16xf32>
      %add3A_464 = arith.constant 1.000000e+00 : f32
      %add3A_465 = vector.broadcast %add3A_464 : f32 to vector<16xf32>
      %add3A_466 = arith.addf %add3A_465, %mul3A_463 : vector<16xf32>
      %div3A_467 = arith.constant 1.000000e+00 : f32
      %div3A_468 = vector.broadcast %div3A_467 : f32 to vector<16xf32>
      %div3A_469 = arith.divf %div3A_468, %add3A_466 : vector<16xf32>
      %swap3A_470 = arith.index_cast %add3A_437 : i32 to index
      %swap3A_471 = arith.constant 0 : index
      %swap3A_472 = tpu.vector_load %arg12[%swap3A_470, %swap3A_471] {strides = array<i32>} : memref<125x80xf32, #tpu.memory_space<vmem>>, vector<16xf32>,
      tpu.vector_store %arg12[%swap3A_470, %swap3A_471], %div3A_469 {strides = array<i32>} : memref<125x80xf32, #tpu.memory_space<vmem>>, vector<16xf32>,
      %iota3A_473 = tpu.iota {dimensions = array<i32: 0>} : vector<16xi32>
      %add3A_474 = arith.constant 16 : i32
      %add3A_475 = vector.broadcast %add3A_474 : i32 to vector<16xi32>
      %add3A_476 = arith.addi %add3A_475, %iota3A_473 : vector<16xi32>
      %broadcast_in_dim3A_477 = arith.constant 0.000000e+00 : f32
      %broadcast_in_dim3A_478 = vector.broadcast %broadcast_in_dim3A_477 : f32 to vector<16xf32>
      %broadcast_in_dim3A_479 = arith.constant 0 : i32
      %broadcast_in_dim3A_480 = vector.broadcast %broadcast_in_dim3A_479 : i32 to vector<16xi32>
      %scan3A_481 = arith.constant 0 : i32
      %scan3A_482 = arith.constant 16 : i32
      %scan3A_483 = arith.addi %scan3A_481, %scan3A_482 : i32
      %scan3A_484 = arith.constant 1 : i32
      %scan3A_485:2 = scf.for %scan3A_613 = %scan3A_481 to %scan3A_483 step %scan3A_484 iter_args(%scan3A_614 = %broadcast_in_dim3A_478, %scan3A_615 = %broadcast_in_dim3A_480) -> (vector<16xf32>, vector<16xi32>)  : i32 {
        %add3A_616 = arith.constant 0 : i32
        %add3A_617 = vector.broadcast %add3A_616 : i32 to vector<16xi32>
        %add3A_618 = arith.addi %scan3A_615, %add3A_617 : vector<16xi32>
        %gather3A_619 = tpu.vector_load_idx %arg10[%add3A_476, %add3A_618] : memref<80x128xf32, #tpu.memory_space<vmem>>[vector<16xi32>, vector<16xi32>], vector<16xf32>,
        %gather3A_620 = tpu.vector_load_idx %arg11[%add3A_476, %add3A_618] : memref<80x128xf32, #tpu.memory_space<vmem>>[vector<16xi32>, vector<16xi32>], vector<16xf32>,
        %sub3A_621 = arith.subf %gather3A_619, %gather3A_620 : vector<16xf32>
        %mul3A_622 = arith.mulf %sub3A_621, %sub3A_621 : vector<16xf32>
        %add3A_623 = arith.addf %scan3A_614, %mul3A_622 : vector<16xf32>
        %add3A_624 = arith.constant 1 : i32
        %add3A_625 = vector.broadcast %add3A_624 : i32 to vector<16xi32>
        %add3A_626 = arith.addi %scan3A_615, %add3A_625 : vector<16xi32>
        %gather3A_627 = tpu.vector_load_idx %arg10[%add3A_476, %add3A_626] : memref<80x128xf32, #tpu.memory_space<vmem>>[vector<16xi32>, vector<16xi32>], vector<16xf32>,
        %gather3A_628 = tpu.vector_load_idx %arg11[%add3A_476, %add3A_626] : memref<80x128xf32, #tpu.memory_space<vmem>>[vector<16xi32>, vector<16xi32>], vector<16xf32>,
        %sub3A_629 = arith.subf %gather3A_627, %gather3A_628 : vector<16xf32>
        %mul3A_630 = arith.mulf %sub3A_629, %sub3A_629 : vector<16xf32>
        %add3A_631 = arith.addf %add3A_623, %mul3A_630 : vector<16xf32>
        %add3A_632 = arith.constant 2 : i32
        %add3A_633 = vector.broadcast %add3A_632 : i32 to vector<16xi32>
        %add3A_634 = arith.addi %scan3A_615, %add3A_633 : vector<16xi32>
        %gather3A_635 = tpu.vector_load_idx %arg10[%add3A_476, %add3A_634] : memref<80x128xf32, #tpu.memory_space<vmem>>[vector<16xi32>, vector<16xi32>], vector<16xf32>,
        %gather3A_636 = tpu.vector_load_idx %arg11[%add3A_476, %add3A_634] : memref<80x128xf32, #tpu.memory_space<vmem>>[vector<16xi32>, vector<16xi32>], vector<16xf32>,
        %sub3A_637 = arith.subf %gather3A_635, %gather3A_636 : vector<16xf32>
        %mul3A_638 = arith.mulf %sub3A_637, %sub3A_637 : vector<16xf32>
        %add3A_639 = arith.addf %add3A_631, %mul3A_638 : vector<16xf32>
        %add3A_640 = arith.constant 3 : i32
        %add3A_641 = vector.broadcast %add3A_640 : i32 to vector<16xi32>
        %add3A_642 = arith.addi %scan3A_615, %add3A_641 : vector<16xi32>
        %gather3A_643 = tpu.vector_load_idx %arg10[%add3A_476, %add3A_642] : memref<80x128xf32, #tpu.memory_space<vmem>>[vector<16xi32>, vector<16xi32>], vector<16xf32>,
        %gather3A_644 = tpu.vector_load_idx %arg11[%add3A_476, %add3A_642] : memref<80x128xf32, #tpu.memory_space<vmem>>[vector<16xi32>, vector<16xi32>], vector<16xf32>,
        %sub3A_645 = arith.subf %gather3A_643, %gather3A_644 : vector<16xf32>
        %mul3A_646 = arith.mulf %sub3A_645, %sub3A_645 : vector<16xf32>
        %add3A_647 = arith.addf %add3A_639, %mul3A_646 : vector<16xf32>
        %add3A_648 = arith.constant 4 : i32
        %add3A_649 = vector.broadcast %add3A_648 : i32 to vector<16xi32>
        %add3A_650 = arith.addi %scan3A_615, %add3A_649 : vector<16xi32>
        %gather3A_651 = tpu.vector_load_idx %arg10[%add3A_476, %add3A_650] : memref<80x128xf32, #tpu.memory_space<vmem>>[vector<16xi32>, vector<16xi32>], vector<16xf32>,
        %gather3A_652 = tpu.vector_load_idx %arg11[%add3A_476, %add3A_650] : memref<80x128xf32, #tpu.memory_space<vmem>>[vector<16xi32>, vector<16xi32>], vector<16xf32>,
        %sub3A_653 = arith.subf %gather3A_651, %gather3A_652 : vector<16xf32>
        %mul3A_654 = arith.mulf %sub3A_653, %sub3A_653 : vector<16xf32>
        %add3A_655 = arith.addf %add3A_647, %mul3A_654 : vector<16xf32>
        %add3A_656 = arith.constant 5 : i32
        %add3A_657 = vector.broadcast %add3A_656 : i32 to vector<16xi32>
        %add3A_658 = arith.addi %scan3A_615, %add3A_657 : vector<16xi32>
        %gather3A_659 = tpu.vector_load_idx %arg10[%add3A_476, %add3A_658] : memref<80x128xf32, #tpu.memory_space<vmem>>[vector<16xi32>, vector<16xi32>], vector<16xf32>,
        %gather3A_660 = tpu.vector_load_idx %arg11[%add3A_476, %add3A_658] : memref<80x128xf32, #tpu.memory_space<vmem>>[vector<16xi32>, vector<16xi32>], vector<16xf32>,
        %sub3A_661 = arith.subf %gather3A_659, %gather3A_660 : vector<16xf32>
        %mul3A_662 = arith.mulf %sub3A_661, %sub3A_661 : vector<16xf32>
        %add3A_663 = arith.addf %add3A_655, %mul3A_662 : vector<16xf32>
        %add3A_664 = arith.constant 6 : i32
        %add3A_665 = vector.broadcast %add3A_664 : i32 to vector<16xi32>
        %add3A_666 = arith.addi %scan3A_615, %add3A_665 : vector<16xi32>
        %gather3A_667 = tpu.vector_load_idx %arg10[%add3A_476, %add3A_666] : memref<80x128xf32, #tpu.memory_space<vmem>>[vector<16xi32>, vector<16xi32>], vector<16xf32>,
        %gather3A_668 = tpu.vector_load_idx %arg11[%add3A_476, %add3A_666] : memref<80x128xf32, #tpu.memory_space<vmem>>[vector<16xi32>, vector<16xi32>], vector<16xf32>,
        %sub3A_669 = arith.subf %gather3A_667, %gather3A_668 : vector<16xf32>
        %mul3A_670 = arith.mulf %sub3A_669, %sub3A_669 : vector<16xf32>
        %add3A_671 = arith.addf %add3A_663, %mul3A_670 : vector<16xf32>
        %add3A_672 = arith.constant 7 : i32
        %add3A_673 = vector.broadcast %add3A_672 : i32 to vector<16xi32>
        %add3A_674 = arith.addi %scan3A_615, %add3A_673 : vector<16xi32>
        %gather3A_675 = tpu.vector_load_idx %arg10[%add3A_476, %add3A_674] : memref<80x128xf32, #tpu.memory_space<vmem>>[vector<16xi32>, vector<16xi32>], vector<16xf32>,
        %gather3A_676 = tpu.vector_load_idx %arg11[%add3A_476, %add3A_674] : memref<80x128xf32, #tpu.memory_space<vmem>>[vector<16xi32>, vector<16xi32>], vector<16xf32>,
        %sub3A_677 = arith.subf %gather3A_675, %gather3A_676 : vector<16xf32>
        %mul3A_678 = arith.mulf %sub3A_677, %sub3A_677 : vector<16xf32>
        %add3A_679 = arith.addf %add3A_671, %mul3A_678 : vector<16xf32>
        %add3A_680 = arith.constant 8 : i32
        %add3A_681 = vector.broadcast %add3A_680 : i32 to vector<16xi32>
        %add3A_682 = arith.addi %scan3A_615, %add3A_681 : vector<16xi32>
        scf.yield %add3A_679, %add3A_682 : vector<16xf32>, vector<16xi32>
      }
      %scan3A_486 = arith.constant 16 : i32
      %broadcast_in_dim3A_487 = arith.constant 127 : i32
      %broadcast_in_dim3A_488 = vector.broadcast %broadcast_in_dim3A_487 : i32 to vector<16xi32>
      %gather3A_489 = tpu.vector_load_idx %arg10[%add3A_476, %broadcast_in_dim3A_488] : memref<80x128xf32, #tpu.memory_space<vmem>>[vector<16xi32>, vector<16xi32>], vector<16xf32>,
      %gather3A_490 = tpu.vector_load_idx %arg11[%add3A_476, %broadcast_in_dim3A_488] : memref<80x128xf32, #tpu.memory_space<vmem>>[vector<16xi32>, vector<16xi32>], vector<16xf32>,
      %sub3A_491 = arith.subf %gather3A_489, %gather3A_490 : vector<16xf32>
      %mul3A_492 = arith.mulf %sub3A_491, %sub3A_491 : vector<16xf32>
      %sub3A_493 = arith.subf %scan3A_485#0, %mul3A_492 : vector<16xf32>
      %neg3A_494 = arith.constant 0.000000e+00 : f32
      %neg3A_495 = vector.broadcast %neg3A_494 : f32 to vector<16xf32>
      %neg3A_496 = arith.subf %neg3A_495, %gather3A_490 : vector<16xf32>
      %exp3A_497 = math.exp %neg3A_496 : vector<16xf32>
      %mul3A_498 = arith.mulf %sub3A_493, %exp3A_497 : vector<16xf32>
      %add3A_499 = arith.constant 1.000000e+00 : f32
      %add3A_500 = vector.broadcast %add3A_499 : f32 to vector<16xf32>
      %add3A_501 = arith.addf %add3A_500, %mul3A_498 : vector<16xf32>
      %div3A_502 = arith.constant 1.000000e+00 : f32
      %div3A_503 = vector.broadcast %div3A_502 : f32 to vector<16xf32>
      %div3A_504 = arith.divf %div3A_503, %add3A_501 : vector<16xf32>
      %swap3A_505 = arith.index_cast %add3A_437 : i32 to index
      %swap3A_506 = arith.constant 16 : index
      %swap3A_507 = tpu.vector_load %arg12[%swap3A_505, %swap3A_506] {strides = array<i32>} : memref<125x80xf32, #tpu.memory_space<vmem>>, vector<16xf32>,
      tpu.vector_store %arg12[%swap3A_505, %swap3A_506], %div3A_504 {strides = array<i32>} : memref<125x80xf32, #tpu.memory_space<vmem>>, vector<16xf32>,
      %iota3A_508 = tpu.iota {dimensions = array<i32: 0>} : vector<16xi32>
      %add3A_509 = arith.constant 32 : i32
      %add3A_510 = vector.broadcast %add3A_509 : i32 to vector<16xi32>
      %add3A_511 = arith.addi %add3A_510, %iota3A_508 : vector<16xi32>
      %broadcast_in_dim3A_512 = arith.constant 0.000000e+00 : f32
      %broadcast_in_dim3A_513 = vector.broadcast %broadcast_in_dim3A_512 : f32 to vector<16xf32>
      %broadcast_in_dim3A_514 = arith.constant 0 : i32
      %broadcast_in_dim3A_515 = vector.broadcast %broadcast_in_dim3A_514 : i32 to vector<16xi32>
      %scan3A_516 = arith.constant 0 : i32
      %scan3A_517 = arith.constant 16 : i32
      %scan3A_518 = arith.addi %scan3A_516, %scan3A_517 : i32
      %scan3A_519 = arith.constant 1 : i32
      %scan3A_520:2 = scf.for %scan3A_613 = %scan3A_516 to %scan3A_518 step %scan3A_519 iter_args(%scan3A_614 = %broadcast_in_dim3A_513, %scan3A_615 = %broadcast_in_dim3A_515) -> (vector<16xf32>, vector<16xi32>)  : i32 {
        %add3A_616 = arith.constant 0 : i32
        %add3A_617 = vector.broadcast %add3A_616 : i32 to vector<16xi32>
        %add3A_618 = arith.addi %scan3A_615, %add3A_617 : vector<16xi32>
        %gather3A_619 = tpu.vector_load_idx %arg10[%add3A_511, %add3A_618] : memref<80x128xf32, #tpu.memory_space<vmem>>[vector<16xi32>, vector<16xi32>], vector<16xf32>,
        %gather3A_620 = tpu.vector_load_idx %arg11[%add3A_511, %add3A_618] : memref<80x128xf32, #tpu.memory_space<vmem>>[vector<16xi32>, vector<16xi32>], vector<16xf32>,
        %sub3A_621 = arith.subf %gather3A_619, %gather3A_620 : vector<16xf32>
        %mul3A_622 = arith.mulf %sub3A_621, %sub3A_621 : vector<16xf32>
        %add3A_623 = arith.addf %scan3A_614, %mul3A_622 : vector<16xf32>
        %add3A_624 = arith.constant 1 : i32
        %add3A_625 = vector.broadcast %add3A_624 : i32 to vector<16xi32>
        %add3A_626 = arith.addi %scan3A_615, %add3A_625 : vector<16xi32>
        %gather3A_627 = tpu.vector_load_idx %arg10[%add3A_511, %add3A_626] : memref<80x128xf32, #tpu.memory_space<vmem>>[vector<16xi32>, vector<16xi32>], vector<16xf32>,
        %gather3A_628 = tpu.vector_load_idx %arg11[%add3A_511, %add3A_626] : memref<80x128xf32, #tpu.memory_space<vmem>>[vector<16xi32>, vector<16xi32>], vector<16xf32>,
        %sub3A_629 = arith.subf %gather3A_627, %gather3A_628 : vector<16xf32>
        %mul3A_630 = arith.mulf %sub3A_629, %sub3A_629 : vector<16xf32>
        %add3A_631 = arith.addf %add3A_623, %mul3A_630 : vector<16xf32>
        %add3A_632 = arith.constant 2 : i32
        %add3A_633 = vector.broadcast %add3A_632 : i32 to vector<16xi32>
        %add3A_634 = arith.addi %scan3A_615, %add3A_633 : vector<16xi32>
        %gather3A_635 = tpu.vector_load_idx %arg10[%add3A_511, %add3A_634] : memref<80x128xf32, #tpu.memory_space<vmem>>[vector<16xi32>, vector<16xi32>], vector<16xf32>,
        %gather3A_636 = tpu.vector_load_idx %arg11[%add3A_511, %add3A_634] : memref<80x128xf32, #tpu.memory_space<vmem>>[vector<16xi32>, vector<16xi32>], vector<16xf32>,
        %sub3A_637 = arith.subf %gather3A_635, %gather3A_636 : vector<16xf32>
        %mul3A_638 = arith.mulf %sub3A_637, %sub3A_637 : vector<16xf32>
        %add3A_639 = arith.addf %add3A_631, %mul3A_638 : vector<16xf32>
        %add3A_640 = arith.constant 3 : i32
        %add3A_641 = vector.broadcast %add3A_640 : i32 to vector<16xi32>
        %add3A_642 = arith.addi %scan3A_615, %add3A_641 : vector<16xi32>
        %gather3A_643 = tpu.vector_load_idx %arg10[%add3A_511, %add3A_642] : memref<80x128xf32, #tpu.memory_space<vmem>>[vector<16xi32>, vector<16xi32>], vector<16xf32>,
        %gather3A_644 = tpu.vector_load_idx %arg11[%add3A_511, %add3A_642] : memref<80x128xf32, #tpu.memory_space<vmem>>[vector<16xi32>, vector<16xi32>], vector<16xf32>,
        %sub3A_645 = arith.subf %gather3A_643, %gather3A_644 : vector<16xf32>
        %mul3A_646 = arith.mulf %sub3A_645, %sub3A_645 : vector<16xf32>
        %add3A_647 = arith.addf %add3A_639, %mul3A_646 : vector<16xf32>
        %add3A_648 = arith.constant 4 : i32
        %add3A_649 = vector.broadcast %add3A_648 : i32 to vector<16xi32>
        %add3A_650 = arith.addi %scan3A_615, %add3A_649 : vector<16xi32>
        %gather3A_651 = tpu.vector_load_idx %arg10[%add3A_511, %add3A_650] : memref<80x128xf32, #tpu.memory_space<vmem>>[vector<16xi32>, vector<16xi32>], vector<16xf32>,
        %gather3A_652 = tpu.vector_load_idx %arg11[%add3A_511, %add3A_650] : memref<80x128xf32, #tpu.memory_space<vmem>>[vector<16xi32>, vector<16xi32>], vector<16xf32>,
        %sub3A_653 = arith.subf %gather3A_651, %gather3A_652 : vector<16xf32>
        %mul3A_654 = arith.mulf %sub3A_653, %sub3A_653 : vector<16xf32>
        %add3A_655 = arith.addf %add3A_647, %mul3A_654 : vector<16xf32>
        %add3A_656 = arith.constant 5 : i32
        %add3A_657 = vector.broadcast %add3A_656 : i32 to vector<16xi32>
        %add3A_658 = arith.addi %scan3A_615, %add3A_657 : vector<16xi32>
        %gather3A_659 = tpu.vector_load_idx %arg10[%add3A_511, %add3A_658] : memref<80x128xf32, #tpu.memory_space<vmem>>[vector<16xi32>, vector<16xi32>], vector<16xf32>,
        %gather3A_660 = tpu.vector_load_idx %arg11[%add3A_511, %add3A_658] : memref<80x128xf32, #tpu.memory_space<vmem>>[vector<16xi32>, vector<16xi32>], vector<16xf32>,
        %sub3A_661 = arith.subf %gather3A_659, %gather3A_660 : vector<16xf32>
        %mul3A_662 = arith.mulf %sub3A_661, %sub3A_661 : vector<16xf32>
        %add3A_663 = arith.addf %add3A_655, %mul3A_662 : vector<16xf32>
        %add3A_664 = arith.constant 6 : i32
        %add3A_665 = vector.broadcast %add3A_664 : i32 to vector<16xi32>
        %add3A_666 = arith.addi %scan3A_615, %add3A_665 : vector<16xi32>
        %gather3A_667 = tpu.vector_load_idx %arg10[%add3A_511, %add3A_666] : memref<80x128xf32, #tpu.memory_space<vmem>>[vector<16xi32>, vector<16xi32>], vector<16xf32>,
        %gather3A_668 = tpu.vector_load_idx %arg11[%add3A_511, %add3A_666] : memref<80x128xf32, #tpu.memory_space<vmem>>[vector<16xi32>, vector<16xi32>], vector<16xf32>,
        %sub3A_669 = arith.subf %gather3A_667, %gather3A_668 : vector<16xf32>
        %mul3A_670 = arith.mulf %sub3A_669, %sub3A_669 : vector<16xf32>
        %add3A_671 = arith.addf %add3A_663, %mul3A_670 : vector<16xf32>
        %add3A_672 = arith.constant 7 : i32
        %add3A_673 = vector.broadcast %add3A_672 : i32 to vector<16xi32>
        %add3A_674 = arith.addi %scan3A_615, %add3A_673 : vector<16xi32>
        %gather3A_675 = tpu.vector_load_idx %arg10[%add3A_511, %add3A_674] : memref<80x128xf32, #tpu.memory_space<vmem>>[vector<16xi32>, vector<16xi32>], vector<16xf32>,
        %gather3A_676 = tpu.vector_load_idx %arg11[%add3A_511, %add3A_674] : memref<80x128xf32, #tpu.memory_space<vmem>>[vector<16xi32>, vector<16xi32>], vector<16xf32>,
        %sub3A_677 = arith.subf %gather3A_675, %gather3A_676 : vector<16xf32>
        %mul3A_678 = arith.mulf %sub3A_677, %sub3A_677 : vector<16xf32>
        %add3A_679 = arith.addf %add3A_671, %mul3A_678 : vector<16xf32>
        %add3A_680 = arith.constant 8 : i32
        %add3A_681 = vector.broadcast %add3A_680 : i32 to vector<16xi32>
        %add3A_682 = arith.addi %scan3A_615, %add3A_681 : vector<16xi32>
        scf.yield %add3A_679, %add3A_682 : vector<16xf32>, vector<16xi32>
      }
      %scan3A_521 = arith.constant 16 : i32
      %broadcast_in_dim3A_522 = arith.constant 127 : i32
      %broadcast_in_dim3A_523 = vector.broadcast %broadcast_in_dim3A_522 : i32 to vector<16xi32>
      %gather3A_524 = tpu.vector_load_idx %arg10[%add3A_511, %broadcast_in_dim3A_523] : memref<80x128xf32, #tpu.memory_space<vmem>>[vector<16xi32>, vector<16xi32>], vector<16xf32>,
      %gather3A_525 = tpu.vector_load_idx %arg11[%add3A_511, %broadcast_in_dim3A_523] : memref<80x128xf32, #tpu.memory_space<vmem>>[vector<16xi32>, vector<16xi32>], vector<16xf32>,
      %sub3A_526 = arith.subf %gather3A_524, %gather3A_525 : vector<16xf32>
      %mul3A_527 = arith.mulf %sub3A_526, %sub3A_526 : vector<16xf32>
      %sub3A_528 = arith.subf %scan3A_520#0, %mul3A_527 : vector<16xf32>
      %neg3A_529 = arith.constant 0.000000e+00 : f32
      %neg3A_530 = vector.broadcast %neg3A_529 : f32 to vector<16xf32>
      %neg3A_531 = arith.subf %neg3A_530, %gather3A_525 : vector<16xf32>
      %exp3A_532 = math.exp %neg3A_531 : vector<16xf32>
      %mul3A_533 = arith.mulf %sub3A_528, %exp3A_532 : vector<16xf32>
      %add3A_534 = arith.constant 1.000000e+00 : f32
      %add3A_535 = vector.broadcast %add3A_534 : f32 to vector<16xf32>
      %add3A_536 = arith.addf %add3A_535, %mul3A_533 : vector<16xf32>
      %div3A_537 = arith.constant 1.000000e+00 : f32
      %div3A_538 = vector.broadcast %div3A_537 : f32 to vector<16xf32>
      %div3A_539 = arith.divf %div3A_538, %add3A_536 : vector<16xf32>
      %swap3A_540 = arith.index_cast %add3A_437 : i32 to index
      %swap3A_541 = arith.constant 32 : index
      %swap3A_542 = tpu.vector_load %arg12[%swap3A_540, %swap3A_541] {strides = array<i32>} : memref<125x80xf32, #tpu.memory_space<vmem>>, vector<16xf32>,
      tpu.vector_store %arg12[%swap3A_540, %swap3A_541], %div3A_539 {strides = array<i32>} : memref<125x80xf32, #tpu.memory_space<vmem>>, vector<16xf32>,
      %iota3A_543 = tpu.iota {dimensions = array<i32: 0>} : vector<16xi32>
      %add3A_544 = arith.constant 48 : i32
      %add3A_545 = vector.broadcast %add3A_544 : i32 to vector<16xi32>
      %add3A_546 = arith.addi %add3A_545, %iota3A_543 : vector<16xi32>
      %broadcast_in_dim3A_547 = arith.constant 0.000000e+00 : f32
      %broadcast_in_dim3A_548 = vector.broadcast %broadcast_in_dim3A_547 : f32 to vector<16xf32>
      %broadcast_in_dim3A_549 = arith.constant 0 : i32
      %broadcast_in_dim3A_550 = vector.broadcast %broadcast_in_dim3A_549 : i32 to vector<16xi32>
      %scan3A_551 = arith.constant 0 : i32
      %scan3A_552 = arith.constant 16 : i32
      %scan3A_553 = arith.addi %scan3A_551, %scan3A_552 : i32
      %scan3A_554 = arith.constant 1 : i32
      %scan3A_555:2 = scf.for %scan3A_613 = %scan3A_551 to %scan3A_553 step %scan3A_554 iter_args(%scan3A_614 = %broadcast_in_dim3A_548, %scan3A_615 = %broadcast_in_dim3A_550) -> (vector<16xf32>, vector<16xi32>)  : i32 {
        %add3A_616 = arith.constant 0 : i32
        %add3A_617 = vector.broadcast %add3A_616 : i32 to vector<16xi32>
        %add3A_618 = arith.addi %scan3A_615, %add3A_617 : vector<16xi32>
        %gather3A_619 = tpu.vector_load_idx %arg10[%add3A_546, %add3A_618] : memref<80x128xf32, #tpu.memory_space<vmem>>[vector<16xi32>, vector<16xi32>], vector<16xf32>,
        %gather3A_620 = tpu.vector_load_idx %arg11[%add3A_546, %add3A_618] : memref<80x128xf32, #tpu.memory_space<vmem>>[vector<16xi32>, vector<16xi32>], vector<16xf32>,
        %sub3A_621 = arith.subf %gather3A_619, %gather3A_620 : vector<16xf32>
        %mul3A_622 = arith.mulf %sub3A_621, %sub3A_621 : vector<16xf32>
        %add3A_623 = arith.addf %scan3A_614, %mul3A_622 : vector<16xf32>
        %add3A_624 = arith.constant 1 : i32
        %add3A_625 = vector.broadcast %add3A_624 : i32 to vector<16xi32>
        %add3A_626 = arith.addi %scan3A_615, %add3A_625 : vector<16xi32>
        %gather3A_627 = tpu.vector_load_idx %arg10[%add3A_546, %add3A_626] : memref<80x128xf32, #tpu.memory_space<vmem>>[vector<16xi32>, vector<16xi32>], vector<16xf32>,
        %gather3A_628 = tpu.vector_load_idx %arg11[%add3A_546, %add3A_626] : memref<80x128xf32, #tpu.memory_space<vmem>>[vector<16xi32>, vector<16xi32>], vector<16xf32>,
        %sub3A_629 = arith.subf %gather3A_627, %gather3A_628 : vector<16xf32>
        %mul3A_630 = arith.mulf %sub3A_629, %sub3A_629 : vector<16xf32>
        %add3A_631 = arith.addf %add3A_623, %mul3A_630 : vector<16xf32>
        %add3A_632 = arith.constant 2 : i32
        %add3A_633 = vector.broadcast %add3A_632 : i32 to vector<16xi32>
        %add3A_634 = arith.addi %scan3A_615, %add3A_633 : vector<16xi32>
        %gather3A_635 = tpu.vector_load_idx %arg10[%add3A_546, %add3A_634] : memref<80x128xf32, #tpu.memory_space<vmem>>[vector<16xi32>, vector<16xi32>], vector<16xf32>,
        %gather3A_636 = tpu.vector_load_idx %arg11[%add3A_546, %add3A_634] : memref<80x128xf32, #tpu.memory_space<vmem>>[vector<16xi32>, vector<16xi32>], vector<16xf32>,
        %sub3A_637 = arith.subf %gather3A_635, %gather3A_636 : vector<16xf32>
        %mul3A_638 = arith.mulf %sub3A_637, %sub3A_637 : vector<16xf32>
        %add3A_639 = arith.addf %add3A_631, %mul3A_638 : vector<16xf32>
        %add3A_640 = arith.constant 3 : i32
        %add3A_641 = vector.broadcast %add3A_640 : i32 to vector<16xi32>
        %add3A_642 = arith.addi %scan3A_615, %add3A_641 : vector<16xi32>
        %gather3A_643 = tpu.vector_load_idx %arg10[%add3A_546, %add3A_642] : memref<80x128xf32, #tpu.memory_space<vmem>>[vector<16xi32>, vector<16xi32>], vector<16xf32>,
        %gather3A_644 = tpu.vector_load_idx %arg11[%add3A_546, %add3A_642] : memref<80x128xf32, #tpu.memory_space<vmem>>[vector<16xi32>, vector<16xi32>], vector<16xf32>,
        %sub3A_645 = arith.subf %gather3A_643, %gather3A_644 : vector<16xf32>
        %mul3A_646 = arith.mulf %sub3A_645, %sub3A_645 : vector<16xf32>
        %add3A_647 = arith.addf %add3A_639, %mul3A_646 : vector<16xf32>
        %add3A_648 = arith.constant 4 : i32
        %add3A_649 = vector.broadcast %add3A_648 : i32 to vector<16xi32>
        %add3A_650 = arith.addi %scan3A_615, %add3A_649 : vector<16xi32>
        %gather3A_651 = tpu.vector_load_idx %arg10[%add3A_546, %add3A_650] : memref<80x128xf32, #tpu.memory_space<vmem>>[vector<16xi32>, vector<16xi32>], vector<16xf32>,
        %gather3A_652 = tpu.vector_load_idx %arg11[%add3A_546, %add3A_650] : memref<80x128xf32, #tpu.memory_space<vmem>>[vector<16xi32>, vector<16xi32>], vector<16xf32>,
        %sub3A_653 = arith.subf %gather3A_651, %gather3A_652 : vector<16xf32>
        %mul3A_654 = arith.mulf %sub3A_653, %sub3A_653 : vector<16xf32>
        %add3A_655 = arith.addf %add3A_647, %mul3A_654 : vector<16xf32>
        %add3A_656 = arith.constant 5 : i32
        %add3A_657 = vector.broadcast %add3A_656 : i32 to vector<16xi32>
        %add3A_658 = arith.addi %scan3A_615, %add3A_657 : vector<16xi32>
        %gather3A_659 = tpu.vector_load_idx %arg10[%add3A_546, %add3A_658] : memref<80x128xf32, #tpu.memory_space<vmem>>[vector<16xi32>, vector<16xi32>], vector<16xf32>,
        %gather3A_660 = tpu.vector_load_idx %arg11[%add3A_546, %add3A_658] : memref<80x128xf32, #tpu.memory_space<vmem>>[vector<16xi32>, vector<16xi32>], vector<16xf32>,
        %sub3A_661 = arith.subf %gather3A_659, %gather3A_660 : vector<16xf32>
        %mul3A_662 = arith.mulf %sub3A_661, %sub3A_661 : vector<16xf32>
        %add3A_663 = arith.addf %add3A_655, %mul3A_662 : vector<16xf32>
        %add3A_664 = arith.constant 6 : i32
        %add3A_665 = vector.broadcast %add3A_664 : i32 to vector<16xi32>
        %add3A_666 = arith.addi %scan3A_615, %add3A_665 : vector<16xi32>
        %gather3A_667 = tpu.vector_load_idx %arg10[%add3A_546, %add3A_666] : memref<80x128xf32, #tpu.memory_space<vmem>>[vector<16xi32>, vector<16xi32>], vector<16xf32>,
        %gather3A_668 = tpu.vector_load_idx %arg11[%add3A_546, %add3A_666] : memref<80x128xf32, #tpu.memory_space<vmem>>[vector<16xi32>, vector<16xi32>], vector<16xf32>,
        %sub3A_669 = arith.subf %gather3A_667, %gather3A_668 : vector<16xf32>
        %mul3A_670 = arith.mulf %sub3A_669, %sub3A_669 : vector<16xf32>
        %add3A_671 = arith.addf %add3A_663, %mul3A_670 : vector<16xf32>
        %add3A_672 = arith.constant 7 : i32
        %add3A_673 = vector.broadcast %add3A_672 : i32 to vector<16xi32>
        %add3A_674 = arith.addi %scan3A_615, %add3A_673 : vector<16xi32>
        %gather3A_675 = tpu.vector_load_idx %arg10[%add3A_546, %add3A_674] : memref<80x128xf32, #tpu.memory_space<vmem>>[vector<16xi32>, vector<16xi32>], vector<16xf32>,
        %gather3A_676 = tpu.vector_load_idx %arg11[%add3A_546, %add3A_674] : memref<80x128xf32, #tpu.memory_space<vmem>>[vector<16xi32>, vector<16xi32>], vector<16xf32>,
        %sub3A_677 = arith.subf %gather3A_675, %gather3A_676 : vector<16xf32>
        %mul3A_678 = arith.mulf %sub3A_677, %sub3A_677 : vector<16xf32>
        %add3A_679 = arith.addf %add3A_671, %mul3A_678 : vector<16xf32>
        %add3A_680 = arith.constant 8 : i32
        %add3A_681 = vector.broadcast %add3A_680 : i32 to vector<16xi32>
        %add3A_682 = arith.addi %scan3A_615, %add3A_681 : vector<16xi32>
        scf.yield %add3A_679, %add3A_682 : vector<16xf32>, vector<16xi32>
      }
      %scan3A_556 = arith.constant 16 : i32
      %broadcast_in_dim3A_557 = arith.constant 127 : i32
      %broadcast_in_dim3A_558 = vector.broadcast %broadcast_in_dim3A_557 : i32 to vector<16xi32>
      %gather3A_559 = tpu.vector_load_idx %arg10[%add3A_546, %broadcast_in_dim3A_558] : memref<80x128xf32, #tpu.memory_space<vmem>>[vector<16xi32>, vector<16xi32>], vector<16xf32>,
      %gather3A_560 = tpu.vector_load_idx %arg11[%add3A_546, %broadcast_in_dim3A_558] : memref<80x128xf32, #tpu.memory_space<vmem>>[vector<16xi32>, vector<16xi32>], vector<16xf32>,
      %sub3A_561 = arith.subf %gather3A_559, %gather3A_560 : vector<16xf32>
      %mul3A_562 = arith.mulf %sub3A_561, %sub3A_561 : vector<16xf32>
      %sub3A_563 = arith.subf %scan3A_555#0, %mul3A_562 : vector<16xf32>
      %neg3A_564 = arith.constant 0.000000e+00 : f32
      %neg3A_565 = vector.broadcast %neg3A_564 : f32 to vector<16xf32>
      %neg3A_566 = arith.subf %neg3A_565, %gather3A_560 : vector<16xf32>
      %exp3A_567 = math.exp %neg3A_566 : vector<16xf32>
      %mul3A_568 = arith.mulf %sub3A_563, %exp3A_567 : vector<16xf32>
      %add3A_569 = arith.constant 1.000000e+00 : f32
      %add3A_570 = vector.broadcast %add3A_569 : f32 to vector<16xf32>
      %add3A_571 = arith.addf %add3A_570, %mul3A_568 : vector<16xf32>
      %div3A_572 = arith.constant 1.000000e+00 : f32
      %div3A_573 = vector.broadcast %div3A_572 : f32 to vector<16xf32>
      %div3A_574 = arith.divf %div3A_573, %add3A_571 : vector<16xf32>
      %swap3A_575 = arith.index_cast %add3A_437 : i32 to index
      %swap3A_576 = arith.constant 48 : index
      %swap3A_577 = tpu.vector_load %arg12[%swap3A_575, %swap3A_576] {strides = array<i32>} : memref<125x80xf32, #tpu.memory_space<vmem>>, vector<16xf32>,
      tpu.vector_store %arg12[%swap3A_575, %swap3A_576], %div3A_574 {strides = array<i32>} : memref<125x80xf32, #tpu.memory_space<vmem>>, vector<16xf32>,
      %iota3A_578 = tpu.iota {dimensions = array<i32: 0>} : vector<16xi32>
      %add3A_579 = arith.constant 64 : i32
      %add3A_580 = vector.broadcast %add3A_579 : i32 to vector<16xi32>
      %add3A_581 = arith.addi %add3A_580, %iota3A_578 : vector<16xi32>
      %broadcast_in_dim3A_582 = arith.constant 0.000000e+00 : f32
      %broadcast_in_dim3A_583 = vector.broadcast %broadcast_in_dim3A_582 : f32 to vector<16xf32>
      %broadcast_in_dim3A_584 = arith.constant 0 : i32
      %broadcast_in_dim3A_585 = vector.broadcast %broadcast_in_dim3A_584 : i32 to vector<16xi32>
      %scan3A_586 = arith.constant 0 : i32
      %scan3A_587 = arith.constant 16 : i32
      %scan3A_588 = arith.addi %scan3A_586, %scan3A_587 : i32
      %scan3A_589 = arith.constant 1 : i32
      %scan3A_590:2 = scf.for %scan3A_613 = %scan3A_586 to %scan3A_588 step %scan3A_589 iter_args(%scan3A_614 = %broadcast_in_dim3A_583, %scan3A_615 = %broadcast_in_dim3A_585) -> (vector<16xf32>, vector<16xi32>)  : i32 {
        %add3A_616 = arith.constant 0 : i32
        %add3A_617 = vector.broadcast %add3A_616 : i32 to vector<16xi32>
        %add3A_618 = arith.addi %scan3A_615, %add3A_617 : vector<16xi32>
        %gather3A_619 = tpu.vector_load_idx %arg10[%add3A_581, %add3A_618] : memref<80x128xf32, #tpu.memory_space<vmem>>[vector<16xi32>, vector<16xi32>], vector<16xf32>,
        %gather3A_620 = tpu.vector_load_idx %arg11[%add3A_581, %add3A_618] : memref<80x128xf32, #tpu.memory_space<vmem>>[vector<16xi32>, vector<16xi32>], vector<16xf32>,
        %sub3A_621 = arith.subf %gather3A_619, %gather3A_620 : vector<16xf32>
        %mul3A_622 = arith.mulf %sub3A_621, %sub3A_621 : vector<16xf32>
        %add3A_623 = arith.addf %scan3A_614, %mul3A_622 : vector<16xf32>
        %add3A_624 = arith.constant 1 : i32
        %add3A_625 = vector.broadcast %add3A_624 : i32 to vector<16xi32>
        %add3A_626 = arith.addi %scan3A_615, %add3A_625 : vector<16xi32>
        %gather3A_627 = tpu.vector_load_idx %arg10[%add3A_581, %add3A_626] : memref<80x128xf32, #tpu.memory_space<vmem>>[vector<16xi32>, vector<16xi32>], vector<16xf32>,
        %gather3A_628 = tpu.vector_load_idx %arg11[%add3A_581, %add3A_626] : memref<80x128xf32, #tpu.memory_space<vmem>>[vector<16xi32>, vector<16xi32>], vector<16xf32>,
        %sub3A_629 = arith.subf %gather3A_627, %gather3A_628 : vector<16xf32>
        %mul3A_630 = arith.mulf %sub3A_629, %sub3A_629 : vector<16xf32>
        %add3A_631 = arith.addf %add3A_623, %mul3A_630 : vector<16xf32>
        %add3A_632 = arith.constant 2 : i32
        %add3A_633 = vector.broadcast %add3A_632 : i32 to vector<16xi32>
        %add3A_634 = arith.addi %scan3A_615, %add3A_633 : vector<16xi32>
        %gather3A_635 = tpu.vector_load_idx %arg10[%add3A_581, %add3A_634] : memref<80x128xf32, #tpu.memory_space<vmem>>[vector<16xi32>, vector<16xi32>], vector<16xf32>,
        %gather3A_636 = tpu.vector_load_idx %arg11[%add3A_581, %add3A_634] : memref<80x128xf32, #tpu.memory_space<vmem>>[vector<16xi32>, vector<16xi32>], vector<16xf32>,
        %sub3A_637 = arith.subf %gather3A_635, %gather3A_636 : vector<16xf32>
        %mul3A_638 = arith.mulf %sub3A_637, %sub3A_637 : vector<16xf32>
        %add3A_639 = arith.addf %add3A_631, %mul3A_638 : vector<16xf32>
        %add3A_640 = arith.constant 3 : i32
        %add3A_641 = vector.broadcast %add3A_640 : i32 to vector<16xi32>
        %add3A_642 = arith.addi %scan3A_615, %add3A_641 : vector<16xi32>
        %gather3A_643 = tpu.vector_load_idx %arg10[%add3A_581, %add3A_642] : memref<80x128xf32, #tpu.memory_space<vmem>>[vector<16xi32>, vector<16xi32>], vector<16xf32>,
        %gather3A_644 = tpu.vector_load_idx %arg11[%add3A_581, %add3A_642] : memref<80x128xf32, #tpu.memory_space<vmem>>[vector<16xi32>, vector<16xi32>], vector<16xf32>,
        %sub3A_645 = arith.subf %gather3A_643, %gather3A_644 : vector<16xf32>
        %mul3A_646 = arith.mulf %sub3A_645, %sub3A_645 : vector<16xf32>
        %add3A_647 = arith.addf %add3A_639, %mul3A_646 : vector<16xf32>
        %add3A_648 = arith.constant 4 : i32
        %add3A_649 = vector.broadcast %add3A_648 : i32 to vector<16xi32>
        %add3A_650 = arith.addi %scan3A_615, %add3A_649 : vector<16xi32>
        %gather3A_651 = tpu.vector_load_idx %arg10[%add3A_581, %add3A_650] : memref<80x128xf32, #tpu.memory_space<vmem>>[vector<16xi32>, vector<16xi32>], vector<16xf32>,
        %gather3A_652 = tpu.vector_load_idx %arg11[%add3A_581, %add3A_650] : memref<80x128xf32, #tpu.memory_space<vmem>>[vector<16xi32>, vector<16xi32>], vector<16xf32>,
        %sub3A_653 = arith.subf %gather3A_651, %gather3A_652 : vector<16xf32>
        %mul3A_654 = arith.mulf %sub3A_653, %sub3A_653 : vector<16xf32>
        %add3A_655 = arith.addf %add3A_647, %mul3A_654 : vector<16xf32>
        %add3A_656 = arith.constant 5 : i32
        %add3A_657 = vector.broadcast %add3A_656 : i32 to vector<16xi32>
        %add3A_658 = arith.addi %scan3A_615, %add3A_657 : vector<16xi32>
        %gather3A_659 = tpu.vector_load_idx %arg10[%add3A_581, %add3A_658] : memref<80x128xf32, #tpu.memory_space<vmem>>[vector<16xi32>, vector<16xi32>], vector<16xf32>,
        %gather3A_660 = tpu.vector_load_idx %arg11[%add3A_581, %add3A_658] : memref<80x128xf32, #tpu.memory_space<vmem>>[vector<16xi32>, vector<16xi32>], vector<16xf32>,
        %sub3A_661 = arith.subf %gather3A_659, %gather3A_660 : vector<16xf32>
        %mul3A_662 = arith.mulf %sub3A_661, %sub3A_661 : vector<16xf32>
        %add3A_663 = arith.addf %add3A_655, %mul3A_662 : vector<16xf32>
        %add3A_664 = arith.constant 6 : i32
        %add3A_665 = vector.broadcast %add3A_664 : i32 to vector<16xi32>
        %add3A_666 = arith.addi %scan3A_615, %add3A_665 : vector<16xi32>
        %gather3A_667 = tpu.vector_load_idx %arg10[%add3A_581, %add3A_666] : memref<80x128xf32, #tpu.memory_space<vmem>>[vector<16xi32>, vector<16xi32>], vector<16xf32>,
        %gather3A_668 = tpu.vector_load_idx %arg11[%add3A_581, %add3A_666] : memref<80x128xf32, #tpu.memory_space<vmem>>[vector<16xi32>, vector<16xi32>], vector<16xf32>,
        %sub3A_669 = arith.subf %gather3A_667, %gather3A_668 : vector<16xf32>
        %mul3A_670 = arith.mulf %sub3A_669, %sub3A_669 : vector<16xf32>
        %add3A_671 = arith.addf %add3A_663, %mul3A_670 : vector<16xf32>
        %add3A_672 = arith.constant 7 : i32
        %add3A_673 = vector.broadcast %add3A_672 : i32 to vector<16xi32>
        %add3A_674 = arith.addi %scan3A_615, %add3A_673 : vector<16xi32>
        %gather3A_675 = tpu.vector_load_idx %arg10[%add3A_581, %add3A_674] : memref<80x128xf32, #tpu.memory_space<vmem>>[vector<16xi32>, vector<16xi32>], vector<16xf32>,
        %gather3A_676 = tpu.vector_load_idx %arg11[%add3A_581, %add3A_674] : memref<80x128xf32, #tpu.memory_space<vmem>>[vector<16xi32>, vector<16xi32>], vector<16xf32>,
        %sub3A_677 = arith.subf %gather3A_675, %gather3A_676 : vector<16xf32>
        %mul3A_678 = arith.mulf %sub3A_677, %sub3A_677 : vector<16xf32>
        %add3A_679 = arith.addf %add3A_671, %mul3A_678 : vector<16xf32>
        %add3A_680 = arith.constant 8 : i32
        %add3A_681 = vector.broadcast %add3A_680 : i32 to vector<16xi32>
        %add3A_682 = arith.addi %scan3A_615, %add3A_681 : vector<16xi32>
        scf.yield %add3A_679, %add3A_682 : vector<16xf32>, vector<16xi32>
      }
      %scan3A_591 = arith.constant 16 : i32
      %broadcast_in_dim3A_592 = arith.constant 127 : i32
      %broadcast_in_dim3A_593 = vector.broadcast %broadcast_in_dim3A_592 : i32 to vector<16xi32>
      %gather3A_594 = tpu.vector_load_idx %arg10[%add3A_581, %broadcast_in_dim3A_593] : memref<80x128xf32, #tpu.memory_space<vmem>>[vector<16xi32>, vector<16xi32>], vector<16xf32>,
      %gather3A_595 = tpu.vector_load_idx %arg11[%add3A_581, %broadcast_in_dim3A_593] : memref<80x128xf32, #tpu.memory_space<vmem>>[vector<16xi32>, vector<16xi32>], vector<16xf32>,
      %sub3A_596 = arith.subf %gather3A_594, %gather3A_595 : vector<16xf32>
      %mul3A_597 = arith.mulf %sub3A_596, %sub3A_596 : vector<16xf32>
      %sub3A_598 = arith.subf %scan3A_590#0, %mul3A_597 : vector<16xf32>
      %neg3A_599 = arith.constant 0.000000e+00 : f32
      %neg3A_600 = vector.broadcast %neg3A_599 : f32 to vector<16xf32>
      %neg3A_601 = arith.subf %neg3A_600, %gather3A_595 : vector<16xf32>
      %exp3A_602 = math.exp %neg3A_601 : vector<16xf32>
      %mul3A_603 = arith.mulf %sub3A_598, %exp3A_602 : vector<16xf32>
      %add3A_604 = arith.constant 1.000000e+00 : f32
      %add3A_605 = vector.broadcast %add3A_604 : f32 to vector<16xf32>
      %add3A_606 = arith.addf %add3A_605, %mul3A_603 : vector<16xf32>
      %div3A_607 = arith.constant 1.000000e+00 : f32
      %div3A_608 = vector.broadcast %div3A_607 : f32 to vector<16xf32>
      %div3A_609 = arith.divf %div3A_608, %add3A_606 : vector<16xf32>
      %swap3A_610 = arith.index_cast %add3A_437 : i32 to index
      %swap3A_611 = arith.constant 64 : index
      %swap3A_612 = tpu.vector_load %arg12[%swap3A_610, %swap3A_611] {strides = array<i32>} : memref<125x80xf32, #tpu.memory_space<vmem>>, vector<16xf32>,
      tpu.vector_store %arg12[%swap3A_610, %swap3A_611], %div3A_609 {strides = array<i32>} : memref<125x80xf32, #tpu.memory_space<vmem>>, vector<16xf32>,
    }
    %scan3A_18 = arith.constant 62 : i32
    %dma_wait3A = arith.constant 124 : i32
    %dma_wait3A_19 = arith.constant 0 : i32
    %dma_wait3A_20 = tpu.memref_slice %arg6[%dma_wait3A, %dma_wait3A_19] : memref<125x80xi32, #tpu.memory_space<vmem>> -> memref<1x80xi32, #tpu.memory_space<vmem>>
    %dma_wait3A_21 = tpu.memref_squeeze %dma_wait3A_20 : memref<1x80xi32, #tpu.memory_space<vmem>> -> memref<80xi32, #tpu.memory_space<vmem>>
    %dma_wait3A_22 = arith.constant 0 : i32
    %dma_wait3A_23 = arith.constant 0 : i32
    %dma_wait3A_24 = tpu.memref_slice %arg2[%dma_wait3A_22, %dma_wait3A_23] : memref<10000x128xf32, #tpu.memory_space<hbm>> -> memref<10000x128xf32, #tpu.memory_space<hbm>>
    tpu.wait_indirect_dma semaphore(%arg13 : memref<!tpu.dma_semaphore, #tpu.memory_space<semaphore_mem>>) src(%dma_wait3A_24 : memref<10000x128xf32, #tpu.memory_space<hbm>>) dst(%arg8 : memref<80x128xf32, #tpu.memory_space<vmem>>)
    %dma_wait3A_25 = arith.constant 124 : i32
    %dma_wait3A_26 = arith.constant 0 : i32
    %dma_wait3A_27 = tpu.memref_slice %arg7[%dma_wait3A_25, %dma_wait3A_26] : memref<125x80xi32, #tpu.memory_space<vmem>> -> memref<1x80xi32, #tpu.memory_space<vmem>>
    %dma_wait3A_28 = tpu.memref_squeeze %dma_wait3A_27 : memref<1x80xi32, #tpu.memory_space<vmem>> -> memref<80xi32, #tpu.memory_space<vmem>>
    %dma_wait3A_29 = arith.constant 0 : i32
    %dma_wait3A_30 = arith.constant 0 : i32
    %dma_wait3A_31 = tpu.memref_slice %arg2[%dma_wait3A_29, %dma_wait3A_30] : memref<10000x128xf32, #tpu.memory_space<hbm>> -> memref<10000x128xf32, #tpu.memory_space<hbm>>
    tpu.wait_indirect_dma semaphore(%arg14 : memref<!tpu.dma_semaphore, #tpu.memory_space<semaphore_mem>>) src(%dma_wait3A_31 : memref<10000x128xf32, #tpu.memory_space<hbm>>) dst(%arg9 : memref<80x128xf32, #tpu.memory_space<vmem>>)
    %iota3A = tpu.iota {dimensions = array<i32: 0>} : vector<16xi32>
    %add3A_32 = arith.constant 0 : i32
    %add3A_33 = vector.broadcast %add3A_32 : i32 to vector<16xi32>
    %add3A_34 = arith.addi %add3A_33, %iota3A : vector<16xi32>
    %broadcast_in_dim3A = arith.constant 0.000000e+00 : f32
    %broadcast_in_dim3A_35 = vector.broadcast %broadcast_in_dim3A : f32 to vector<16xf32>
    %broadcast_in_dim3A_36 = arith.constant 0 : i32
    %broadcast_in_dim3A_37 = vector.broadcast %broadcast_in_dim3A_36 : i32 to vector<16xi32>
    %scan3A_38 = arith.constant 0 : i32
    %scan3A_39 = arith.constant 16 : i32
    %scan3A_40 = arith.addi %scan3A_38, %scan3A_39 : i32
    %scan3A_41 = arith.constant 1 : i32
    %scan3A_42:2 = scf.for %scan3A_204 = %scan3A_38 to %scan3A_40 step %scan3A_41 iter_args(%scan3A_205 = %broadcast_in_dim3A_35, %scan3A_206 = %broadcast_in_dim3A_37) -> (vector<16xf32>, vector<16xi32>)  : i32 {
      %add3A_207 = arith.constant 0 : i32
      %add3A_208 = vector.broadcast %add3A_207 : i32 to vector<16xi32>
      %add3A_209 = arith.addi %scan3A_206, %add3A_208 : vector<16xi32>
      %gather3A_210 = tpu.vector_load_idx %arg8[%add3A_34, %add3A_209] : memref<80x128xf32, #tpu.memory_space<vmem>>[vector<16xi32>, vector<16xi32>], vector<16xf32>,
      %gather3A_211 = tpu.vector_load_idx %arg9[%add3A_34, %add3A_209] : memref<80x128xf32, #tpu.memory_space<vmem>>[vector<16xi32>, vector<16xi32>], vector<16xf32>,
      %sub3A_212 = arith.subf %gather3A_210, %gather3A_211 : vector<16xf32>
      %mul3A_213 = arith.mulf %sub3A_212, %sub3A_212 : vector<16xf32>
      %add3A_214 = arith.addf %scan3A_205, %mul3A_213 : vector<16xf32>
      %add3A_215 = arith.constant 1 : i32
      %add3A_216 = vector.broadcast %add3A_215 : i32 to vector<16xi32>
      %add3A_217 = arith.addi %scan3A_206, %add3A_216 : vector<16xi32>
      %gather3A_218 = tpu.vector_load_idx %arg8[%add3A_34, %add3A_217] : memref<80x128xf32, #tpu.memory_space<vmem>>[vector<16xi32>, vector<16xi32>], vector<16xf32>,
      %gather3A_219 = tpu.vector_load_idx %arg9[%add3A_34, %add3A_217] : memref<80x128xf32, #tpu.memory_space<vmem>>[vector<16xi32>, vector<16xi32>], vector<16xf32>,
      %sub3A_220 = arith.subf %gather3A_218, %gather3A_219 : vector<16xf32>
      %mul3A_221 = arith.mulf %sub3A_220, %sub3A_220 : vector<16xf32>
      %add3A_222 = arith.addf %add3A_214, %mul3A_221 : vector<16xf32>
      %add3A_223 = arith.constant 2 : i32
      %add3A_224 = vector.broadcast %add3A_223 : i32 to vector<16xi32>
      %add3A_225 = arith.addi %scan3A_206, %add3A_224 : vector<16xi32>
      %gather3A_226 = tpu.vector_load_idx %arg8[%add3A_34, %add3A_225] : memref<80x128xf32, #tpu.memory_space<vmem>>[vector<16xi32>, vector<16xi32>], vector<16xf32>,
      %gather3A_227 = tpu.vector_load_idx %arg9[%add3A_34, %add3A_225] : memref<80x128xf32, #tpu.memory_space<vmem>>[vector<16xi32>, vector<16xi32>], vector<16xf32>,
      %sub3A_228 = arith.subf %gather3A_226, %gather3A_227 : vector<16xf32>
      %mul3A_229 = arith.mulf %sub3A_228, %sub3A_228 : vector<16xf32>
      %add3A_230 = arith.addf %add3A_222, %mul3A_229 : vector<16xf32>
      %add3A_231 = arith.constant 3 : i32
      %add3A_232 = vector.broadcast %add3A_231 : i32 to vector<16xi32>
      %add3A_233 = arith.addi %scan3A_206, %add3A_232 : vector<16xi32>
      %gather3A_234 = tpu.vector_load_idx %arg8[%add3A_34, %add3A_233] : memref<80x128xf32, #tpu.memory_space<vmem>>[vector<16xi32>, vector<16xi32>], vector<16xf32>,
      %gather3A_235 = tpu.vector_load_idx %arg9[%add3A_34, %add3A_233] : memref<80x128xf32, #tpu.memory_space<vmem>>[vector<16xi32>, vector<16xi32>], vector<16xf32>,
      %sub3A_236 = arith.subf %gather3A_234, %gather3A_235 : vector<16xf32>
      %mul3A_237 = arith.mulf %sub3A_236, %sub3A_236 : vector<16xf32>
      %add3A_238 = arith.addf %add3A_230, %mul3A_237 : vector<16xf32>
      %add3A_239 = arith.constant 4 : i32
      %add3A_240 = vector.broadcast %add3A_239 : i32 to vector<16xi32>
      %add3A_241 = arith.addi %scan3A_206, %add3A_240 : vector<16xi32>
      %gather3A_242 = tpu.vector_load_idx %arg8[%add3A_34, %add3A_241] : memref<80x128xf32, #tpu.memory_space<vmem>>[vector<16xi32>, vector<16xi32>], vector<16xf32>,
      %gather3A_243 = tpu.vector_load_idx %arg9[%add3A_34, %add3A_241] : memref<80x128xf32, #tpu.memory_space<vmem>>[vector<16xi32>, vector<16xi32>], vector<16xf32>,
      %sub3A_244 = arith.subf %gather3A_242, %gather3A_243 : vector<16xf32>
      %mul3A_245 = arith.mulf %sub3A_244, %sub3A_244 : vector<16xf32>
      %add3A_246 = arith.addf %add3A_238, %mul3A_245 : vector<16xf32>
      %add3A_247 = arith.constant 5 : i32
      %add3A_248 = vector.broadcast %add3A_247 : i32 to vector<16xi32>
      %add3A_249 = arith.addi %scan3A_206, %add3A_248 : vector<16xi32>
      %gather3A_250 = tpu.vector_load_idx %arg8[%add3A_34, %add3A_249] : memref<80x128xf32, #tpu.memory_space<vmem>>[vector<16xi32>, vector<16xi32>], vector<16xf32>,
      %gather3A_251 = tpu.vector_load_idx %arg9[%add3A_34, %add3A_249] : memref<80x128xf32, #tpu.memory_space<vmem>>[vector<16xi32>, vector<16xi32>], vector<16xf32>,
      %sub3A_252 = arith.subf %gather3A_250, %gather3A_251 : vector<16xf32>
      %mul3A_253 = arith.mulf %sub3A_252, %sub3A_252 : vector<16xf32>
      %add3A_254 = arith.addf %add3A_246, %mul3A_253 : vector<16xf32>
      %add3A_255 = arith.constant 6 : i32
      %add3A_256 = vector.broadcast %add3A_255 : i32 to vector<16xi32>
      %add3A_257 = arith.addi %scan3A_206, %add3A_256 : vector<16xi32>
      %gather3A_258 = tpu.vector_load_idx %arg8[%add3A_34, %add3A_257] : memref<80x128xf32, #tpu.memory_space<vmem>>[vector<16xi32>, vector<16xi32>], vector<16xf32>,
      %gather3A_259 = tpu.vector_load_idx %arg9[%add3A_34, %add3A_257] : memref<80x128xf32, #tpu.memory_space<vmem>>[vector<16xi32>, vector<16xi32>], vector<16xf32>,
      %sub3A_260 = arith.subf %gather3A_258, %gather3A_259 : vector<16xf32>
      %mul3A_261 = arith.mulf %sub3A_260, %sub3A_260 : vector<16xf32>
      %add3A_262 = arith.addf %add3A_254, %mul3A_261 : vector<16xf32>
      %add3A_263 = arith.constant 7 : i32
      %add3A_264 = vector.broadcast %add3A_263 : i32 to vector<16xi32>
      %add3A_265 = arith.addi %scan3A_206, %add3A_264 : vector<16xi32>
      %gather3A_266 = tpu.vector_load_idx %arg8[%add3A_34, %add3A_265] : memref<80x128xf32, #tpu.memory_space<vmem>>[vector<16xi32>, vector<16xi32>], vector<16xf32>,
      %gather3A_267 = tpu.vector_load_idx %arg9[%add3A_34, %add3A_265] : memref<80x128xf32, #tpu.memory_space<vmem>>[vector<16xi32>, vector<16xi32>], vector<16xf32>,
      %sub3A_268 = arith.subf %gather3A_266, %gather3A_267 : vector<16xf32>
      %mul3A_269 = arith.mulf %sub3A_268, %sub3A_268 : vector<16xf32>
      %add3A_270 = arith.addf %add3A_262, %mul3A_269 : vector<16xf32>
      %add3A_271 = arith.constant 8 : i32
      %add3A_272 = vector.broadcast %add3A_271 : i32 to vector<16xi32>
      %add3A_273 = arith.addi %scan3A_206, %add3A_272 : vector<16xi32>
      scf.yield %add3A_270, %add3A_273 : vector<16xf32>, vector<16xi32>
    }
    %scan3A_43 = arith.constant 16 : i32
    %broadcast_in_dim3A_44 = arith.constant 127 : i32
    %broadcast_in_dim3A_45 = vector.broadcast %broadcast_in_dim3A_44 : i32 to vector<16xi32>
    %gather3A = tpu.vector_load_idx %arg8[%add3A_34, %broadcast_in_dim3A_45] : memref<80x128xf32, #tpu.memory_space<vmem>>[vector<16xi32>, vector<16xi32>], vector<16xf32>,
    %gather3A_46 = tpu.vector_load_idx %arg9[%add3A_34, %broadcast_in_dim3A_45] : memref<80x128xf32, #tpu.memory_space<vmem>>[vector<16xi32>, vector<16xi32>], vector<16xf32>,
    %sub3A = arith.subf %gather3A, %gather3A_46 : vector<16xf32>
    %mul3A_47 = arith.mulf %sub3A, %sub3A : vector<16xf32>
    %sub3A_48 = arith.subf %scan3A_42#0, %mul3A_47 : vector<16xf32>
    %neg3A = arith.constant 0.000000e+00 : f32
    %neg3A_49 = vector.broadcast %neg3A : f32 to vector<16xf32>
    %neg3A_50 = arith.subf %neg3A_49, %gather3A_46 : vector<16xf32>
    %exp3A = math.exp %neg3A_50 : vector<16xf32>
    %mul3A_51 = arith.mulf %sub3A_48, %exp3A : vector<16xf32>
    %add3A_52 = arith.constant 1.000000e+00 : f32
    %add3A_53 = vector.broadcast %add3A_52 : f32 to vector<16xf32>
    %add3A_54 = arith.addf %add3A_53, %mul3A_51 : vector<16xf32>
    %div3A = arith.constant 1.000000e+00 : f32
    %div3A_55 = vector.broadcast %div3A : f32 to vector<16xf32>
    %div3A_56 = arith.divf %div3A_55, %add3A_54 : vector<16xf32>
    %swap3A = arith.constant 124 : i32
    %swap3A_57 = arith.index_cast %swap3A : i32 to index
    %swap3A_58 = arith.constant 0 : index
    %swap3A_59 = tpu.vector_load %arg12[%swap3A_57, %swap3A_58] {strides = array<i32>} : memref<125x80xf32, #tpu.memory_space<vmem>>, vector<16xf32>,
    tpu.vector_store %arg12[%swap3A_57, %swap3A_58], %div3A_56 {strides = array<i32>} : memref<125x80xf32, #tpu.memory_space<vmem>>, vector<16xf32>,
    %iota3A_60 = tpu.iota {dimensions = array<i32: 0>} : vector<16xi32>
    %add3A_61 = arith.constant 16 : i32
    %add3A_62 = vector.broadcast %add3A_61 : i32 to vector<16xi32>
    %add3A_63 = arith.addi %add3A_62, %iota3A_60 : vector<16xi32>
    %broadcast_in_dim3A_64 = arith.constant 0.000000e+00 : f32
    %broadcast_in_dim3A_65 = vector.broadcast %broadcast_in_dim3A_64 : f32 to vector<16xf32>
    %broadcast_in_dim3A_66 = arith.constant 0 : i32
    %broadcast_in_dim3A_67 = vector.broadcast %broadcast_in_dim3A_66 : i32 to vector<16xi32>
    %scan3A_68 = arith.constant 0 : i32
    %scan3A_69 = arith.constant 16 : i32
    %scan3A_70 = arith.addi %scan3A_68, %scan3A_69 : i32
    %scan3A_71 = arith.constant 1 : i32
    %scan3A_72:2 = scf.for %scan3A_204 = %scan3A_68 to %scan3A_70 step %scan3A_71 iter_args(%scan3A_205 = %broadcast_in_dim3A_65, %scan3A_206 = %broadcast_in_dim3A_67) -> (vector<16xf32>, vector<16xi32>)  : i32 {
      %add3A_207 = arith.constant 0 : i32
      %add3A_208 = vector.broadcast %add3A_207 : i32 to vector<16xi32>
      %add3A_209 = arith.addi %scan3A_206, %add3A_208 : vector<16xi32>
      %gather3A_210 = tpu.vector_load_idx %arg8[%add3A_63, %add3A_209] : memref<80x128xf32, #tpu.memory_space<vmem>>[vector<16xi32>, vector<16xi32>], vector<16xf32>,
      %gather3A_211 = tpu.vector_load_idx %arg9[%add3A_63, %add3A_209] : memref<80x128xf32, #tpu.memory_space<vmem>>[vector<16xi32>, vector<16xi32>], vector<16xf32>,
      %sub3A_212 = arith.subf %gather3A_210, %gather3A_211 : vector<16xf32>
      %mul3A_213 = arith.mulf %sub3A_212, %sub3A_212 : vector<16xf32>
      %add3A_214 = arith.addf %scan3A_205, %mul3A_213 : vector<16xf32>
      %add3A_215 = arith.constant 1 : i32
      %add3A_216 = vector.broadcast %add3A_215 : i32 to vector<16xi32>
      %add3A_217 = arith.addi %scan3A_206, %add3A_216 : vector<16xi32>
      %gather3A_218 = tpu.vector_load_idx %arg8[%add3A_63, %add3A_217] : memref<80x128xf32, #tpu.memory_space<vmem>>[vector<16xi32>, vector<16xi32>], vector<16xf32>,
      %gather3A_219 = tpu.vector_load_idx %arg9[%add3A_63, %add3A_217] : memref<80x128xf32, #tpu.memory_space<vmem>>[vector<16xi32>, vector<16xi32>], vector<16xf32>,
      %sub3A_220 = arith.subf %gather3A_218, %gather3A_219 : vector<16xf32>
      %mul3A_221 = arith.mulf %sub3A_220, %sub3A_220 : vector<16xf32>
      %add3A_222 = arith.addf %add3A_214, %mul3A_221 : vector<16xf32>
      %add3A_223 = arith.constant 2 : i32
      %add3A_224 = vector.broadcast %add3A_223 : i32 to vector<16xi32>
      %add3A_225 = arith.addi %scan3A_206, %add3A_224 : vector<16xi32>
      %gather3A_226 = tpu.vector_load_idx %arg8[%add3A_63, %add3A_225] : memref<80x128xf32, #tpu.memory_space<vmem>>[vector<16xi32>, vector<16xi32>], vector<16xf32>,
      %gather3A_227 = tpu.vector_load_idx %arg9[%add3A_63, %add3A_225] : memref<80x128xf32, #tpu.memory_space<vmem>>[vector<16xi32>, vector<16xi32>], vector<16xf32>,
      %sub3A_228 = arith.subf %gather3A_226, %gather3A_227 : vector<16xf32>
      %mul3A_229 = arith.mulf %sub3A_228, %sub3A_228 : vector<16xf32>
      %add3A_230 = arith.addf %add3A_222, %mul3A_229 : vector<16xf32>
      %add3A_231 = arith.constant 3 : i32
      %add3A_232 = vector.broadcast %add3A_231 : i32 to vector<16xi32>
      %add3A_233 = arith.addi %scan3A_206, %add3A_232 : vector<16xi32>
      %gather3A_234 = tpu.vector_load_idx %arg8[%add3A_63, %add3A_233] : memref<80x128xf32, #tpu.memory_space<vmem>>[vector<16xi32>, vector<16xi32>], vector<16xf32>,
      %gather3A_235 = tpu.vector_load_idx %arg9[%add3A_63, %add3A_233] : memref<80x128xf32, #tpu.memory_space<vmem>>[vector<16xi32>, vector<16xi32>], vector<16xf32>,
      %sub3A_236 = arith.subf %gather3A_234, %gather3A_235 : vector<16xf32>
      %mul3A_237 = arith.mulf %sub3A_236, %sub3A_236 : vector<16xf32>
      %add3A_238 = arith.addf %add3A_230, %mul3A_237 : vector<16xf32>
      %add3A_239 = arith.constant 4 : i32
      %add3A_240 = vector.broadcast %add3A_239 : i32 to vector<16xi32>
      %add3A_241 = arith.addi %scan3A_206, %add3A_240 : vector<16xi32>
      %gather3A_242 = tpu.vector_load_idx %arg8[%add3A_63, %add3A_241] : memref<80x128xf32, #tpu.memory_space<vmem>>[vector<16xi32>, vector<16xi32>], vector<16xf32>,
      %gather3A_243 = tpu.vector_load_idx %arg9[%add3A_63, %add3A_241] : memref<80x128xf32, #tpu.memory_space<vmem>>[vector<16xi32>, vector<16xi32>], vector<16xf32>,
      %sub3A_244 = arith.subf %gather3A_242, %gather3A_243 : vector<16xf32>
      %mul3A_245 = arith.mulf %sub3A_244, %sub3A_244 : vector<16xf32>
      %add3A_246 = arith.addf %add3A_238, %mul3A_245 : vector<16xf32>
      %add3A_247 = arith.constant 5 : i32
      %add3A_248 = vector.broadcast %add3A_247 : i32 to vector<16xi32>
      %add3A_249 = arith.addi %scan3A_206, %add3A_248 : vector<16xi32>
      %gather3A_250 = tpu.vector_load_idx %arg8[%add3A_63, %add3A_249] : memref<80x128xf32, #tpu.memory_space<vmem>>[vector<16xi32>, vector<16xi32>], vector<16xf32>,
      %gather3A_251 = tpu.vector_load_idx %arg9[%add3A_63, %add3A_249] : memref<80x128xf32, #tpu.memory_space<vmem>>[vector<16xi32>, vector<16xi32>], vector<16xf32>,
      %sub3A_252 = arith.subf %gather3A_250, %gather3A_251 : vector<16xf32>
      %mul3A_253 = arith.mulf %sub3A_252, %sub3A_252 : vector<16xf32>
      %add3A_254 = arith.addf %add3A_246, %mul3A_253 : vector<16xf32>
      %add3A_255 = arith.constant 6 : i32
      %add3A_256 = vector.broadcast %add3A_255 : i32 to vector<16xi32>
      %add3A_257 = arith.addi %scan3A_206, %add3A_256 : vector<16xi32>
      %gather3A_258 = tpu.vector_load_idx %arg8[%add3A_63, %add3A_257] : memref<80x128xf32, #tpu.memory_space<vmem>>[vector<16xi32>, vector<16xi32>], vector<16xf32>,
      %gather3A_259 = tpu.vector_load_idx %arg9[%add3A_63, %add3A_257] : memref<80x128xf32, #tpu.memory_space<vmem>>[vector<16xi32>, vector<16xi32>], vector<16xf32>,
      %sub3A_260 = arith.subf %gather3A_258, %gather3A_259 : vector<16xf32>
      %mul3A_261 = arith.mulf %sub3A_260, %sub3A_260 : vector<16xf32>
      %add3A_262 = arith.addf %add3A_254, %mul3A_261 : vector<16xf32>
      %add3A_263 = arith.constant 7 : i32
      %add3A_264 = vector.broadcast %add3A_263 : i32 to vector<16xi32>
      %add3A_265 = arith.addi %scan3A_206, %add3A_264 : vector<16xi32>
      %gather3A_266 = tpu.vector_load_idx %arg8[%add3A_63, %add3A_265] : memref<80x128xf32, #tpu.memory_space<vmem>>[vector<16xi32>, vector<16xi32>], vector<16xf32>,
      %gather3A_267 = tpu.vector_load_idx %arg9[%add3A_63, %add3A_265] : memref<80x128xf32, #tpu.memory_space<vmem>>[vector<16xi32>, vector<16xi32>], vector<16xf32>,
      %sub3A_268 = arith.subf %gather3A_266, %gather3A_267 : vector<16xf32>
      %mul3A_269 = arith.mulf %sub3A_268, %sub3A_268 : vector<16xf32>
      %add3A_270 = arith.addf %add3A_262, %mul3A_269 : vector<16xf32>
      %add3A_271 = arith.constant 8 : i32
      %add3A_272 = vector.broadcast %add3A_271 : i32 to vector<16xi32>
      %add3A_273 = arith.addi %scan3A_206, %add3A_272 : vector<16xi32>
      scf.yield %add3A_270, %add3A_273 : vector<16xf32>, vector<16xi32>
    }
    %scan3A_73 = arith.constant 16 : i32
    %broadcast_in_dim3A_74 = arith.constant 127 : i32
    %broadcast_in_dim3A_75 = vector.broadcast %broadcast_in_dim3A_74 : i32 to vector<16xi32>
    %gather3A_76 = tpu.vector_load_idx %arg8[%add3A_63, %broadcast_in_dim3A_75] : memref<80x128xf32, #tpu.memory_space<vmem>>[vector<16xi32>, vector<16xi32>], vector<16xf32>,
    %gather3A_77 = tpu.vector_load_idx %arg9[%add3A_63, %broadcast_in_dim3A_75] : memref<80x128xf32, #tpu.memory_space<vmem>>[vector<16xi32>, vector<16xi32>], vector<16xf32>,
    %sub3A_78 = arith.subf %gather3A_76, %gather3A_77 : vector<16xf32>
    %mul3A_79 = arith.mulf %sub3A_78, %sub3A_78 : vector<16xf32>
    %sub3A_80 = arith.subf %scan3A_72#0, %mul3A_79 : vector<16xf32>
    %neg3A_81 = arith.constant 0.000000e+00 : f32
    %neg3A_82 = vector.broadcast %neg3A_81 : f32 to vector<16xf32>
    %neg3A_83 = arith.subf %neg3A_82, %gather3A_77 : vector<16xf32>
    %exp3A_84 = math.exp %neg3A_83 : vector<16xf32>
    %mul3A_85 = arith.mulf %sub3A_80, %exp3A_84 : vector<16xf32>
    %add3A_86 = arith.constant 1.000000e+00 : f32
    %add3A_87 = vector.broadcast %add3A_86 : f32 to vector<16xf32>
    %add3A_88 = arith.addf %add3A_87, %mul3A_85 : vector<16xf32>
    %div3A_89 = arith.constant 1.000000e+00 : f32
    %div3A_90 = vector.broadcast %div3A_89 : f32 to vector<16xf32>
    %div3A_91 = arith.divf %div3A_90, %add3A_88 : vector<16xf32>
    %swap3A_92 = arith.constant 124 : i32
    %swap3A_93 = arith.index_cast %swap3A_92 : i32 to index
    %swap3A_94 = arith.constant 16 : index
    %swap3A_95 = tpu.vector_load %arg12[%swap3A_93, %swap3A_94] {strides = array<i32>} : memref<125x80xf32, #tpu.memory_space<vmem>>, vector<16xf32>,
    tpu.vector_store %arg12[%swap3A_93, %swap3A_94], %div3A_91 {strides = array<i32>} : memref<125x80xf32, #tpu.memory_space<vmem>>, vector<16xf32>,
    %iota3A_96 = tpu.iota {dimensions = array<i32: 0>} : vector<16xi32>
    %add3A_97 = arith.constant 32 : i32
    %add3A_98 = vector.broadcast %add3A_97 : i32 to vector<16xi32>
    %add3A_99 = arith.addi %add3A_98, %iota3A_96 : vector<16xi32>
    %broadcast_in_dim3A_100 = arith.constant 0.000000e+00 : f32
    %broadcast_in_dim3A_101 = vector.broadcast %broadcast_in_dim3A_100 : f32 to vector<16xf32>
    %broadcast_in_dim3A_102 = arith.constant 0 : i32
    %broadcast_in_dim3A_103 = vector.broadcast %broadcast_in_dim3A_102 : i32 to vector<16xi32>
    %scan3A_104 = arith.constant 0 : i32
    %scan3A_105 = arith.constant 16 : i32
    %scan3A_106 = arith.addi %scan3A_104, %scan3A_105 : i32
    %scan3A_107 = arith.constant 1 : i32
    %scan3A_108:2 = scf.for %scan3A_204 = %scan3A_104 to %scan3A_106 step %scan3A_107 iter_args(%scan3A_205 = %broadcast_in_dim3A_101, %scan3A_206 = %broadcast_in_dim3A_103) -> (vector<16xf32>, vector<16xi32>)  : i32 {
      %add3A_207 = arith.constant 0 : i32
      %add3A_208 = vector.broadcast %add3A_207 : i32 to vector<16xi32>
      %add3A_209 = arith.addi %scan3A_206, %add3A_208 : vector<16xi32>
      %gather3A_210 = tpu.vector_load_idx %arg8[%add3A_99, %add3A_209] : memref<80x128xf32, #tpu.memory_space<vmem>>[vector<16xi32>, vector<16xi32>], vector<16xf32>,
      %gather3A_211 = tpu.vector_load_idx %arg9[%add3A_99, %add3A_209] : memref<80x128xf32, #tpu.memory_space<vmem>>[vector<16xi32>, vector<16xi32>], vector<16xf32>,
      %sub3A_212 = arith.subf %gather3A_210, %gather3A_211 : vector<16xf32>
      %mul3A_213 = arith.mulf %sub3A_212, %sub3A_212 : vector<16xf32>
      %add3A_214 = arith.addf %scan3A_205, %mul3A_213 : vector<16xf32>
      %add3A_215 = arith.constant 1 : i32
      %add3A_216 = vector.broadcast %add3A_215 : i32 to vector<16xi32>
      %add3A_217 = arith.addi %scan3A_206, %add3A_216 : vector<16xi32>
      %gather3A_218 = tpu.vector_load_idx %arg8[%add3A_99, %add3A_217] : memref<80x128xf32, #tpu.memory_space<vmem>>[vector<16xi32>, vector<16xi32>], vector<16xf32>,
      %gather3A_219 = tpu.vector_load_idx %arg9[%add3A_99, %add3A_217] : memref<80x128xf32, #tpu.memory_space<vmem>>[vector<16xi32>, vector<16xi32>], vector<16xf32>,
      %sub3A_220 = arith.subf %gather3A_218, %gather3A_219 : vector<16xf32>
      %mul3A_221 = arith.mulf %sub3A_220, %sub3A_220 : vector<16xf32>
      %add3A_222 = arith.addf %add3A_214, %mul3A_221 : vector<16xf32>
      %add3A_223 = arith.constant 2 : i32
      %add3A_224 = vector.broadcast %add3A_223 : i32 to vector<16xi32>
      %add3A_225 = arith.addi %scan3A_206, %add3A_224 : vector<16xi32>
      %gather3A_226 = tpu.vector_load_idx %arg8[%add3A_99, %add3A_225] : memref<80x128xf32, #tpu.memory_space<vmem>>[vector<16xi32>, vector<16xi32>], vector<16xf32>,
      %gather3A_227 = tpu.vector_load_idx %arg9[%add3A_99, %add3A_225] : memref<80x128xf32, #tpu.memory_space<vmem>>[vector<16xi32>, vector<16xi32>], vector<16xf32>,
      %sub3A_228 = arith.subf %gather3A_226, %gather3A_227 : vector<16xf32>
      %mul3A_229 = arith.mulf %sub3A_228, %sub3A_228 : vector<16xf32>
      %add3A_230 = arith.addf %add3A_222, %mul3A_229 : vector<16xf32>
      %add3A_231 = arith.constant 3 : i32
      %add3A_232 = vector.broadcast %add3A_231 : i32 to vector<16xi32>
      %add3A_233 = arith.addi %scan3A_206, %add3A_232 : vector<16xi32>
      %gather3A_234 = tpu.vector_load_idx %arg8[%add3A_99, %add3A_233] : memref<80x128xf32, #tpu.memory_space<vmem>>[vector<16xi32>, vector<16xi32>], vector<16xf32>,
      %gather3A_235 = tpu.vector_load_idx %arg9[%add3A_99, %add3A_233] : memref<80x128xf32, #tpu.memory_space<vmem>>[vector<16xi32>, vector<16xi32>], vector<16xf32>,
      %sub3A_236 = arith.subf %gather3A_234, %gather3A_235 : vector<16xf32>
      %mul3A_237 = arith.mulf %sub3A_236, %sub3A_236 : vector<16xf32>
      %add3A_238 = arith.addf %add3A_230, %mul3A_237 : vector<16xf32>
      %add3A_239 = arith.constant 4 : i32
      %add3A_240 = vector.broadcast %add3A_239 : i32 to vector<16xi32>
      %add3A_241 = arith.addi %scan3A_206, %add3A_240 : vector<16xi32>
      %gather3A_242 = tpu.vector_load_idx %arg8[%add3A_99, %add3A_241] : memref<80x128xf32, #tpu.memory_space<vmem>>[vector<16xi32>, vector<16xi32>], vector<16xf32>,
      %gather3A_243 = tpu.vector_load_idx %arg9[%add3A_99, %add3A_241] : memref<80x128xf32, #tpu.memory_space<vmem>>[vector<16xi32>, vector<16xi32>], vector<16xf32>,
      %sub3A_244 = arith.subf %gather3A_242, %gather3A_243 : vector<16xf32>
      %mul3A_245 = arith.mulf %sub3A_244, %sub3A_244 : vector<16xf32>
      %add3A_246 = arith.addf %add3A_238, %mul3A_245 : vector<16xf32>
      %add3A_247 = arith.constant 5 : i32
      %add3A_248 = vector.broadcast %add3A_247 : i32 to vector<16xi32>
      %add3A_249 = arith.addi %scan3A_206, %add3A_248 : vector<16xi32>
      %gather3A_250 = tpu.vector_load_idx %arg8[%add3A_99, %add3A_249] : memref<80x128xf32, #tpu.memory_space<vmem>>[vector<16xi32>, vector<16xi32>], vector<16xf32>,
      %gather3A_251 = tpu.vector_load_idx %arg9[%add3A_99, %add3A_249] : memref<80x128xf32, #tpu.memory_space<vmem>>[vector<16xi32>, vector<16xi32>], vector<16xf32>,
      %sub3A_252 = arith.subf %gather3A_250, %gather3A_251 : vector<16xf32>
      %mul3A_253 = arith.mulf %sub3A_252, %sub3A_252 : vector<16xf32>
      %add3A_254 = arith.addf %add3A_246, %mul3A_253 : vector<16xf32>
      %add3A_255 = arith.constant 6 : i32
      %add3A_256 = vector.broadcast %add3A_255 : i32 to vector<16xi32>
      %add3A_257 = arith.addi %scan3A_206, %add3A_256 : vector<16xi32>
      %gather3A_258 = tpu.vector_load_idx %arg8[%add3A_99, %add3A_257] : memref<80x128xf32, #tpu.memory_space<vmem>>[vector<16xi32>, vector<16xi32>], vector<16xf32>,
      %gather3A_259 = tpu.vector_load_idx %arg9[%add3A_99, %add3A_257] : memref<80x128xf32, #tpu.memory_space<vmem>>[vector<16xi32>, vector<16xi32>], vector<16xf32>,
      %sub3A_260 = arith.subf %gather3A_258, %gather3A_259 : vector<16xf32>
      %mul3A_261 = arith.mulf %sub3A_260, %sub3A_260 : vector<16xf32>
      %add3A_262 = arith.addf %add3A_254, %mul3A_261 : vector<16xf32>
      %add3A_263 = arith.constant 7 : i32
      %add3A_264 = vector.broadcast %add3A_263 : i32 to vector<16xi32>
      %add3A_265 = arith.addi %scan3A_206, %add3A_264 : vector<16xi32>
      %gather3A_266 = tpu.vector_load_idx %arg8[%add3A_99, %add3A_265] : memref<80x128xf32, #tpu.memory_space<vmem>>[vector<16xi32>, vector<16xi32>], vector<16xf32>,
      %gather3A_267 = tpu.vector_load_idx %arg9[%add3A_99, %add3A_265] : memref<80x128xf32, #tpu.memory_space<vmem>>[vector<16xi32>, vector<16xi32>], vector<16xf32>,
      %sub3A_268 = arith.subf %gather3A_266, %gather3A_267 : vector<16xf32>
      %mul3A_269 = arith.mulf %sub3A_268, %sub3A_268 : vector<16xf32>
      %add3A_270 = arith.addf %add3A_262, %mul3A_269 : vector<16xf32>
      %add3A_271 = arith.constant 8 : i32
      %add3A_272 = vector.broadcast %add3A_271 : i32 to vector<16xi32>
      %add3A_273 = arith.addi %scan3A_206, %add3A_272 : vector<16xi32>
      scf.yield %add3A_270, %add3A_273 : vector<16xf32>, vector<16xi32>
    }
    %scan3A_109 = arith.constant 16 : i32
    %broadcast_in_dim3A_110 = arith.constant 127 : i32
    %broadcast_in_dim3A_111 = vector.broadcast %broadcast_in_dim3A_110 : i32 to vector<16xi32>
    %gather3A_112 = tpu.vector_load_idx %arg8[%add3A_99, %broadcast_in_dim3A_111] : memref<80x128xf32, #tpu.memory_space<vmem>>[vector<16xi32>, vector<16xi32>], vector<16xf32>,
    %gather3A_113 = tpu.vector_load_idx %arg9[%add3A_99, %broadcast_in_dim3A_111] : memref<80x128xf32, #tpu.memory_space<vmem>>[vector<16xi32>, vector<16xi32>], vector<16xf32>,
    %sub3A_114 = arith.subf %gather3A_112, %gather3A_113 : vector<16xf32>
    %mul3A_115 = arith.mulf %sub3A_114, %sub3A_114 : vector<16xf32>
    %sub3A_116 = arith.subf %scan3A_108#0, %mul3A_115 : vector<16xf32>
    %neg3A_117 = arith.constant 0.000000e+00 : f32
    %neg3A_118 = vector.broadcast %neg3A_117 : f32 to vector<16xf32>
    %neg3A_119 = arith.subf %neg3A_118, %gather3A_113 : vector<16xf32>
    %exp3A_120 = math.exp %neg3A_119 : vector<16xf32>
    %mul3A_121 = arith.mulf %sub3A_116, %exp3A_120 : vector<16xf32>
    %add3A_122 = arith.constant 1.000000e+00 : f32
    %add3A_123 = vector.broadcast %add3A_122 : f32 to vector<16xf32>
    %add3A_124 = arith.addf %add3A_123, %mul3A_121 : vector<16xf32>
    %div3A_125 = arith.constant 1.000000e+00 : f32
    %div3A_126 = vector.broadcast %div3A_125 : f32 to vector<16xf32>
    %div3A_127 = arith.divf %div3A_126, %add3A_124 : vector<16xf32>
    %swap3A_128 = arith.constant 124 : i32
    %swap3A_129 = arith.index_cast %swap3A_128 : i32 to index
    %swap3A_130 = arith.constant 32 : index
    %swap3A_131 = tpu.vector_load %arg12[%swap3A_129, %swap3A_130] {strides = array<i32>} : memref<125x80xf32, #tpu.memory_space<vmem>>, vector<16xf32>,
    tpu.vector_store %arg12[%swap3A_129, %swap3A_130], %div3A_127 {strides = array<i32>} : memref<125x80xf32, #tpu.memory_space<vmem>>, vector<16xf32>,
    %iota3A_132 = tpu.iota {dimensions = array<i32: 0>} : vector<16xi32>
    %add3A_133 = arith.constant 48 : i32
    %add3A_134 = vector.broadcast %add3A_133 : i32 to vector<16xi32>
    %add3A_135 = arith.addi %add3A_134, %iota3A_132 : vector<16xi32>
    %broadcast_in_dim3A_136 = arith.constant 0.000000e+00 : f32
    %broadcast_in_dim3A_137 = vector.broadcast %broadcast_in_dim3A_136 : f32 to vector<16xf32>
    %broadcast_in_dim3A_138 = arith.constant 0 : i32
    %broadcast_in_dim3A_139 = vector.broadcast %broadcast_in_dim3A_138 : i32 to vector<16xi32>
    %scan3A_140 = arith.constant 0 : i32
    %scan3A_141 = arith.constant 16 : i32
    %scan3A_142 = arith.addi %scan3A_140, %scan3A_141 : i32
    %scan3A_143 = arith.constant 1 : i32
    %scan3A_144:2 = scf.for %scan3A_204 = %scan3A_140 to %scan3A_142 step %scan3A_143 iter_args(%scan3A_205 = %broadcast_in_dim3A_137, %scan3A_206 = %broadcast_in_dim3A_139) -> (vector<16xf32>, vector<16xi32>)  : i32 {
      %add3A_207 = arith.constant 0 : i32
      %add3A_208 = vector.broadcast %add3A_207 : i32 to vector<16xi32>
      %add3A_209 = arith.addi %scan3A_206, %add3A_208 : vector<16xi32>
      %gather3A_210 = tpu.vector_load_idx %arg8[%add3A_135, %add3A_209] : memref<80x128xf32, #tpu.memory_space<vmem>>[vector<16xi32>, vector<16xi32>], vector<16xf32>,
      %gather3A_211 = tpu.vector_load_idx %arg9[%add3A_135, %add3A_209] : memref<80x128xf32, #tpu.memory_space<vmem>>[vector<16xi32>, vector<16xi32>], vector<16xf32>,
      %sub3A_212 = arith.subf %gather3A_210, %gather3A_211 : vector<16xf32>
      %mul3A_213 = arith.mulf %sub3A_212, %sub3A_212 : vector<16xf32>
      %add3A_214 = arith.addf %scan3A_205, %mul3A_213 : vector<16xf32>
      %add3A_215 = arith.constant 1 : i32
      %add3A_216 = vector.broadcast %add3A_215 : i32 to vector<16xi32>
      %add3A_217 = arith.addi %scan3A_206, %add3A_216 : vector<16xi32>
      %gather3A_218 = tpu.vector_load_idx %arg8[%add3A_135, %add3A_217] : memref<80x128xf32, #tpu.memory_space<vmem>>[vector<16xi32>, vector<16xi32>], vector<16xf32>,
      %gather3A_219 = tpu.vector_load_idx %arg9[%add3A_135, %add3A_217] : memref<80x128xf32, #tpu.memory_space<vmem>>[vector<16xi32>, vector<16xi32>], vector<16xf32>,
      %sub3A_220 = arith.subf %gather3A_218, %gather3A_219 : vector<16xf32>
      %mul3A_221 = arith.mulf %sub3A_220, %sub3A_220 : vector<16xf32>
      %add3A_222 = arith.addf %add3A_214, %mul3A_221 : vector<16xf32>
      %add3A_223 = arith.constant 2 : i32
      %add3A_224 = vector.broadcast %add3A_223 : i32 to vector<16xi32>
      %add3A_225 = arith.addi %scan3A_206, %add3A_224 : vector<16xi32>
      %gather3A_226 = tpu.vector_load_idx %arg8[%add3A_135, %add3A_225] : memref<80x128xf32, #tpu.memory_space<vmem>>[vector<16xi32>, vector<16xi32>], vector<16xf32>,
      %gather3A_227 = tpu.vector_load_idx %arg9[%add3A_135, %add3A_225] : memref<80x128xf32, #tpu.memory_space<vmem>>[vector<16xi32>, vector<16xi32>], vector<16xf32>,
      %sub3A_228 = arith.subf %gather3A_226, %gather3A_227 : vector<16xf32>
      %mul3A_229 = arith.mulf %sub3A_228, %sub3A_228 : vector<16xf32>
      %add3A_230 = arith.addf %add3A_222, %mul3A_229 : vector<16xf32>
      %add3A_231 = arith.constant 3 : i32
      %add3A_232 = vector.broadcast %add3A_231 : i32 to vector<16xi32>
      %add3A_233 = arith.addi %scan3A_206, %add3A_232 : vector<16xi32>
      %gather3A_234 = tpu.vector_load_idx %arg8[%add3A_135, %add3A_233] : memref<80x128xf32, #tpu.memory_space<vmem>>[vector<16xi32>, vector<16xi32>], vector<16xf32>,
      %gather3A_235 = tpu.vector_load_idx %arg9[%add3A_135, %add3A_233] : memref<80x128xf32, #tpu.memory_space<vmem>>[vector<16xi32>, vector<16xi32>], vector<16xf32>,
      %sub3A_236 = arith.subf %gather3A_234, %gather3A_235 : vector<16xf32>
      %mul3A_237 = arith.mulf %sub3A_236, %sub3A_236 : vector<16xf32>
      %add3A_238 = arith.addf %add3A_230, %mul3A_237 : vector<16xf32>
      %add3A_239 = arith.constant 4 : i32
      %add3A_240 = vector.broadcast %add3A_239 : i32 to vector<16xi32>
      %add3A_241 = arith.addi %scan3A_206, %add3A_240 : vector<16xi32>
      %gather3A_242 = tpu.vector_load_idx %arg8[%add3A_135, %add3A_241] : memref<80x128xf32, #tpu.memory_space<vmem>>[vector<16xi32>, vector<16xi32>], vector<16xf32>,
      %gather3A_243 = tpu.vector_load_idx %arg9[%add3A_135, %add3A_241] : memref<80x128xf32, #tpu.memory_space<vmem>>[vector<16xi32>, vector<16xi32>], vector<16xf32>,
      %sub3A_244 = arith.subf %gather3A_242, %gather3A_243 : vector<16xf32>
      %mul3A_245 = arith.mulf %sub3A_244, %sub3A_244 : vector<16xf32>
      %add3A_246 = arith.addf %add3A_238, %mul3A_245 : vector<16xf32>
      %add3A_247 = arith.constant 5 : i32
      %add3A_248 = vector.broadcast %add3A_247 : i32 to vector<16xi32>
      %add3A_249 = arith.addi %scan3A_206, %add3A_248 : vector<16xi32>
      %gather3A_250 = tpu.vector_load_idx %arg8[%add3A_135, %add3A_249] : memref<80x128xf32, #tpu.memory_space<vmem>>[vector<16xi32>, vector<16xi32>], vector<16xf32>,
      %gather3A_251 = tpu.vector_load_idx %arg9[%add3A_135, %add3A_249] : memref<80x128xf32, #tpu.memory_space<vmem>>[vector<16xi32>, vector<16xi32>], vector<16xf32>,
      %sub3A_252 = arith.subf %gather3A_250, %gather3A_251 : vector<16xf32>
      %mul3A_253 = arith.mulf %sub3A_252, %sub3A_252 : vector<16xf32>
      %add3A_254 = arith.addf %add3A_246, %mul3A_253 : vector<16xf32>
      %add3A_255 = arith.constant 6 : i32
      %add3A_256 = vector.broadcast %add3A_255 : i32 to vector<16xi32>
      %add3A_257 = arith.addi %scan3A_206, %add3A_256 : vector<16xi32>
      %gather3A_258 = tpu.vector_load_idx %arg8[%add3A_135, %add3A_257] : memref<80x128xf32, #tpu.memory_space<vmem>>[vector<16xi32>, vector<16xi32>], vector<16xf32>,
      %gather3A_259 = tpu.vector_load_idx %arg9[%add3A_135, %add3A_257] : memref<80x128xf32, #tpu.memory_space<vmem>>[vector<16xi32>, vector<16xi32>], vector<16xf32>,
      %sub3A_260 = arith.subf %gather3A_258, %gather3A_259 : vector<16xf32>
      %mul3A_261 = arith.mulf %sub3A_260, %sub3A_260 : vector<16xf32>
      %add3A_262 = arith.addf %add3A_254, %mul3A_261 : vector<16xf32>
      %add3A_263 = arith.constant 7 : i32
      %add3A_264 = vector.broadcast %add3A_263 : i32 to vector<16xi32>
      %add3A_265 = arith.addi %scan3A_206, %add3A_264 : vector<16xi32>
      %gather3A_266 = tpu.vector_load_idx %arg8[%add3A_135, %add3A_265] : memref<80x128xf32, #tpu.memory_space<vmem>>[vector<16xi32>, vector<16xi32>], vector<16xf32>,
      %gather3A_267 = tpu.vector_load_idx %arg9[%add3A_135, %add3A_265] : memref<80x128xf32, #tpu.memory_space<vmem>>[vector<16xi32>, vector<16xi32>], vector<16xf32>,
      %sub3A_268 = arith.subf %gather3A_266, %gather3A_267 : vector<16xf32>
      %mul3A_269 = arith.mulf %sub3A_268, %sub3A_268 : vector<16xf32>
      %add3A_270 = arith.addf %add3A_262, %mul3A_269 : vector<16xf32>
      %add3A_271 = arith.constant 8 : i32
      %add3A_272 = vector.broadcast %add3A_271 : i32 to vector<16xi32>
      %add3A_273 = arith.addi %scan3A_206, %add3A_272 : vector<16xi32>
      scf.yield %add3A_270, %add3A_273 : vector<16xf32>, vector<16xi32>
    }
    %scan3A_145 = arith.constant 16 : i32
    %broadcast_in_dim3A_146 = arith.constant 127 : i32
    %broadcast_in_dim3A_147 = vector.broadcast %broadcast_in_dim3A_146 : i32 to vector<16xi32>
    %gather3A_148 = tpu.vector_load_idx %arg8[%add3A_135, %broadcast_in_dim3A_147] : memref<80x128xf32, #tpu.memory_space<vmem>>[vector<16xi32>, vector<16xi32>], vector<16xf32>,
    %gather3A_149 = tpu.vector_load_idx %arg9[%add3A_135, %broadcast_in_dim3A_147] : memref<80x128xf32, #tpu.memory_space<vmem>>[vector<16xi32>, vector<16xi32>], vector<16xf32>,
    %sub3A_150 = arith.subf %gather3A_148, %gather3A_149 : vector<16xf32>
    %mul3A_151 = arith.mulf %sub3A_150, %sub3A_150 : vector<16xf32>
    %sub3A_152 = arith.subf %scan3A_144#0, %mul3A_151 : vector<16xf32>
    %neg3A_153 = arith.constant 0.000000e+00 : f32
    %neg3A_154 = vector.broadcast %neg3A_153 : f32 to vector<16xf32>
    %neg3A_155 = arith.subf %neg3A_154, %gather3A_149 : vector<16xf32>
    %exp3A_156 = math.exp %neg3A_155 : vector<16xf32>
    %mul3A_157 = arith.mulf %sub3A_152, %exp3A_156 : vector<16xf32>
    %add3A_158 = arith.constant 1.000000e+00 : f32
    %add3A_159 = vector.broadcast %add3A_158 : f32 to vector<16xf32>
    %add3A_160 = arith.addf %add3A_159, %mul3A_157 : vector<16xf32>
    %div3A_161 = arith.constant 1.000000e+00 : f32
    %div3A_162 = vector.broadcast %div3A_161 : f32 to vector<16xf32>
    %div3A_163 = arith.divf %div3A_162, %add3A_160 : vector<16xf32>
    %swap3A_164 = arith.constant 124 : i32
    %swap3A_165 = arith.index_cast %swap3A_164 : i32 to index
    %swap3A_166 = arith.constant 48 : index
    %swap3A_167 = tpu.vector_load %arg12[%swap3A_165, %swap3A_166] {strides = array<i32>} : memref<125x80xf32, #tpu.memory_space<vmem>>, vector<16xf32>,
    tpu.vector_store %arg12[%swap3A_165, %swap3A_166], %div3A_163 {strides = array<i32>} : memref<125x80xf32, #tpu.memory_space<vmem>>, vector<16xf32>,
    %iota3A_168 = tpu.iota {dimensions = array<i32: 0>} : vector<16xi32>
    %add3A_169 = arith.constant 64 : i32
    %add3A_170 = vector.broadcast %add3A_169 : i32 to vector<16xi32>
    %add3A_171 = arith.addi %add3A_170, %iota3A_168 : vector<16xi32>
    %broadcast_in_dim3A_172 = arith.constant 0.000000e+00 : f32
    %broadcast_in_dim3A_173 = vector.broadcast %broadcast_in_dim3A_172 : f32 to vector<16xf32>
    %broadcast_in_dim3A_174 = arith.constant 0 : i32
    %broadcast_in_dim3A_175 = vector.broadcast %broadcast_in_dim3A_174 : i32 to vector<16xi32>
    %scan3A_176 = arith.constant 0 : i32
    %scan3A_177 = arith.constant 16 : i32
    %scan3A_178 = arith.addi %scan3A_176, %scan3A_177 : i32
    %scan3A_179 = arith.constant 1 : i32
    %scan3A_180:2 = scf.for %scan3A_204 = %scan3A_176 to %scan3A_178 step %scan3A_179 iter_args(%scan3A_205 = %broadcast_in_dim3A_173, %scan3A_206 = %broadcast_in_dim3A_175) -> (vector<16xf32>, vector<16xi32>)  : i32 {
      %add3A_207 = arith.constant 0 : i32
      %add3A_208 = vector.broadcast %add3A_207 : i32 to vector<16xi32>
      %add3A_209 = arith.addi %scan3A_206, %add3A_208 : vector<16xi32>
      %gather3A_210 = tpu.vector_load_idx %arg8[%add3A_171, %add3A_209] : memref<80x128xf32, #tpu.memory_space<vmem>>[vector<16xi32>, vector<16xi32>], vector<16xf32>,
      %gather3A_211 = tpu.vector_load_idx %arg9[%add3A_171, %add3A_209] : memref<80x128xf32, #tpu.memory_space<vmem>>[vector<16xi32>, vector<16xi32>], vector<16xf32>,
      %sub3A_212 = arith.subf %gather3A_210, %gather3A_211 : vector<16xf32>
      %mul3A_213 = arith.mulf %sub3A_212, %sub3A_212 : vector<16xf32>
      %add3A_214 = arith.addf %scan3A_205, %mul3A_213 : vector<16xf32>
      %add3A_215 = arith.constant 1 : i32
      %add3A_216 = vector.broadcast %add3A_215 : i32 to vector<16xi32>
      %add3A_217 = arith.addi %scan3A_206, %add3A_216 : vector<16xi32>
      %gather3A_218 = tpu.vector_load_idx %arg8[%add3A_171, %add3A_217] : memref<80x128xf32, #tpu.memory_space<vmem>>[vector<16xi32>, vector<16xi32>], vector<16xf32>,
      %gather3A_219 = tpu.vector_load_idx %arg9[%add3A_171, %add3A_217] : memref<80x128xf32, #tpu.memory_space<vmem>>[vector<16xi32>, vector<16xi32>], vector<16xf32>,
      %sub3A_220 = arith.subf %gather3A_218, %gather3A_219 : vector<16xf32>
      %mul3A_221 = arith.mulf %sub3A_220, %sub3A_220 : vector<16xf32>
      %add3A_222 = arith.addf %add3A_214, %mul3A_221 : vector<16xf32>
      %add3A_223 = arith.constant 2 : i32
      %add3A_224 = vector.broadcast %add3A_223 : i32 to vector<16xi32>
      %add3A_225 = arith.addi %scan3A_206, %add3A_224 : vector<16xi32>
      %gather3A_226 = tpu.vector_load_idx %arg8[%add3A_171, %add3A_225] : memref<80x128xf32, #tpu.memory_space<vmem>>[vector<16xi32>, vector<16xi32>], vector<16xf32>,
      %gather3A_227 = tpu.vector_load_idx %arg9[%add3A_171, %add3A_225] : memref<80x128xf32, #tpu.memory_space<vmem>>[vector<16xi32>, vector<16xi32>], vector<16xf32>,
      %sub3A_228 = arith.subf %gather3A_226, %gather3A_227 : vector<16xf32>
      %mul3A_229 = arith.mulf %sub3A_228, %sub3A_228 : vector<16xf32>
      %add3A_230 = arith.addf %add3A_222, %mul3A_229 : vector<16xf32>
      %add3A_231 = arith.constant 3 : i32
      %add3A_232 = vector.broadcast %add3A_231 : i32 to vector<16xi32>
      %add3A_233 = arith.addi %scan3A_206, %add3A_232 : vector<16xi32>
      %gather3A_234 = tpu.vector_load_idx %arg8[%add3A_171, %add3A_233] : memref<80x128xf32, #tpu.memory_space<vmem>>[vector<16xi32>, vector<16xi32>], vector<16xf32>,
      %gather3A_235 = tpu.vector_load_idx %arg9[%add3A_171, %add3A_233] : memref<80x128xf32, #tpu.memory_space<vmem>>[vector<16xi32>, vector<16xi32>], vector<16xf32>,
      %sub3A_236 = arith.subf %gather3A_234, %gather3A_235 : vector<16xf32>
      %mul3A_237 = arith.mulf %sub3A_236, %sub3A_236 : vector<16xf32>
      %add3A_238 = arith.addf %add3A_230, %mul3A_237 : vector<16xf32>
      %add3A_239 = arith.constant 4 : i32
      %add3A_240 = vector.broadcast %add3A_239 : i32 to vector<16xi32>
      %add3A_241 = arith.addi %scan3A_206, %add3A_240 : vector<16xi32>
      %gather3A_242 = tpu.vector_load_idx %arg8[%add3A_171, %add3A_241] : memref<80x128xf32, #tpu.memory_space<vmem>>[vector<16xi32>, vector<16xi32>], vector<16xf32>,
      %gather3A_243 = tpu.vector_load_idx %arg9[%add3A_171, %add3A_241] : memref<80x128xf32, #tpu.memory_space<vmem>>[vector<16xi32>, vector<16xi32>], vector<16xf32>,
      %sub3A_244 = arith.subf %gather3A_242, %gather3A_243 : vector<16xf32>
      %mul3A_245 = arith.mulf %sub3A_244, %sub3A_244 : vector<16xf32>
      %add3A_246 = arith.addf %add3A_238, %mul3A_245 : vector<16xf32>
      %add3A_247 = arith.constant 5 : i32
      %add3A_248 = vector.broadcast %add3A_247 : i32 to vector<16xi32>
      %add3A_249 = arith.addi %scan3A_206, %add3A_248 : vector<16xi32>
      %gather3A_250 = tpu.vector_load_idx %arg8[%add3A_171, %add3A_249] : memref<80x128xf32, #tpu.memory_space<vmem>>[vector<16xi32>, vector<16xi32>], vector<16xf32>,
      %gather3A_251 = tpu.vector_load_idx %arg9[%add3A_171, %add3A_249] : memref<80x128xf32, #tpu.memory_space<vmem>>[vector<16xi32>, vector<16xi32>], vector<16xf32>,
      %sub3A_252 = arith.subf %gather3A_250, %gather3A_251 : vector<16xf32>
      %mul3A_253 = arith.mulf %sub3A_252, %sub3A_252 : vector<16xf32>
      %add3A_254 = arith.addf %add3A_246, %mul3A_253 : vector<16xf32>
      %add3A_255 = arith.constant 6 : i32
      %add3A_256 = vector.broadcast %add3A_255 : i32 to vector<16xi32>
      %add3A_257 = arith.addi %scan3A_206, %add3A_256 : vector<16xi32>
      %gather3A_258 = tpu.vector_load_idx %arg8[%add3A_171, %add3A_257] : memref<80x128xf32, #tpu.memory_space<vmem>>[vector<16xi32>, vector<16xi32>], vector<16xf32>,
      %gather3A_259 = tpu.vector_load_idx %arg9[%add3A_171, %add3A_257] : memref<80x128xf32, #tpu.memory_space<vmem>>[vector<16xi32>, vector<16xi32>], vector<16xf32>,
      %sub3A_260 = arith.subf %gather3A_258, %gather3A_259 : vector<16xf32>
      %mul3A_261 = arith.mulf %sub3A_260, %sub3A_260 : vector<16xf32>
      %add3A_262 = arith.addf %add3A_254, %mul3A_261 : vector<16xf32>
      %add3A_263 = arith.constant 7 : i32
      %add3A_264 = vector.broadcast %add3A_263 : i32 to vector<16xi32>
      %add3A_265 = arith.addi %scan3A_206, %add3A_264 : vector<16xi32>
      %gather3A_266 = tpu.vector_load_idx %arg8[%add3A_171, %add3A_265] : memref<80x128xf32, #tpu.memory_space<vmem>>[vector<16xi32>, vector<16xi32>], vector<16xf32>,
      %gather3A_267 = tpu.vector_load_idx %arg9[%add3A_171, %add3A_265] : memref<80x128xf32, #tpu.memory_space<vmem>>[vector<16xi32>, vector<16xi32>], vector<16xf32>,
      %sub3A_268 = arith.subf %gather3A_266, %gather3A_267 : vector<16xf32>
      %mul3A_269 = arith.mulf %sub3A_268, %sub3A_268 : vector<16xf32>
      %add3A_270 = arith.addf %add3A_262, %mul3A_269 : vector<16xf32>
      %add3A_271 = arith.constant 8 : i32
      %add3A_272 = vector.broadcast %add3A_271 : i32 to vector<16xi32>
      %add3A_273 = arith.addi %scan3A_206, %add3A_272 : vector<16xi32>
      scf.yield %add3A_270, %add3A_273 : vector<16xf32>, vector<16xi32>
    }
    %scan3A_181 = arith.constant 16 : i32
    %broadcast_in_dim3A_182 = arith.constant 127 : i32
    %broadcast_in_dim3A_183 = vector.broadcast %broadcast_in_dim3A_182 : i32 to vector<16xi32>
    %gather3A_184 = tpu.vector_load_idx %arg8[%add3A_171, %broadcast_in_dim3A_183] : memref<80x128xf32, #tpu.memory_space<vmem>>[vector<16xi32>, vector<16xi32>], vector<16xf32>,
    %gather3A_185 = tpu.vector_load_idx %arg9[%add3A_171, %broadcast_in_dim3A_183] : memref<80x128xf32, #tpu.memory_space<vmem>>[vector<16xi32>, vector<16xi32>], vector<16xf32>,
    %sub3A_186 = arith.subf %gather3A_184, %gather3A_185 : vector<16xf32>
    %mul3A_187 = arith.mulf %sub3A_186, %sub3A_186 : vector<16xf32>
    %sub3A_188 = arith.subf %scan3A_180#0, %mul3A_187 : vector<16xf32>
    %neg3A_189 = arith.constant 0.000000e+00 : f32
    %neg3A_190 = vector.broadcast %neg3A_189 : f32 to vector<16xf32>
    %neg3A_191 = arith.subf %neg3A_190, %gather3A_185 : vector<16xf32>
    %exp3A_192 = math.exp %neg3A_191 : vector<16xf32>
    %mul3A_193 = arith.mulf %sub3A_188, %exp3A_192 : vector<16xf32>
    %add3A_194 = arith.constant 1.000000e+00 : f32
    %add3A_195 = vector.broadcast %add3A_194 : f32 to vector<16xf32>
    %add3A_196 = arith.addf %add3A_195, %mul3A_193 : vector<16xf32>
    %div3A_197 = arith.constant 1.000000e+00 : f32
    %div3A_198 = vector.broadcast %div3A_197 : f32 to vector<16xf32>
    %div3A_199 = arith.divf %div3A_198, %add3A_196 : vector<16xf32>
    %swap3A_200 = arith.constant 124 : i32
    %swap3A_201 = arith.index_cast %swap3A_200 : i32 to index
    %swap3A_202 = arith.constant 64 : index
    %swap3A_203 = tpu.vector_load %arg12[%swap3A_201, %swap3A_202] {strides = array<i32>} : memref<125x80xf32, #tpu.memory_space<vmem>>, vector<16xf32>,
    tpu.vector_store %arg12[%swap3A_201, %swap3A_202], %div3A_199 {strides = array<i32>} : memref<125x80xf32, #tpu.memory_space<vmem>>, vector<16xf32>,
    "tpu.region"() ({
      %run_scoped3A = tpu.sem_alloc : memref<!tpu.dma_semaphore, #tpu.memory_space<semaphore_mem>>
      %dma_start3A_204 = arith.constant 0 : i32
      %dma_start3A_205 = arith.constant 0 : i32
      %dma_start3A_206 = tpu.memref_slice %arg5[%add3A, %dma_start3A_204, %dma_start3A_205] : memref<32x125x80xf32, #tpu.memory_space<hbm>> -> memref<1x125x80xf32, #tpu.memory_space<hbm>>
      %dma_start3A_207 = tpu.memref_squeeze %dma_start3A_206 : memref<1x125x80xf32, #tpu.memory_space<hbm>> -> memref<125x80xf32, #tpu.memory_space<hbm>>
      %dma_start3A_208 = arith.constant 0 : i32
      %dma_start3A_209 = arith.constant 0 : i32
      %dma_start3A_210 = tpu.memref_slice %arg5[%add3A, %dma_start3A_208, %dma_start3A_209] : memref<32x125x80xf32, #tpu.memory_space<hbm>> -> memref<1x125x80xf32, #tpu.memory_space<hbm>>
      %dma_start3A_211 = tpu.memref_squeeze %dma_start3A_210 : memref<1x125x80xf32, #tpu.memory_space<hbm>> -> memref<125x80xf32, #tpu.memory_space<hbm>>
      tpu.enqueue_dma source(%arg12 : memref<125x80xf32, #tpu.memory_space<vmem>>) target(%dma_start3A_211 : memref<125x80xf32, #tpu.memory_space<hbm>>) target_semaphore(%run_scoped3A : memref<!tpu.dma_semaphore, #tpu.memory_space<semaphore_mem>>)
      %dma_wait3A_212 = arith.constant 0 : i32
      %dma_wait3A_213 = arith.constant 0 : i32
      %dma_wait3A_214 = tpu.memref_slice %arg5[%add3A, %dma_wait3A_212, %dma_wait3A_213] : memref<32x125x80xf32, #tpu.memory_space<hbm>> -> memref<1x125x80xf32, #tpu.memory_space<hbm>>
      %dma_wait3A_215 = tpu.memref_squeeze %dma_wait3A_214 : memref<1x125x80xf32, #tpu.memory_space<hbm>> -> memref<125x80xf32, #tpu.memory_space<hbm>>
      %dma_wait3A_216 = arith.constant 0 : i32
      %dma_wait3A_217 = arith.constant 0 : i32
      %dma_wait3A_218 = tpu.memref_slice %arg5[%add3A, %dma_wait3A_216, %dma_wait3A_217] : memref<32x125x80xf32, #tpu.memory_space<hbm>> -> memref<1x125x80xf32, #tpu.memory_space<hbm>>
      %dma_wait3A_219 = tpu.memref_squeeze %dma_wait3A_218 : memref<1x125x80xf32, #tpu.memory_space<hbm>> -> memref<125x80xf32, #tpu.memory_space<hbm>>
      tpu.wait_dma2 semaphore(%run_scoped3A : memref<!tpu.dma_semaphore, #tpu.memory_space<semaphore_mem>>) src(%arg12 : memref<125x80xf32, #tpu.memory_space<vmem>>) dst(%dma_wait3A_219 : memref<125x80xf32, #tpu.memory_space<hbm>>)
      tpu.yield
    }) : () -> ()
    return
  }
}

</mosaic_0001>

<sc_bundles>
// kernel: _decoder.3.cloned.1.call-start
scs
__scs_entry_jumppad:
0x0: {  	(pc) =	sbr.rel $0x88, $3  }
0x1: {  	(tag) =	ssettag $0x0;
	lr =	simm.s32 $0x1  }
0x2: {  	[smem:$0x3F9E] =	sst lr;
	_ =	strace $0xD0000000  }
0x3: {  	_ = 	snop  }
0x4: {  	_ = 	snop  }
0x5: {  	_ = 	snop  }
0x6: {  	_ = 	snop  }
0x7: {  	_ = 	snop  }
__scs_overlays_trampoline_lowered:
0x8: {  	[smem:$0x3FAD] =	sst s0  }
0x9: {  	[smem:$0x3FAE] =	sst s1  }
0xa: {  	[smem:$0x3FAF] =	sst s2  }
0xb: {  	[smem:$0x3FB0] =	sst s3  }
0xc: {  	[smem:$0x3FB1] =	sst s4  }
0xd: {  	[smem:$0x3FB2] =	sst s5  }
0xe: {  	[smem:$0x3FB3] =	sst s6  }
0xf: {  	[smem:$0x3FB4] =	sst s7  }
0x10: {  	[smem:$0x3FB5] =	sst s8  }
0x11: {  	[smem:$0x3FB6] =	sst s9;
	s0 =	simm.s32 @!p0 $0x0  }
0x12: {  	s1 =	sld [smem:$0x3F9C];
	s0 =	simm.s32 @p0 $0x1  }
0x13: {  	[smem:$0x3FB7] =	sst s0;
	s0 =	simm.s32 @!p1 $0x0  }
0x14: {  	s2 =	sld [smem:$0x3F9B];
	s0 =	simm.s32 @p1 $0x1  }
0x15: {  	[smem:$0x3FB8] =	sst s0;
	s0 =	simm.s32 @!p2 $0x0  }
0x16: {  	s3 =	sld [smem:$0x3FDB];
	s0 =	simm.s32 @p2 $0x1  }
0x17: {  	s4 =	simm.s32 $0x1BF5;
	[smem:$0x3FBA] =	sst s0  }
0x18: {  	s0 =	sld [smem:$0x3F9D];
	_ =	swait.ge [sflag:s4], $0x0  }
0x19: {  	s7 =	sld [smem:$0x3F9E]  }
0x1a: {  	s8 =	sadd.s32 $0xFFFFE003, lr  }
0x1b: {  	s9 =	sadd.s32 $0xFFFFFEF7, lr;
	s5 =	simm.s32 $0xFFFFFFFF;
	p2 =	slt.u32 s8, $0xFFFFF086  }
0x1c: {  	p1 =	slt.u32 s9, $0xF7A;
	s5 =	simm.s32 @!p2 $0x0  }
0x1d: {  	s5 =	simm.s32 @p1 $0x1;
	p0 =	seq.s32 s7, s2  }
0x1e: {  	s7 =	smul.u32 @!p0 $0xF7A, s2;
	p2 =	seq.s32 @!p0 s5, $0x0  }
0x1f: {  	s9 =	smul.u32 $0xF7A, s1;
	s8 =	simm.s32 @!p0 $0x1BF5;
	p2 =	por !p2, p0  }
0x20: {  	[sflag:s8] =	ssyncset.s32 @!p0 $0xFFFFF086;
	s6 =	sadd.s32 @!p0 s3, s7;
	s7 =	simm.s32 @!p0 $0x108  }
0x21: {  	s3 =	sadd.s32 s3, s9;
	s6 =	sadd.s32 @!p0 $0x88, s6;
	s7 =	simm.s32 @p2 $0x1082  }
0x22: {  	[simem:s7], [sflag:s8] =	dma.local @!p0 [hbm:s6], $0xF7A  }
0x23: {  	s9 =	sor.u32 $0xD0000000, s2;
	s6 =	simm.s32 $0x108;
	_ =	swait.ge @!p0 [sflag:s8], $0x0  }
0x24: {  	s3 =	sadd.s32 $0x88, s3;
	s6 =	simm.s32 @!p1 $0x1082;
	[sflag:s4] =	ssyncset.s32 $0xFFFFF086  }
0x25: {  	[simem:s6], [sflag:s4] =	dma.local [hbm:s3], $0xF7A  }
0x26: {  	[smem:$0x3F9E] =	sst s1;
	(tag) =	ssettag s2;
	_ =	strace s9  }
0x27: {  	s1 =	sld [smem:$0x3FAE]  }
0x28: {  	s2 =	sld [smem:$0x3FAF]  }
0x29: {  	s4 =	sld [smem:$0x3FB1]  }
0x2a: {  	p0 =	seq.s32 s5, $0x0;
	s5 =	sld [smem:$0x3FB2]  }
0x2b: {  	s6 =	sld [smem:$0x3FB3]  }
0x2c: {  	s7 =	sld [smem:$0x3FB4]  }
0x2d: {  	s3 =	simm.s32 $0x108;
	s8 =	sld [smem:$0x3FB5]  }
0x2e: {  	s3 =	simm.s32 @!p0 $0x1082;
	s9 =	sld [smem:$0x3FB6]  }
0x2f: {  	lr =	sadd.s32 s0, s3;
	s0 =	sld [smem:$0x3FAD]  }
0x30: {  	s3 =	sld [smem:$0x3FB0]  }
0x31: {  	[smem:$0x3FB9] =	sst s10  }
0x32: {  	s10 =	sld [smem:$0x3FB7];
	_ =	sdelay $0x3  }
0x33: {  	p0 =	seq.s32 s10, $0x1;
	s10 =	sld [smem:$0x3FB9];
	_ =	sdelay $0x3  }
0x34: {  	[smem:$0x3FB9] =	sst s10  }
0x35: {  	s10 =	sld [smem:$0x3FB8];
	_ =	sdelay $0x3  }
0x36: {  	p1 =	seq.s32 s10, $0x1;
	s10 =	sld [smem:$0x3FB9];
	_ =	sdelay $0x3  }
0x37: {  	[smem:$0x3FB9] =	sst s10  }
0x38: {  	s10 =	sld [smem:$0x3FBA]  }
0x39: {  	_ = 	snop;
	(pc) =	sbr.ind lr, $3  }
0x3a: {  	_ = 	snop  }
0x3b: {  	_ = 	snop  }
0x3c: {  	p2 =	seq.s32 s10, $0x1;
	s10 =	sld [smem:$0x3FB9]  }
0x3d: {  	_ =	shalt  }
0x3e: {  	_ =	shalt  }
0x3f: {  	_ =	shalt  }
0x40: {  	_ =	shalt  }
0x41: {  	_ =	shalt  }
0x42: {  	_ =	shalt  }
0x43: {  	_ =	shalt  }
0x44: {  	_ =	shalt  }
0x45: {  	_ =	shalt  }
0x46: {  	_ =	shalt  }
0x47: {  	_ =	shalt  }
0x48: {  	_ =	shalt  }
0x49: {  	_ =	shalt  }
0x4a: {  	_ =	shalt  }
0x4b: {  	_ =	shalt  }
0x4c: {  	_ =	shalt  }
0x4d: {  	_ =	shalt  }
0x4e: {  	_ =	shalt  }
0x4f: {  	_ =	shalt  }
0x50: {  	_ =	shalt  }
0x51: {  	_ =	shalt  }
0x52: {  	_ =	shalt  }
0x53: {  	_ =	shalt  }
0x54: {  	_ =	shalt  }
0x55: {  	_ =	shalt  }
0x56: {  	_ =	shalt  }
0x57: {  	_ =	shalt  }
0x58: {  	_ =	shalt  }
0x59: {  	_ =	shalt  }
0x5a: {  	_ =	shalt  }
0x5b: {  	_ =	shalt  }
0x5c: {  	_ =	shalt  }
0x5d: {  	_ =	shalt  }
0x5e: {  	_ =	shalt  }
0x5f: {  	_ =	shalt  }
0x60: {  	_ =	shalt  }
0x61: {  	_ =	shalt  }
0x62: {  	_ =	shalt  }
0x63: {  	_ =	shalt  }
0x64: {  	_ =	shalt  }
0x65: {  	_ =	shalt  }
0x66: {  	_ =	shalt  }
0x67: {  	_ =	shalt  }
0x68: {  	_ =	shalt  }
0x69: {  	_ =	shalt  }
0x6a: {  	_ =	shalt  }
0x6b: {  	_ =	shalt  }
0x6c: {  	_ =	shalt  }
0x6d: {  	_ =	shalt  }
0x6e: {  	_ =	shalt  }
0x6f: {  	_ =	shalt  }
0x70: {  	_ =	shalt  }
0x71: {  	_ =	shalt  }
0x72: {  	_ =	shalt  }
0x73: {  	_ =	shalt  }
0x74: {  	_ =	shalt  }
0x75: {  	_ =	shalt  }
0x76: {  	_ =	shalt  }
0x77: {  	_ =	shalt  }
0x78: {  	_ =	shalt  }
0x79: {  	_ =	shalt  }
0x7a: {  	_ =	shalt  }
0x7b: {  	_ =	shalt  }
0x7c: {  	_ =	shalt  }
0x7d: {  	_ =	shalt  }
0x7e: {  	_ =	shalt  }
0x7f: {  	_ =	shalt  }
0x80: {  	_ =	shalt  }
0x81: {  	_ =	shalt  }
0x82: {  	_ =	shalt  }
0x83: {  	_ =	shalt  }
0x84: {  	_ =	shalt  }
0x85: {  	_ =	shalt  }
0x86: {  	_ =	shalt  }
0x87: {  	_ =	shalt  }
.Lfunc_end0:
.L_simem_size_0:
called_computation_lowered:
.L_overlay_start_0:
0x88: {  	s2 =	sld [smem:$0x3FD9]  }
0x89: {  	s3 =	sld [smem:$0x3FFE];
	_ =	sdelay $0x1  }
0x8a: {  	s1 =	srdreg.scid  }
0x8b: {  	s0 =	sand.u32 $0x1, s1  }
0x8c: {  	s17 =	sshll.u32 s0, $0xA;
	s2 =	sadd.s32 s3, s2  }
0x8d: {  	s2 =	sadd.s32 s2, s17  }
0x8e: {  	[smem:$0x3FC5] =	sst s2  }
0x8f: {  	_ = 	snop  }
0x90: {  	s2 =	sld [smem:$0x3FC9];
	(tm) =	ssettm $0x1  }
0x91: {  	s18 =	sld [smem:$0x3FFB];
	_ =	sdelay $0x3  }
0x92: {  	_ =	strace s18  }
0x93: {  	s3 =	sld [smem:$0x3FFC];
	_ =	sdelay $0x3  }
0x94: {  	_ =	strace s3  }
0x95: {  	s3 =	sld [smem:$0x3FFD];
	_ =	sdelay $0x3  }
0x96: {  	_ =	strace s3  }
0x97: {  	_ =	strace $0x8FFFFFFF  }
0x98: {  	s19 =	sld [smem:$0x3FDB];
	_ =	sdelay $0x1  }
0x99: {  	s4 =	simm.s32 $_scs_section_size  }
0x9a: {  	s5 =	simm.s32 $_size__tile_overlayer_lowered;
	s6 =	simm.s32 $_tile_overlayer_lowered  }
0x9b: {  	s22 =	simm.s32 $0x1BFF;
	s21 =	sshll.u32 s6, $0x1;
	s3 =	sadd.s32 s4, s19  }
0x9c: {  	s7 =	simm.s32 $0x0;
	s20 =	sshll.u32 s5, $0x1;
	s5 =	sadd.s32 s21, s3  }
0x9d: {  	[timem:s7], [sflag:s22] =	dma.local [hbm:s5], s20  }
0x9e: {  	_ =	swait.ge [sflag:s22], s20  }
0x9f: {  	s4 =	ssub.s32 $0x0, s20;
	[sflag:s22] =	ssyncset.done $0x0  }
0xa0: {  	[sflag:s22] =	ssyncadd.s32 s4;
	_ =	sdelay $0x1  }
0xa1: {  	s23 =	simm.s32 $0x1B8B  }
0xa2: {  	_ =	swait.ge [sflag:s23], $0x1  }
0xa3: {  	[sflag:s23] =	ssyncset.done $0x0  }
0xa4: {  	s25 =	simm.s32 $0x1B8E;
	s24 =	sld [smem:$0x3FFE];
	[sflag:s23] =	ssyncadd.s32 $0xFFFFFFFF  }
0xa5: {  	s26 =	simm.s32 $execute0_lowered;
	[smem:$0x3FD2] =	sst s25  }
0xa6: {  	s5 =	sshll.u32 s26, $0x1;
	_ =	strace $0x80000046;
	[dreg:$0x1] =	wrdreg $0xFFFFFFFF  }
0xa7: {  	s28 =	simm.s32 $_size_execute0_lowered;
	s3 =	sadd.s32 s3, s5;
	[dreg:$0x0] =	wrdreg $0x0  }
0xa8: {  	s5 =	sshll.u32 s28, $0x1;
	[dreg:$0x2] =	wrdreg s3  }
0xa9: {  	[dreg:$0x3] =	wrdreg s5  }
0xaa: {  	[dreg:$0x4] =	wrdreg $0xC0  }
0xab: {  	_ =	task [dreg:s7], $0x5FFFF  }
0xac: {  	[dreg:$0x1] =	wrdreg $0xFFFFFFFF  }
0xad: {  	[dreg:$0x0] =	wrdreg $0x60  }
0xae: {  	[dreg:$0x2] =	wrdreg s2  }
0xaf: {  	[dreg:$0x3] =	wrdreg s24  }
0xb0: {  	[dreg:$0x4] =	wrdreg $0x9  }
0xb1: {  	_ =	task.clear_ibuf [dreg:s7], $0x5FFFF;
	_ =	strace $0x90000046  }
0xb2: {  	s29 =	simm.s32 $0x9;
	_ =	strace $0x80000048  }
0xb3: {  	_ =	swait.ge [sflag:s29], $0x1  }
0xb4: {  	[sflag:s29] =	ssyncadd.s32 $0xFFFFFFFF  }
0xb5: {  	_ =	strace $0x90000048  }
0xb6: {  	_ =	sfence  }
0xb7: {  	s30 =	sld [smem:$0x0];
	_ =	sdelay $0x2  }
0xb8: {  	s31 =	sshll.u32 s1, $0xD;
	s1 =	sshrl.u32 s1, $0x2  }
0xb9: {  	s3 =	sand.u32 $0x4000, s31;
	s1 =	sadd.s32 s1, s30  }
0xba: {  	s0 =	sor.u32 s3, s0;
	s1 =	sshll.u32 s1, $0x11  }
0xbb: {  	s0 =	sor.u32 s1, s0  }
0xbc: {  	s0 =	sadd.s32 $0x8F2B, s0  }
0xbd: {  	[sflag:s0] =	ssyncadd.remote.s32 $0x1  }
0xbe: {  	_ =	sfence.sel $0xFFFF  }
0xbf: {  	[dreg:$0x0] =	wrdreg $0xFFFFFFFF;
	(pc) =	sbr.abs _section_cstart, $3  }
0xc0: {  	[dreg:$0x1] =	wrdreg $0xFFFFFFFF  }
0xc1: {  	_ =	task.clear_ibuf [dreg:s7], $0x2FFFF;
	_ =	strace $0x9FFFFFFF  }
0xc2: {  	(tm) =	ssettm $0x7FFFFFFF  }
0xc3: {  	_ =	shalt  }
tec
execute0_lowered:
.L_overlay_start_1:
0x0: {  	(tag) =	ssettag $0x1  }
0x1: {  	s2 =	rddreg [dreg:$0x0]  }
0x2: {  	s4 =	rddreg [dreg:$0x1];
	s3 =	srdreg.scid  }
0x3: {  	s0 =	rddreg [dreg:$0x2];
	s1 =	stileid.u32;
	s8 =	simm.s32 $0x5  }
0x4: {  	s9 =	simm.s32 $0x4000;
	s10 =	simm.s32 $0x50;
	s11 =	simm.s32 $0x8000  }
0x5: {  	s12 =	simm.s32 $0xA800;
	s13 =	simm.s32 $0xD000;
	s14 =	simm.s32 $0xF800  }
0x6: {  	s15 =	simm.s32 $0x1;
	s16 =	simm.s32 $0x2;
	s17 =	simm.s32 $0x3  }
0x7: {  	s18 =	simm.s32 $0x4;
	s19 =	simm.s32 $0x12000;
	s5 =	sand.u32 $0x1, s3  }
0x8: {  	v0 =	vlaneseq.u32;
	s20 =	simm.s32 $0x0;
	s6 =	sshll.u32 s1, $0xC;
	s7 =	sshll.u32 s5, $0xB  }
0x9: {  	s3 =	simm.s32 $0x0;
	v0 =	vmul.u32 $0x80, v0;
	s5 =	ssub.s32 $0x2, s5;
	s6 =	sor.u32 s7, s6  }
0xa: {  	[smem:$0x7FF] =	sst s3;
	s30 =	sshrl.u32 s5, $0x1;
	s6 =	sadd.s32 s6, s4  }
0xb: {  	_ =	strace $0x80000047;
	v1 =	vor.u32 $0x7F, v0;
	s31 =	ssub.s32 s5, s30;
	s4 =	sadd.s32 $0x600, s6  }
0xc: {  	v2 =	vor.u32 $0x800, v0;
	v3 =	vor.u32 $0x87F, v0;
	v4 =	vor.u32 $0x1000, v0;
	s5 =	sadd.s32 $0x10600, s6;
	s6 =	sadd.s32 $0x20600, s6;
	s7 =	smax.u32 s31, $0x1  }
.LBB2_1:
0xd: {  	[tilespmem:s3], [sflag:$0x5] =	stream.linear.gather [hbm4b:s4+s3], $0x3E80, $0x38;
	[tilespmem:$0x16000] =	vst v63  }
0xe: {  	_ =	swait.ge [sflag:s8], $0x3E80  }
0xf: {  	[sflag:s8] =	ssyncset.done $0x0  }
0x10: {  	[sflag:s8] =	ssyncadd.s32 $0xFFFFC180  }
0x11: {  	[tilespmem:s9], [sflag:$0x5] =	stream.linear.gather [hbm4b:s5+s3], $0x3E80, $0x38;
	[tilespmem:$0x16000] =	vst v63  }
0x12: {  	_ =	swait.ge [sflag:s8], $0x3E80  }
0x13: {  	[sflag:s8] =	ssyncset.done $0x0  }
0x14: {  	[sflag:s8] =	ssyncadd.s32 $0xFFFFC180  }
0x15: {  	[tilespmem:s11], [sflag:$0x1] =	stream.indirect.gather [hbm4b:s2+s10], $0x80, s3, s10, $0xb8;
	[tilespmem:$0x16000] =	vst v63  }
0x16: {  	s21 =	simm.s32 $0x0  }
0x17: {  	[tilespmem:s12], [sflag:$0x2] =	stream.indirect.gather [hbm4b:s2+s10], $0x80, s9, s10, $0xb8;
	[tilespmem:$0x16000] =	vst v63  }
.LBB2_2:
0x18: {  	s22 =	sshll.u32 s21, $0x8  }
0x19: {  	s23 =	sor.u32 $0x80, s22  }
0x1a: {  	[tilespmem:s13], [sflag:$0x3] =	stream.indirect.gather [hbm4b:s2+s10], $0x80, s23, s10, $0xb8;
	[tilespmem:$0x16000] =	vst v63  }
0x1b: {  	s24 =	sadd.s32 $0x4080, s22  }
0x1c: {  	v5 =	vimm.s32 $0x0;
	[tilespmem:s14], [sflag:$0x4] =	stream.indirect.gather [hbm4b:s2+s10], $0x80, s24, s10, $0xb8;
	[tilespmem:$0x16000] =	vst v63  }
0x1d: {  	v6 =	vand.u32 $0xFFFFFFF8, v5;
	_ =	swait.ge [sflag:s15], $0x2800  }
0x1e: {  	v9 =	vadd.s32 v0, v6;
	[sflag:s15] =	ssyncset.done $0x0  }
0x1f: {  	[sflag:s15] =	ssyncadd.s32 $0xFFFFD800  }
0x20: {  	v6 =	vor.u32 $0x1, v9;
	_ =	swait.ge [sflag:s16], $0x2800  }
0x21: {  	[sflag:s16] =	ssyncset.done $0x0  }
0x22: {  	[sflag:s16] =	ssyncadd.s32 $0xFFFFD800  }
0x23: {  	v7 =	vor.u32 $0x2, v9;
	v8 =	vld.idx.msk [tilespmem:v9+s11+$0x0], $0xffff  }
0x24: {  	v11 =	vld.idx.msk [tilespmem:v9+s12+$0x0], $0xffff  }
0x25: {  	v10 =	vor.u32 $0x3, v9;
	v12 =	vld.idx.msk [tilespmem:v6+s11+$0x0], $0xffff  }
0x26: {  	v14 =	vld.idx.msk [tilespmem:v6+s12+$0x0], $0xffff  }
0x27: {  	v13 =	vor.u32 $0x4, v9  }
0x28: {  	v17 =	vld.idx.msk [tilespmem:v7+s11+$0x0], $0xffff  }
0x29: {  	v18 =	vor.u32 $0x5, v9;
	v19 =	vld.idx.msk [tilespmem:v7+s12+$0x0], $0xffff  }
0x2a: {  	v7 =	vld.idx.msk [tilespmem:v10+s11+$0x0], $0xffff  }
0x2b: {  	v15 =	vsub.f32 v8, v11;
	v11 =	vld.idx.msk [tilespmem:v10+s12+$0x0], $0xffff;
	v14 =	vsub.f32 v12, v14;
	v12 =	vor.u32 $0x6, v9  }
0x2c: {  	v6 =	vadd.s32 $0x8, v5;
	v8 =	vld.idx.msk [tilespmem:v13+s11+$0x0], $0xffff  }
0x2d: {  	v5 =	vand.u32 $0xFFFFFFF8, v6;
	v13 =	vld.idx.msk [tilespmem:v13+s12+$0x0], $0xffff;
	v10 =	vor.u32 $0x7, v9;
	v15 =	vmul.f32 v15, v15  }
0x2e: {  	v16 =	vimm.f32 $0.0e+00;
	v5 =	vadd.s32 v0, v5;
	v9 =	vld.idx.msk [tilespmem:v18+s11+$0x0], $0xffff  }
0x2f: {  	s24 =	simm.s32 $0xE;
	v17 =	vsub.f32 v17, v19;
	v15 =	vadd.f32 v15, v16;
	v16 =	vmul.f32 v14, v14;
	v14 =	vld.idx.msk [tilespmem:v18+s12+$0x0], $0xffff  }
.LBB2_3:
0x30: {  	p0 =	sne.s32 s24, $0x1;
	v18 =	vor.u32 $0x1, v5;
	v19 =	vld.idx.msk [tilespmem:v12+s11+$0x0], $0xffff  }
0x31: {  	v7 =	vsub.f32 v7, v11;
	v15 =	vadd.f32 v16, v15;
	v16 =	vmul.f32 v17, v17;
	v11 =	vld.idx.msk [tilespmem:v12+s12+$0x0], $0xffff  }
0x32: {  	v12 =	vor.u32 $0x2, v5;
	v17 =	vld.idx.msk [tilespmem:v10+s11+$0x0], $0xffff  }
0x33: {  	v7 =	vmul.f32 v7, v7;
	v8 =	vsub.f32 v8, v13;
	v15 =	vadd.f32 v16, v15;
	v10 =	vld.idx.msk [tilespmem:v10+s12+$0x0], $0xffff  }
0x34: {  	v16 =	vor.u32 $0x3, v5;
	v13 =	vld.idx.msk [tilespmem:v5+s11+$0x0], $0xffff  }
0x35: {  	v8 =	vmul.f32 v8, v8;
	v9 =	vsub.f32 v9, v14;
	v20 =	vld.idx.msk [tilespmem:v5+s12+$0x0], $0xffff;
	v7 =	vadd.f32 v7, v15  }
0x36: {  	v15 =	vor.u32 $0x4, v5;
	v14 =	vld.idx.msk [tilespmem:v18+s11+$0x0], $0xffff  }
0x37: {  	v18 =	vld.idx.msk [tilespmem:v18+s12+$0x0], $0xffff;
	v7 =	vadd.f32 v8, v7;
	v8 =	vmul.f32 v9, v9;
	v9 =	vsub.f32 v19, v11  }
0x38: {  	v21 =	vor.u32 $0x5, v5;
	v19 =	vld.idx.msk [tilespmem:v12+s11+$0x0], $0xffff  }
0x39: {  	v10 =	vsub.f32 v17, v10;
	v22 =	vld.idx.msk [tilespmem:v12+s12+$0x0], $0xffff;
	v8 =	vadd.f32 v8, v7;
	v9 =	vmul.f32 v9, v9  }
0x3a: {  	v6 =	vadd.s32 $0x8, v6;
	v12 =	vor.u32 $0x6, v5;
	v7 =	vld.idx.msk [tilespmem:v16+s11+$0x0], $0xffff  }
.Ltmp0:
0x3b: {  	v13 =	vsub.f32 v13, v20;
	v11 =	vld.idx.msk [tilespmem:v16+s12+$0x0], $0xffff;
	v9 =	vadd.f32 v9, v8;
	v16 =	vmul.f32 v10, v10;
	(pc) =	sbr.rel @p0 .LBB2_3-.Ltmp0, $4  }
0x3c: {  	v17 =	vand.u32 $0xFFFFFFF8, v6;
	v10 =	vor.u32 $0x7, v5;
	v8 =	vld.idx.msk [tilespmem:v15+s11+$0x0], $0xffff  }
0x3d: {  	v20 =	vmul.f32 v13, v13;
	v14 =	vsub.f32 v14, v18;
	v13 =	vld.idx.msk [tilespmem:v15+s12+$0x0], $0xffff;
	v15 =	vadd.f32 v16, v9  }
0x3e: {  	v5 =	vadd.s32 v0, v17;
	v9 =	vld.idx.msk [tilespmem:v21+s11+$0x0], $0xffff  }
0x3f: {  	s24 =	sadd.s32 $0xFFFFFFFF, s24;
	v16 =	vmul.f32 v14, v14;
	v17 =	vsub.f32 v19, v22;
	v15 =	vadd.f32 v20, v15;
	v14 =	vld.idx.msk [tilespmem:v21+s12+$0x0], $0xffff  }
0x40: {  	_ =	sdelay $0x3  }
0x41: {  	v6 =	vld.idx.msk [tilespmem:v12+s11+$0x0], $0xffff;
	v7 =	vsub.f32 v7, v11  }
0x42: {  	v11 =	vor.u32 $0x1, v5;
	v12 =	vld.idx.msk [tilespmem:v12+s12+$0x0], $0xffff;
	v15 =	vadd.f32 v16, v15;
	v16 =	vmul.f32 v17, v17  }
0x43: {  	v17 =	vld.idx.msk [tilespmem:v10+s11+$0x0], $0xffff  }
0x44: {  	v10 =	vld.idx.msk [tilespmem:v10+s12+$0x0], $0xffff;
	v7 =	vmul.f32 v7, v7;
	v8 =	vsub.f32 v8, v13;
	v15 =	vadd.f32 v16, v15  }
0x45: {  	v13 =	vor.u32 $0x2, v5;
	v16 =	vld.idx.msk [tilespmem:v5+s11+$0x0], $0xffff  }
0x46: {  	v8 =	vmul.f32 v8, v8;
	v9 =	vsub.f32 v9, v14;
	v7 =	vadd.f32 v7, v15;
	v15 =	vld.idx.msk [tilespmem:v5+s12+$0x0], $0xffff  }
0x47: {  	v14 =	vor.u32 $0x3, v5;
	v18 =	vld.idx.msk [tilespmem:v11+s11+$0x0], $0xffff  }
0x48: {  	v6 =	vsub.f32 v6, v12;
	v11 =	vld.idx.msk [tilespmem:v11+s12+$0x0], $0xffff;
	v7 =	vadd.f32 v8, v7;
	v8 =	vmul.f32 v9, v9  }
0x49: {  	v9 =	vor.u32 $0x4, v5  }
0x4a: {  	v12 =	vld.idx.msk [tilespmem:v13+s11+$0x0], $0xffff;
	v6 =	vmul.f32 v6, v6;
	v7 =	vadd.f32 v8, v7;
	v8 =	vsub.f32 v17, v10  }
0x4b: {  	v13 =	vld.idx.msk [tilespmem:v13+s12+$0x0], $0xffff;
	v10 =	vor.u32 $0x5, v5  }
0x4c: {  	v17 =	vld.idx.msk [tilespmem:v14+s11+$0x0], $0xffff;
	v15 =	vsub.f32 v16, v15;
	v6 =	vadd.f32 v6, v7;
	v7 =	vmul.f32 v8, v8  }
0x4d: {  	v14 =	vld.idx.msk [tilespmem:v14+s12+$0x0], $0xffff;
	v11 =	vsub.f32 v18, v11  }
0x4e: {  	v8 =	vor.u32 $0x6, v5;
	v16 =	vld.idx.msk [tilespmem:v9+s11+$0x0], $0xffff;
	v15 =	vmul.f32 v15, v15;
	v6 =	vadd.f32 v7, v6  }
0x4f: {  	v5 =	vor.u32 $0x7, v5;
	v7 =	vld.idx.msk [tilespmem:v9+s12+$0x0], $0xffff  }
0x50: {  	v9 =	vmul.f32 v11, v11;
	v11 =	vsub.f32 v12, v13;
	v12 =	vld.idx.msk [tilespmem:v1+s12+$0x0], $0xffff;
	v6 =	vadd.f32 v15, v6  }
0x51: {  	v13 =	vld.idx.msk [tilespmem:v10+s11+$0x0], $0xffff  }
0x52: {  	v10 =	vld.idx.msk [tilespmem:v10+s12+$0x0], $0xffff;
	v6 =	vadd.f32 v9, v6;
	v9 =	vmul.f32 v11, v11;
	v11 =	vsub.f32 v17, v14  }
0x53: {  	v14 =	vld.idx.msk [tilespmem:v8+s11+$0x0], $0xffff  }
0x54: {  	v8 =	vld.idx.msk [tilespmem:v8+s12+$0x0], $0xffff;
	v7 =	vsub.f32 v16, v7;
	v6 =	vadd.f32 v9, v6;
	v9 =	vmul.f32 v11, v11  }
0x55: {  	v11 =	vld.idx.msk [tilespmem:v5+s11+$0x0], $0xffff  }
0x56: {  	v15 =	vsub.f32 $0.0e+00, v12;
	v5 =	vld.idx.msk [tilespmem:v5+s12+$0x0], $0xffff;
	v7 =	vmul.f32 v7, v7;
	v6 =	vadd.f32 v9, v6  }
0x57: {  	v9 =	vsub.f32 v13, v10  }
0x58: {  	v10 =	vmul.f32 $1.442695020e+00, v15;
	v6 =	vadd.f32 v7, v6;
	v7 =	vld.idx.msk [tilespmem:v1+s11+$0x0], $0xffff  }
0x59: {  	v8 =	vsub.f32 v14, v8;
	v9 =	vmul.f32 v9, v9  }
0x5a: {  	(erf) = vpow2.f32 v10  }
0x5b: {  	v8 =	vmul.f32 v8, v8;
	v5 =	vsub.f32 v11, v5;
	v6 =	vadd.f32 v9, v6;
	_ =	sdelay $0x1  }
0x5c: {  	v5 =	vmul.f32 v5, v5;
	v6 =	vadd.f32 v8, v6;
	v7 =	vsub.f32 v7, v12;
	_ =	sdelay $0x1  }
0x5d: {  	v5 =	vadd.f32 v5, v6;
	v6 =	vmul.f32 v7, v7;
	_ =	sdelay $0x2  }
0x5e: {  	v5 =	vsub.f32 v5, v6  }
0x5f: {  	v6 =	vpop (erf)  }
0x60: {  	v5 =	vmul.f32 v6, v5;
	_ =	sdelay $0x1  }
0x61: {  	v5 =	vadd.f32 $1.000000000e+00, v5;
	_ =	sdelay $0x1  }
0x62: {  	(erf) = vrcp.f32 v5;
	_ =	sdelay $0x3  }
0x63: {  	v5 =	vimm.s32 $0x0  }
0x64: {  	v6 =	vand.u32 $0xFFFFFFF8, v5  }
0x65: {  	v9 =	vadd.s32 v2, v6;
	_ =	sdelay $0x1  }
0x66: {  	v6 =	vor.u32 $0x1, v9  }
0x67: {  	v7 =	vpop (erf)  }
0x68: {  	[tilespmem:s22+$0x12000] =	vst v7  }
0x69: {  	v7 =	vor.u32 $0x2, v9;
	v8 =	vld.idx.msk [tilespmem:v9+s11+$0x0], $0xffff  }
0x6a: {  	v11 =	vld.idx.msk [tilespmem:v9+s12+$0x0], $0xffff  }
0x6b: {  	v10 =	vor.u32 $0x3, v9;
	v12 =	vld.idx.msk [tilespmem:v6+s11+$0x0], $0xffff  }
0x6c: {  	v14 =	vld.idx.msk [tilespmem:v6+s12+$0x0], $0xffff  }
0x6d: {  	v13 =	vor.u32 $0x4, v9  }
0x6e: {  	v17 =	vld.idx.msk [tilespmem:v7+s11+$0x0], $0xffff  }
0x6f: {  	v18 =	vor.u32 $0x5, v9;
	v19 =	vld.idx.msk [tilespmem:v7+s12+$0x0], $0xffff  }
0x70: {  	v7 =	vld.idx.msk [tilespmem:v10+s11+$0x0], $0xffff  }
0x71: {  	v15 =	vsub.f32 v8, v11;
	v11 =	vld.idx.msk [tilespmem:v10+s12+$0x0], $0xffff;
	v14 =	vsub.f32 v12, v14;
	v12 =	vor.u32 $0x6, v9  }
0x72: {  	v6 =	vadd.s32 $0x8, v5;
	v8 =	vld.idx.msk [tilespmem:v13+s11+$0x0], $0xffff  }
0x73: {  	v5 =	vand.u32 $0xFFFFFFF8, v6;
	v13 =	vld.idx.msk [tilespmem:v13+s12+$0x0], $0xffff;
	v10 =	vor.u32 $0x7, v9;
	v15 =	vmul.f32 v15, v15  }
0x74: {  	v16 =	vimm.f32 $0.0e+00;
	v5 =	vadd.s32 v2, v5;
	v9 =	vld.idx.msk [tilespmem:v18+s11+$0x0], $0xffff  }
0x75: {  	s24 =	simm.s32 $0xE;
	v15 =	vadd.f32 v15, v16;
	v16 =	vmul.f32 v14, v14;
	v17 =	vsub.f32 v17, v19;
	v14 =	vld.idx.msk [tilespmem:v18+s12+$0x0], $0xffff  }
.LBB2_5:
0x76: {  	p0 =	sne.s32 s24, $0x1;
	v18 =	vor.u32 $0x1, v5;
	v19 =	vld.idx.msk [tilespmem:v12+s11+$0x0], $0xffff  }
0x77: {  	v7 =	vsub.f32 v7, v11;
	v15 =	vadd.f32 v16, v15;
	v16 =	vmul.f32 v17, v17;
	v11 =	vld.idx.msk [tilespmem:v12+s12+$0x0], $0xffff  }
0x78: {  	v12 =	vor.u32 $0x2, v5;
	v17 =	vld.idx.msk [tilespmem:v10+s11+$0x0], $0xffff  }
0x79: {  	v7 =	vmul.f32 v7, v7;
	v8 =	vsub.f32 v8, v13;
	v15 =	vadd.f32 v16, v15;
	v10 =	vld.idx.msk [tilespmem:v10+s12+$0x0], $0xffff  }
0x7a: {  	v16 =	vor.u32 $0x3, v5;
	v13 =	vld.idx.msk [tilespmem:v5+s11+$0x0], $0xffff  }
0x7b: {  	v8 =	vmul.f32 v8, v8;
	v9 =	vsub.f32 v9, v14;
	v20 =	vld.idx.msk [tilespmem:v5+s12+$0x0], $0xffff;
	v7 =	vadd.f32 v7, v15  }
0x7c: {  	v15 =	vor.u32 $0x4, v5;
	v14 =	vld.idx.msk [tilespmem:v18+s11+$0x0], $0xffff  }
0x7d: {  	v18 =	vld.idx.msk [tilespmem:v18+s12+$0x0], $0xffff;
	v7 =	vadd.f32 v8, v7;
	v8 =	vmul.f32 v9, v9;
	v9 =	vsub.f32 v19, v11  }
0x7e: {  	v21 =	vor.u32 $0x5, v5;
	v19 =	vld.idx.msk [tilespmem:v12+s11+$0x0], $0xffff  }
0x7f: {  	v10 =	vsub.f32 v17, v10;
	v22 =	vld.idx.msk [tilespmem:v12+s12+$0x0], $0xffff;
	v8 =	vadd.f32 v8, v7;
	v9 =	vmul.f32 v9, v9  }
0x80: {  	v6 =	vadd.s32 $0x8, v6;
	v12 =	vor.u32 $0x6, v5;
	v7 =	vld.idx.msk [tilespmem:v16+s11+$0x0], $0xffff  }
.Ltmp1:
0x81: {  	v13 =	vsub.f32 v13, v20;
	v11 =	vld.idx.msk [tilespmem:v16+s12+$0x0], $0xffff;
	v9 =	vadd.f32 v9, v8;
	v16 =	vmul.f32 v10, v10;
	(pc) =	sbr.rel @p0 .LBB2_5-.Ltmp1, $4  }
0x82: {  	v17 =	vand.u32 $0xFFFFFFF8, v6;
	v10 =	vor.u32 $0x7, v5;
	v8 =	vld.idx.msk [tilespmem:v15+s11+$0x0], $0xffff  }
0x83: {  	v20 =	vmul.f32 v13, v13;
	v14 =	vsub.f32 v14, v18;
	v13 =	vld.idx.msk [tilespmem:v15+s12+$0x0], $0xffff;
	v15 =	vadd.f32 v16, v9  }
0x84: {  	v5 =	vadd.s32 v2, v17;
	v9 =	vld.idx.msk [tilespmem:v21+s11+$0x0], $0xffff  }
0x85: {  	s24 =	sadd.s32 $0xFFFFFFFF, s24;
	v16 =	vmul.f32 v14, v14;
	v17 =	vsub.f32 v19, v22;
	v15 =	vadd.f32 v20, v15;
	v14 =	vld.idx.msk [tilespmem:v21+s12+$0x0], $0xffff  }
0x86: {  	_ =	sdelay $0x3  }
0x87: {  	v6 =	vld.idx.msk [tilespmem:v12+s11+$0x0], $0xffff;
	v7 =	vsub.f32 v7, v11  }
0x88: {  	v11 =	vor.u32 $0x1, v5;
	v12 =	vld.idx.msk [tilespmem:v12+s12+$0x0], $0xffff;
	v15 =	vadd.f32 v16, v15;
	v16 =	vmul.f32 v17, v17  }
0x89: {  	v17 =	vld.idx.msk [tilespmem:v10+s11+$0x0], $0xffff  }
0x8a: {  	v10 =	vld.idx.msk [tilespmem:v10+s12+$0x0], $0xffff;
	v7 =	vmul.f32 v7, v7;
	v8 =	vsub.f32 v8, v13;
	v15 =	vadd.f32 v16, v15  }
0x8b: {  	v13 =	vor.u32 $0x2, v5;
	v16 =	vld.idx.msk [tilespmem:v5+s11+$0x0], $0xffff  }
0x8c: {  	v8 =	vmul.f32 v8, v8;
	v9 =	vsub.f32 v9, v14;
	v7 =	vadd.f32 v7, v15;
	v15 =	vld.idx.msk [tilespmem:v5+s12+$0x0], $0xffff  }
0x8d: {  	v14 =	vor.u32 $0x3, v5;
	v18 =	vld.idx.msk [tilespmem:v11+s11+$0x0], $0xffff  }
0x8e: {  	v6 =	vsub.f32 v6, v12;
	v11 =	vld.idx.msk [tilespmem:v11+s12+$0x0], $0xffff;
	v7 =	vadd.f32 v8, v7;
	v8 =	vmul.f32 v9, v9  }
0x8f: {  	v9 =	vor.u32 $0x4, v5  }
0x90: {  	v12 =	vld.idx.msk [tilespmem:v13+s11+$0x0], $0xffff;
	v6 =	vmul.f32 v6, v6;
	v7 =	vadd.f32 v8, v7;
	v8 =	vsub.f32 v17, v10  }
0x91: {  	v13 =	vld.idx.msk [tilespmem:v13+s12+$0x0], $0xffff;
	v10 =	vor.u32 $0x5, v5  }
0x92: {  	v17 =	vld.idx.msk [tilespmem:v14+s11+$0x0], $0xffff;
	v15 =	vsub.f32 v16, v15;
	v6 =	vadd.f32 v6, v7;
	v7 =	vmul.f32 v8, v8  }
0x93: {  	v14 =	vld.idx.msk [tilespmem:v14+s12+$0x0], $0xffff;
	v11 =	vsub.f32 v18, v11  }
0x94: {  	v8 =	vor.u32 $0x6, v5;
	v16 =	vld.idx.msk [tilespmem:v9+s11+$0x0], $0xffff;
	v15 =	vmul.f32 v15, v15;
	v6 =	vadd.f32 v7, v6  }
0x95: {  	v5 =	vor.u32 $0x7, v5;
	v7 =	vld.idx.msk [tilespmem:v9+s12+$0x0], $0xffff  }
0x96: {  	v9 =	vmul.f32 v11, v11;
	v11 =	vsub.f32 v12, v13;
	v12 =	vld.idx.msk [tilespmem:v3+s12+$0x0], $0xffff;
	v6 =	vadd.f32 v15, v6  }
0x97: {  	v13 =	vld.idx.msk [tilespmem:v10+s11+$0x0], $0xffff  }
0x98: {  	v10 =	vld.idx.msk [tilespmem:v10+s12+$0x0], $0xffff;
	v6 =	vadd.f32 v9, v6;
	v9 =	vmul.f32 v11, v11;
	v11 =	vsub.f32 v17, v14  }
0x99: {  	v14 =	vld.idx.msk [tilespmem:v8+s11+$0x0], $0xffff  }
0x9a: {  	v8 =	vld.idx.msk [tilespmem:v8+s12+$0x0], $0xffff;
	v7 =	vsub.f32 v16, v7;
	v6 =	vadd.f32 v9, v6;
	v9 =	vmul.f32 v11, v11  }
0x9b: {  	v11 =	vld.idx.msk [tilespmem:v5+s11+$0x0], $0xffff  }
0x9c: {  	v15 =	vsub.f32 $0.0e+00, v12;
	v5 =	vld.idx.msk [tilespmem:v5+s12+$0x0], $0xffff;
	v7 =	vmul.f32 v7, v7;
	v6 =	vadd.f32 v9, v6  }
0x9d: {  	v9 =	vsub.f32 v13, v10  }
0x9e: {  	v10 =	vmul.f32 $1.442695020e+00, v15;
	v6 =	vadd.f32 v7, v6;
	v7 =	vld.idx.msk [tilespmem:v3+s11+$0x0], $0xffff  }
0x9f: {  	v8 =	vsub.f32 v14, v8;
	v9 =	vmul.f32 v9, v9  }
0xa0: {  	(erf) = vpow2.f32 v10  }
0xa1: {  	v8 =	vmul.f32 v8, v8;
	v5 =	vsub.f32 v11, v5;
	v6 =	vadd.f32 v9, v6;
	_ =	sdelay $0x1  }
0xa2: {  	v5 =	vmul.f32 v5, v5;
	v6 =	vadd.f32 v8, v6;
	v7 =	vsub.f32 v7, v12;
	_ =	sdelay $0x1  }
0xa3: {  	v5 =	vadd.f32 v5, v6;
	v6 =	vmul.f32 v7, v7;
	_ =	sdelay $0x2  }
0xa4: {  	v5 =	vsub.f32 v5, v6  }
0xa5: {  	v6 =	vpop (erf)  }
0xa6: {  	v5 =	vmul.f32 v6, v5;
	_ =	sdelay $0x1  }
0xa7: {  	v5 =	vadd.f32 $1.000000000e+00, v5;
	_ =	sdelay $0x1  }
0xa8: {  	(erf) = vrcp.f32 v5;
	_ =	sdelay $0x3  }
0xa9: {  	v5 =	vimm.s32 $0x0  }
0xaa: {  	v6 =	vand.u32 $0xFFFFFFF8, v5  }
0xab: {  	v9 =	vadd.s32 v4, v6;
	_ =	sdelay $0x1  }
0xac: {  	v6 =	vor.u32 $0x1, v9  }
0xad: {  	v7 =	vpop (erf)  }
0xae: {  	[tilespmem:s22+$0x12010] =	vst v7  }
0xaf: {  	v7 =	vor.u32 $0x2, v9;
	v8 =	vld.idx.msk [tilespmem:v9+s11+$0x0], $0xffff  }
0xb0: {  	v11 =	vld.idx.msk [tilespmem:v9+s12+$0x0], $0xffff  }
0xb1: {  	v10 =	vor.u32 $0x3, v9;
	v12 =	vld.idx.msk [tilespmem:v6+s11+$0x0], $0xffff  }
0xb2: {  	v14 =	vld.idx.msk [tilespmem:v6+s12+$0x0], $0xffff  }
0xb3: {  	v13 =	vor.u32 $0x4, v9  }
0xb4: {  	v17 =	vld.idx.msk [tilespmem:v7+s11+$0x0], $0xffff  }
0xb5: {  	v18 =	vor.u32 $0x5, v9;
	v19 =	vld.idx.msk [tilespmem:v7+s12+$0x0], $0xffff  }
0xb6: {  	v7 =	vld.idx.msk [tilespmem:v10+s11+$0x0], $0xffff  }
0xb7: {  	v15 =	vsub.f32 v8, v11;
	v11 =	vld.idx.msk [tilespmem:v10+s12+$0x0], $0xffff;
	v14 =	vsub.f32 v12, v14;
	v12 =	vor.u32 $0x6, v9  }
0xb8: {  	v6 =	vadd.s32 $0x8, v5;
	v8 =	vld.idx.msk [tilespmem:v13+s11+$0x0], $0xffff  }
0xb9: {  	v5 =	vand.u32 $0xFFFFFFF8, v6;
	v13 =	vld.idx.msk [tilespmem:v13+s12+$0x0], $0xffff;
	v10 =	vor.u32 $0x7, v9;
	v15 =	vmul.f32 v15, v15  }
0xba: {  	v16 =	vimm.f32 $0.0e+00;
	v5 =	vadd.s32 v4, v5;
	v9 =	vld.idx.msk [tilespmem:v18+s11+$0x0], $0xffff  }
0xbb: {  	s24 =	simm.s32 $0xE;
	v15 =	vadd.f32 v15, v16;
	v16 =	vmul.f32 v14, v14;
	v17 =	vsub.f32 v17, v19;
	v14 =	vld.idx.msk [tilespmem:v18+s12+$0x0], $0xffff  }
.LBB2_7:
0xbc: {  	p0 =	sne.s32 s24, $0x1;
	v18 =	vor.u32 $0x1, v5;
	v19 =	vld.idx.msk [tilespmem:v12+s11+$0x0], $0xffff  }
0xbd: {  	v7 =	vsub.f32 v7, v11;
	v15 =	vadd.f32 v16, v15;
	v16 =	vmul.f32 v17, v17;
	v11 =	vld.idx.msk [tilespmem:v12+s12+$0x0], $0xffff  }
0xbe: {  	v12 =	vor.u32 $0x2, v5;
	v17 =	vld.idx.msk [tilespmem:v10+s11+$0x0], $0xffff  }
0xbf: {  	v7 =	vmul.f32 v7, v7;
	v8 =	vsub.f32 v8, v13;
	v15 =	vadd.f32 v16, v15;
	v10 =	vld.idx.msk [tilespmem:v10+s12+$0x0], $0xffff  }
0xc0: {  	v16 =	vor.u32 $0x3, v5;
	v13 =	vld.idx.msk [tilespmem:v5+s11+$0x0], $0xffff  }
0xc1: {  	v8 =	vmul.f32 v8, v8;
	v9 =	vsub.f32 v9, v14;
	v20 =	vld.idx.msk [tilespmem:v5+s12+$0x0], $0xffff;
	v7 =	vadd.f32 v7, v15  }
0xc2: {  	v15 =	vor.u32 $0x4, v5;
	v14 =	vld.idx.msk [tilespmem:v18+s11+$0x0], $0xffff  }
0xc3: {  	v18 =	vld.idx.msk [tilespmem:v18+s12+$0x0], $0xffff;
	v7 =	vadd.f32 v8, v7;
	v8 =	vmul.f32 v9, v9;
	v9 =	vsub.f32 v19, v11  }
0xc4: {  	v21 =	vor.u32 $0x5, v5;
	v19 =	vld.idx.msk [tilespmem:v12+s11+$0x0], $0xffff  }
0xc5: {  	v10 =	vsub.f32 v17, v10;
	v22 =	vld.idx.msk [tilespmem:v12+s12+$0x0], $0xffff;
	v8 =	vadd.f32 v8, v7;
	v9 =	vmul.f32 v9, v9  }
0xc6: {  	v6 =	vadd.s32 $0x8, v6;
	v12 =	vor.u32 $0x6, v5;
	v7 =	vld.idx.msk [tilespmem:v16+s11+$0x0], $0xffff  }
.Ltmp2:
0xc7: {  	v13 =	vsub.f32 v13, v20;
	v11 =	vld.idx.msk [tilespmem:v16+s12+$0x0], $0xffff;
	v9 =	vadd.f32 v9, v8;
	v16 =	vmul.f32 v10, v10;
	(pc) =	sbr.rel @p0 .LBB2_7-.Ltmp2, $4  }
0xc8: {  	v17 =	vand.u32 $0xFFFFFFF8, v6;
	v10 =	vor.u32 $0x7, v5;
	v8 =	vld.idx.msk [tilespmem:v15+s11+$0x0], $0xffff  }
0xc9: {  	v20 =	vmul.f32 v13, v13;
	v14 =	vsub.f32 v14, v18;
	v13 =	vld.idx.msk [tilespmem:v15+s12+$0x0], $0xffff;
	v15 =	vadd.f32 v16, v9  }
0xca: {  	v5 =	vadd.s32 v4, v17;
	v9 =	vld.idx.msk [tilespmem:v21+s11+$0x0], $0xffff  }
0xcb: {  	s24 =	sadd.s32 $0xFFFFFFFF, s24;
	v16 =	vmul.f32 v14, v14;
	v17 =	vsub.f32 v19, v22;
	v15 =	vadd.f32 v20, v15;
	v14 =	vld.idx.msk [tilespmem:v21+s12+$0x0], $0xffff  }
0xcc: {  	_ =	sdelay $0x3  }
0xcd: {  	v6 =	vld.idx.msk [tilespmem:v12+s11+$0x0], $0xffff;
	v7 =	vsub.f32 v7, v11  }
0xce: {  	v11 =	vor.u32 $0x1, v5;
	v12 =	vld.idx.msk [tilespmem:v12+s12+$0x0], $0xffff;
	v15 =	vadd.f32 v16, v15;
	v16 =	vmul.f32 v17, v17  }
0xcf: {  	v17 =	vld.idx.msk [tilespmem:v10+s11+$0x0], $0xffff  }
0xd0: {  	v10 =	vld.idx.msk [tilespmem:v10+s12+$0x0], $0xffff;
	v7 =	vmul.f32 v7, v7;
	v8 =	vsub.f32 v8, v13;
	v15 =	vadd.f32 v16, v15  }
0xd1: {  	v13 =	vor.u32 $0x2, v5;
	v16 =	vld.idx.msk [tilespmem:v5+s11+$0x0], $0xffff  }
0xd2: {  	v8 =	vmul.f32 v8, v8;
	v9 =	vsub.f32 v9, v14;
	v7 =	vadd.f32 v7, v15;
	v15 =	vld.idx.msk [tilespmem:v5+s12+$0x0], $0xffff  }
0xd3: {  	v14 =	vor.u32 $0x3, v5;
	v18 =	vld.idx.msk [tilespmem:v11+s11+$0x0], $0xffff  }
0xd4: {  	v6 =	vsub.f32 v6, v12;
	v11 =	vld.idx.msk [tilespmem:v11+s12+$0x0], $0xffff;
	v7 =	vadd.f32 v8, v7;
	v8 =	vmul.f32 v9, v9  }
0xd5: {  	v9 =	vor.u32 $0x4, v5  }
0xd6: {  	v10 =	vsub.f32 v17, v10;
	v12 =	vld.idx.msk [tilespmem:v13+s11+$0x0], $0xffff;
	v6 =	vmul.f32 v6, v6;
	v8 =	vadd.f32 v8, v7  }
0xd7: {  	v17 =	vor.u32 $0x5, v5;
	v13 =	vld.idx.msk [tilespmem:v13+s12+$0x0], $0xffff;
	v7 =	vor.u32 $0x107F, v0  }
0xd8: {  	v19 =	vld.idx.msk [tilespmem:v14+s11+$0x0], $0xffff;
	v15 =	vsub.f32 v16, v15;
	v6 =	vadd.f32 v6, v8;
	v8 =	vmul.f32 v10, v10  }
0xd9: {  	v14 =	vld.idx.msk [tilespmem:v14+s12+$0x0], $0xffff;
	v11 =	vsub.f32 v18, v11  }
0xda: {  	v10 =	vor.u32 $0x6, v5;
	v16 =	vld.idx.msk [tilespmem:v9+s11+$0x0], $0xffff;
	v15 =	vmul.f32 v15, v15;
	v6 =	vadd.f32 v8, v6  }
0xdb: {  	v5 =	vor.u32 $0x7, v5;
	v8 =	vld.idx.msk [tilespmem:v9+s12+$0x0], $0xffff  }
0xdc: {  	v9 =	vmul.f32 v11, v11;
	v11 =	vsub.f32 v12, v13;
	v13 =	vld.idx.msk [tilespmem:v17+s11+$0x0], $0xffff;
	v6 =	vadd.f32 v15, v6  }
0xdd: {  	v12 =	vld.idx.msk [tilespmem:v7+s12+$0x0], $0xffff  }
0xde: {  	v15 =	vld.idx.msk [tilespmem:v17+s12+$0x0], $0xffff;
	v6 =	vadd.f32 v9, v6;
	v9 =	vmul.f32 v11, v11;
	v11 =	vsub.f32 v19, v14  }
0xdf: {  	v14 =	vld.idx.msk [tilespmem:v10+s11+$0x0], $0xffff  }
0xe0: {  	v10 =	vld.idx.msk [tilespmem:v10+s12+$0x0], $0xffff;
	v8 =	vsub.f32 v16, v8;
	v6 =	vadd.f32 v9, v6;
	v9 =	vmul.f32 v11, v11  }
0xe1: {  	v11 =	vld.idx.msk [tilespmem:v5+s11+$0x0], $0xffff  }
0xe2: {  	v16 =	vsub.f32 $0.0e+00, v12;
	v5 =	vld.idx.msk [tilespmem:v5+s12+$0x0], $0xffff;
	v8 =	vmul.f32 v8, v8;
	v6 =	vadd.f32 v9, v6  }
0xe3: {  	v9 =	vsub.f32 v13, v15  }
0xe4: {  	v13 =	vmul.f32 $1.442695020e+00, v16;
	v6 =	vadd.f32 v8, v6;
	v8 =	vld.idx.msk [tilespmem:v7+s11+$0x0], $0xffff  }
0xe5: {  	v10 =	vsub.f32 v14, v10;
	v9 =	vmul.f32 v9, v9  }
0xe6: {  	(erf) = vpow2.f32 v13  }
0xe7: {  	v5 =	vsub.f32 v11, v5;
	v6 =	vadd.f32 v9, v6;
	v9 =	vmul.f32 v10, v10;
	_ =	sdelay $0x1  }
0xe8: {  	v5 =	vmul.f32 v5, v5;
	v6 =	vadd.f32 v9, v6;
	v8 =	vsub.f32 v8, v12;
	_ =	sdelay $0x1  }
0xe9: {  	v5 =	vadd.f32 v5, v6;
	v6 =	vmul.f32 v8, v8;
	_ =	sdelay $0x2  }
0xea: {  	v5 =	vsub.f32 v5, v6  }
0xeb: {  	v6 =	vpop (erf)  }
0xec: {  	v5 =	vmul.f32 v6, v5;
	_ =	sdelay $0x1  }
0xed: {  	v5 =	vadd.f32 $1.000000000e+00, v5;
	_ =	sdelay $0x1  }
0xee: {  	(erf) = vrcp.f32 v5;
	_ =	sdelay $0x3  }
0xef: {  	v6 =	vimm.s32 $0x0  }
0xf0: {  	v8 =	vand.u32 $0xFFFFFFF8, v6;
	v5 =	vor.u32 $0x1800, v0  }
0xf1: {  	v11 =	vadd.s32 v5, v8;
	_ =	sdelay $0x1  }
0xf2: {  	v8 =	vor.u32 $0x1, v11  }
0xf3: {  	v9 =	vpop (erf)  }
0xf4: {  	[tilespmem:s22+$0x12020] =	vst v9  }
0xf5: {  	v9 =	vor.u32 $0x2, v11;
	v10 =	vld.idx.msk [tilespmem:v11+s11+$0x0], $0xffff  }
0xf6: {  	v13 =	vld.idx.msk [tilespmem:v11+s12+$0x0], $0xffff  }
0xf7: {  	v12 =	vor.u32 $0x3, v11;
	v14 =	vld.idx.msk [tilespmem:v8+s11+$0x0], $0xffff  }
0xf8: {  	v16 =	vld.idx.msk [tilespmem:v8+s12+$0x0], $0xffff  }
0xf9: {  	v15 =	vor.u32 $0x4, v11  }
0xfa: {  	v19 =	vld.idx.msk [tilespmem:v9+s11+$0x0], $0xffff  }
0xfb: {  	v20 =	vor.u32 $0x5, v11;
	v21 =	vld.idx.msk [tilespmem:v9+s12+$0x0], $0xffff  }
0xfc: {  	v9 =	vld.idx.msk [tilespmem:v12+s11+$0x0], $0xffff  }
0xfd: {  	v17 =	vsub.f32 v10, v13;
	v13 =	vld.idx.msk [tilespmem:v12+s12+$0x0], $0xffff;
	v16 =	vsub.f32 v14, v16;
	v14 =	vor.u32 $0x6, v11  }
0xfe: {  	v8 =	vadd.s32 $0x8, v6;
	v10 =	vld.idx.msk [tilespmem:v15+s11+$0x0], $0xffff  }
0xff: {  	v6 =	vand.u32 $0xFFFFFFF8, v8;
	v15 =	vld.idx.msk [tilespmem:v15+s12+$0x0], $0xffff;
	v12 =	vor.u32 $0x7, v11;
	v17 =	vmul.f32 v17, v17  }
0x100: {  	v18 =	vimm.f32 $0.0e+00;
	v6 =	vadd.s32 v5, v6;
	v11 =	vld.idx.msk [tilespmem:v20+s11+$0x0], $0xffff  }
0x101: {  	s24 =	simm.s32 $0xE;
	v17 =	vadd.f32 v17, v18;
	v18 =	vmul.f32 v16, v16;
	v19 =	vsub.f32 v19, v21;
	v16 =	vld.idx.msk [tilespmem:v20+s12+$0x0], $0xffff  }
.LBB2_9:
0x102: {  	p0 =	sne.s32 s24, $0x1;
	v20 =	vor.u32 $0x1, v6;
	v21 =	vld.idx.msk [tilespmem:v14+s11+$0x0], $0xffff  }
0x103: {  	v9 =	vsub.f32 v9, v13;
	v17 =	vadd.f32 v18, v17;
	v18 =	vmul.f32 v19, v19;
	v13 =	vld.idx.msk [tilespmem:v14+s12+$0x0], $0xffff  }
0x104: {  	v14 =	vor.u32 $0x2, v6;
	v19 =	vld.idx.msk [tilespmem:v12+s11+$0x0], $0xffff  }
0x105: {  	v9 =	vmul.f32 v9, v9;
	v10 =	vsub.f32 v10, v15;
	v17 =	vadd.f32 v18, v17;
	v12 =	vld.idx.msk [tilespmem:v12+s12+$0x0], $0xffff  }
0x106: {  	v18 =	vor.u32 $0x3, v6;
	v15 =	vld.idx.msk [tilespmem:v6+s11+$0x0], $0xffff  }
0x107: {  	v10 =	vmul.f32 v10, v10;
	v11 =	vsub.f32 v11, v16;
	v22 =	vld.idx.msk [tilespmem:v6+s12+$0x0], $0xffff;
	v9 =	vadd.f32 v9, v17  }
0x108: {  	v17 =	vor.u32 $0x4, v6;
	v16 =	vld.idx.msk [tilespmem:v20+s11+$0x0], $0xffff  }
0x109: {  	v20 =	vld.idx.msk [tilespmem:v20+s12+$0x0], $0xffff;
	v9 =	vadd.f32 v10, v9;
	v10 =	vmul.f32 v11, v11;
	v11 =	vsub.f32 v21, v13  }
0x10a: {  	v23 =	vor.u32 $0x5, v6;
	v21 =	vld.idx.msk [tilespmem:v14+s11+$0x0], $0xffff  }
0x10b: {  	v12 =	vsub.f32 v19, v12;
	v24 =	vld.idx.msk [tilespmem:v14+s12+$0x0], $0xffff;
	v10 =	vadd.f32 v10, v9;
	v11 =	vmul.f32 v11, v11  }
0x10c: {  	v8 =	vadd.s32 $0x8, v8;
	v14 =	vor.u32 $0x6, v6;
	v9 =	vld.idx.msk [tilespmem:v18+s11+$0x0], $0xffff  }
.Ltmp3:
0x10d: {  	v15 =	vsub.f32 v15, v22;
	v13 =	vld.idx.msk [tilespmem:v18+s12+$0x0], $0xffff;
	v11 =	vadd.f32 v11, v10;
	v18 =	vmul.f32 v12, v12;
	(pc) =	sbr.rel @p0 .LBB2_9-.Ltmp3, $4  }
0x10e: {  	v19 =	vand.u32 $0xFFFFFFF8, v8;
	v12 =	vor.u32 $0x7, v6;
	v10 =	vld.idx.msk [tilespmem:v17+s11+$0x0], $0xffff  }
0x10f: {  	v22 =	vmul.f32 v15, v15;
	v16 =	vsub.f32 v16, v20;
	v15 =	vld.idx.msk [tilespmem:v17+s12+$0x0], $0xffff;
	v17 =	vadd.f32 v18, v11  }
0x110: {  	v6 =	vadd.s32 v5, v19;
	v11 =	vld.idx.msk [tilespmem:v23+s11+$0x0], $0xffff  }
0x111: {  	s24 =	sadd.s32 $0xFFFFFFFF, s24;
	v18 =	vmul.f32 v16, v16;
	v19 =	vsub.f32 v21, v24;
	v17 =	vadd.f32 v22, v17;
	v16 =	vld.idx.msk [tilespmem:v23+s12+$0x0], $0xffff  }
0x112: {  	_ =	sdelay $0x3  }
0x113: {  	v8 =	vld.idx.msk [tilespmem:v14+s11+$0x0], $0xffff;
	v9 =	vsub.f32 v9, v13  }
0x114: {  	v13 =	vor.u32 $0x1, v6;
	v14 =	vld.idx.msk [tilespmem:v14+s12+$0x0], $0xffff;
	v17 =	vadd.f32 v18, v17;
	v18 =	vmul.f32 v19, v19  }
0x115: {  	v19 =	vld.idx.msk [tilespmem:v12+s11+$0x0], $0xffff  }
0x116: {  	v12 =	vld.idx.msk [tilespmem:v12+s12+$0x0], $0xffff;
	v9 =	vmul.f32 v9, v9;
	v10 =	vsub.f32 v10, v15;
	v17 =	vadd.f32 v18, v17  }
0x117: {  	v15 =	vor.u32 $0x2, v6;
	v18 =	vld.idx.msk [tilespmem:v6+s11+$0x0], $0xffff  }
0x118: {  	v10 =	vmul.f32 v10, v10;
	v11 =	vsub.f32 v11, v16;
	v9 =	vadd.f32 v9, v17;
	v17 =	vld.idx.msk [tilespmem:v6+s12+$0x0], $0xffff  }
0x119: {  	v16 =	vor.u32 $0x3, v6;
	v20 =	vld.idx.msk [tilespmem:v13+s11+$0x0], $0xffff  }
0x11a: {  	v8 =	vsub.f32 v8, v14;
	v13 =	vld.idx.msk [tilespmem:v13+s12+$0x0], $0xffff;
	v9 =	vadd.f32 v10, v9;
	v10 =	vmul.f32 v11, v11  }
0x11b: {  	v11 =	vor.u32 $0x4, v6  }
0x11c: {  	v12 =	vsub.f32 v19, v12;
	v14 =	vld.idx.msk [tilespmem:v15+s11+$0x0], $0xffff;
	v9 =	vadd.f32 v10, v9;
	v10 =	vmul.f32 v8, v8  }
0x11d: {  	v19 =	vor.u32 $0x5, v6;
	v15 =	vld.idx.msk [tilespmem:v15+s12+$0x0], $0xffff;
	v8 =	vor.u32 $0x187F, v0  }
0x11e: {  	v21 =	vld.idx.msk [tilespmem:v16+s11+$0x0], $0xffff;
	v17 =	vsub.f32 v18, v17;
	v9 =	vadd.f32 v10, v9;
	v10 =	vmul.f32 v12, v12  }
0x11f: {  	v16 =	vld.idx.msk [tilespmem:v16+s12+$0x0], $0xffff;
	v13 =	vsub.f32 v20, v13  }
0x120: {  	v12 =	vor.u32 $0x6, v6;
	v18 =	vld.idx.msk [tilespmem:v11+s11+$0x0], $0xffff;
	v17 =	vmul.f32 v17, v17;
	v9 =	vadd.f32 v10, v9  }
0x121: {  	v6 =	vor.u32 $0x7, v6;
	v10 =	vld.idx.msk [tilespmem:v11+s12+$0x0], $0xffff  }
0x122: {  	v11 =	vmul.f32 v13, v13;
	v13 =	vsub.f32 v14, v15;
	v15 =	vld.idx.msk [tilespmem:v19+s11+$0x0], $0xffff;
	v9 =	vadd.f32 v17, v9  }
0x123: {  	v14 =	vld.idx.msk [tilespmem:v8+s12+$0x0], $0xffff  }
0x124: {  	v17 =	vld.idx.msk [tilespmem:v19+s12+$0x0], $0xffff;
	v9 =	vadd.f32 v11, v9;
	v11 =	vmul.f32 v13, v13;
	v13 =	vsub.f32 v21, v16  }
0x125: {  	v16 =	vld.idx.msk [tilespmem:v12+s11+$0x0], $0xffff  }
0x126: {  	v12 =	vld.idx.msk [tilespmem:v12+s12+$0x0], $0xffff;
	v10 =	vsub.f32 v18, v10;
	v9 =	vadd.f32 v11, v9;
	v11 =	vmul.f32 v13, v13  }
0x127: {  	v13 =	vld.idx.msk [tilespmem:v6+s11+$0x0], $0xffff  }
0x128: {  	v18 =	vsub.f32 $0.0e+00, v14;
	v6 =	vld.idx.msk [tilespmem:v6+s12+$0x0], $0xffff;
	v10 =	vmul.f32 v10, v10;
	v9 =	vadd.f32 v11, v9  }
0x129: {  	v11 =	vsub.f32 v15, v17  }
0x12a: {  	v15 =	vmul.f32 $1.442695020e+00, v18;
	v9 =	vadd.f32 v10, v9;
	v10 =	vld.idx.msk [tilespmem:v8+s11+$0x0], $0xffff  }
0x12b: {  	v12 =	vsub.f32 v16, v12;
	v11 =	vmul.f32 v11, v11  }
0x12c: {  	(erf) = vpow2.f32 v15  }
0x12d: {  	v6 =	vsub.f32 v13, v6;
	v9 =	vadd.f32 v11, v9;
	v11 =	vmul.f32 v12, v12;
	_ =	sdelay $0x1  }
0x12e: {  	v6 =	vmul.f32 v6, v6;
	v9 =	vadd.f32 v11, v9;
	v10 =	vsub.f32 v10, v14;
	_ =	sdelay $0x1  }
0x12f: {  	v6 =	vadd.f32 v6, v9;
	v9 =	vmul.f32 v10, v10;
	_ =	sdelay $0x2  }
0x130: {  	v6 =	vsub.f32 v6, v9  }
0x131: {  	v9 =	vpop (erf)  }
0x132: {  	v6 =	vmul.f32 v9, v6;
	_ =	sdelay $0x1  }
0x133: {  	v6 =	vadd.f32 $1.000000000e+00, v6;
	_ =	sdelay $0x1  }
0x134: {  	(erf) = vrcp.f32 v6;
	_ =	sdelay $0x3  }
0x135: {  	v9 =	vimm.s32 $0x0  }
0x136: {  	v10 =	vand.u32 $0xFFFFFFF8, v9;
	v6 =	vor.u32 $0x2000, v0  }
0x137: {  	v10 =	vadd.s32 v6, v10;
	_ =	sdelay $0x1  }
0x138: {  	v11 =	vor.u32 $0x1, v10  }
0x139: {  	v12 =	vpop (erf)  }
0x13a: {  	[tilespmem:s22+$0x12030] =	vst v12  }
0x13b: {  	v14 =	vor.u32 $0x3, v10;
	v13 =	vld.idx.msk [tilespmem:v10+s11+$0x0], $0xffff  }
0x13c: {  	v12 =	vor.u32 $0x2, v10;
	v15 =	vld.idx.msk [tilespmem:v10+s12+$0x0], $0xffff  }
0x13d: {  	v16 =	vld.idx.msk [tilespmem:v11+s11+$0x0], $0xffff  }
0x13e: {  	v17 =	vor.u32 $0x4, v10;
	v18 =	vld.idx.msk [tilespmem:v11+s12+$0x0], $0xffff;
	_ =	sdelay $0x1  }
0x13f: {  	v11 =	vld.idx.msk [tilespmem:v14+s11+$0x0], $0xffff  }
0x140: {  	v22 =	vor.u32 $0x5, v10;
	v21 =	vld.idx.msk [tilespmem:v12+s11+$0x0], $0xffff  }
0x141: {  	v23 =	vld.idx.msk [tilespmem:v12+s12+$0x0], $0xffff  }
0x142: {  	v12 =	vld.idx.msk [tilespmem:v17+s11+$0x0], $0xffff;
	v13 =	vsub.f32 v13, v15;
	v18 =	vsub.f32 v16, v18;
	v16 =	vor.u32 $0x6, v10  }
0x143: {  	v9 =	vadd.s32 $0x8, v9;
	v15 =	vld.idx.msk [tilespmem:v14+s12+$0x0], $0xffff  }
0x144: {  	v20 =	vand.u32 $0xFFFFFFF8, v9;
	v17 =	vld.idx.msk [tilespmem:v17+s12+$0x0], $0xffff;
	v14 =	vor.u32 $0x7, v10;
	v24 =	vmul.f32 v13, v13  }
0x145: {  	v19 =	vimm.f32 $0.0e+00;
	v10 =	vadd.s32 v6, v20;
	v13 =	vld.idx.msk [tilespmem:v22+s11+$0x0], $0xffff  }
0x146: {  	s24 =	simm.s32 $0xE;
	v20 =	vmul.f32 v18, v18;
	v18 =	vld.idx.msk [tilespmem:v22+s12+$0x0], $0xffff;
	v19 =	vadd.f32 v24, v19;
	v21 =	vsub.f32 v21, v23  }
.LBB2_11:
0x147: {  	p0 =	sne.s32 s24, $0x1;
	v22 =	vor.u32 $0x1, v10;
	v23 =	vld.idx.msk [tilespmem:v16+s11+$0x0], $0xffff  }
0x148: {  	v11 =	vsub.f32 v11, v15;
	v19 =	vadd.f32 v20, v19;
	v20 =	vmul.f32 v21, v21;
	v15 =	vld.idx.msk [tilespmem:v16+s12+$0x0], $0xffff  }
0x149: {  	v16 =	vor.u32 $0x2, v10;
	v21 =	vld.idx.msk [tilespmem:v14+s11+$0x0], $0xffff  }
0x14a: {  	v11 =	vmul.f32 v11, v11;
	v12 =	vsub.f32 v12, v17;
	v19 =	vadd.f32 v20, v19;
	v14 =	vld.idx.msk [tilespmem:v14+s12+$0x0], $0xffff  }
0x14b: {  	v20 =	vor.u32 $0x3, v10;
	v17 =	vld.idx.msk [tilespmem:v10+s11+$0x0], $0xffff  }
0x14c: {  	v12 =	vmul.f32 v12, v12;
	v13 =	vsub.f32 v13, v18;
	v24 =	vld.idx.msk [tilespmem:v10+s12+$0x0], $0xffff;
	v11 =	vadd.f32 v11, v19  }
0x14d: {  	v19 =	vor.u32 $0x4, v10;
	v18 =	vld.idx.msk [tilespmem:v22+s11+$0x0], $0xffff  }
0x14e: {  	v22 =	vld.idx.msk [tilespmem:v22+s12+$0x0], $0xffff;
	v11 =	vadd.f32 v12, v11;
	v12 =	vmul.f32 v13, v13;
	v13 =	vsub.f32 v23, v15  }
0x14f: {  	v25 =	vor.u32 $0x5, v10;
	v23 =	vld.idx.msk [tilespmem:v16+s11+$0x0], $0xffff  }
0x150: {  	v14 =	vsub.f32 v21, v14;
	v26 =	vld.idx.msk [tilespmem:v16+s12+$0x0], $0xffff;
	v12 =	vadd.f32 v12, v11;
	v13 =	vmul.f32 v13, v13  }
0x151: {  	v9 =	vadd.s32 $0x8, v9;
	v16 =	vor.u32 $0x6, v10;
	v11 =	vld.idx.msk [tilespmem:v20+s11+$0x0], $0xffff  }
.Ltmp4:
0x152: {  	v17 =	vsub.f32 v17, v24;
	v15 =	vld.idx.msk [tilespmem:v20+s12+$0x0], $0xffff;
	v13 =	vadd.f32 v13, v12;
	v20 =	vmul.f32 v14, v14;
	(pc) =	sbr.rel @p0 .LBB2_11-.Ltmp4, $4  }
0x153: {  	v21 =	vand.u32 $0xFFFFFFF8, v9;
	v14 =	vor.u32 $0x7, v10;
	v12 =	vld.idx.msk [tilespmem:v19+s11+$0x0], $0xffff  }
0x154: {  	v24 =	vmul.f32 v17, v17;
	v18 =	vsub.f32 v18, v22;
	v17 =	vld.idx.msk [tilespmem:v19+s12+$0x0], $0xffff;
	v19 =	vadd.f32 v20, v13  }
0x155: {  	v10 =	vadd.s32 v6, v21;
	v13 =	vld.idx.msk [tilespmem:v25+s11+$0x0], $0xffff  }
0x156: {  	s24 =	sadd.s32 $0xFFFFFFFF, s24;
	v20 =	vmul.f32 v18, v18;
	v21 =	vsub.f32 v23, v26;
	v19 =	vadd.f32 v24, v19;
	v18 =	vld.idx.msk [tilespmem:v25+s12+$0x0], $0xffff  }
0x157: {  	_ =	sdelay $0x3  }
0x158: {  	v9 =	vld.idx.msk [tilespmem:v16+s11+$0x0], $0xffff;
	v11 =	vsub.f32 v11, v15  }
0x159: {  	v15 =	vor.u32 $0x1, v10;
	v16 =	vld.idx.msk [tilespmem:v16+s12+$0x0], $0xffff;
	v19 =	vadd.f32 v20, v19;
	v20 =	vmul.f32 v21, v21  }
0x15a: {  	v21 =	vld.idx.msk [tilespmem:v14+s11+$0x0], $0xffff  }
0x15b: {  	v14 =	vld.idx.msk [tilespmem:v14+s12+$0x0], $0xffff;
	v11 =	vmul.f32 v11, v11;
	v12 =	vsub.f32 v12, v17;
	v19 =	vadd.f32 v20, v19  }
0x15c: {  	v17 =	vor.u32 $0x2, v10;
	v20 =	vld.idx.msk [tilespmem:v10+s11+$0x0], $0xffff  }
0x15d: {  	v12 =	vmul.f32 v12, v12;
	v13 =	vsub.f32 v13, v18;
	v11 =	vadd.f32 v11, v19;
	v19 =	vld.idx.msk [tilespmem:v10+s12+$0x0], $0xffff  }
0x15e: {  	v18 =	vor.u32 $0x3, v10;
	v22 =	vld.idx.msk [tilespmem:v15+s11+$0x0], $0xffff  }
0x15f: {  	v9 =	vsub.f32 v9, v16;
	v15 =	vld.idx.msk [tilespmem:v15+s12+$0x0], $0xffff;
	v11 =	vadd.f32 v12, v11;
	v12 =	vmul.f32 v13, v13  }
0x160: {  	v13 =	vor.u32 $0x4, v10  }
0x161: {  	v14 =	vsub.f32 v21, v14;
	v16 =	vld.idx.msk [tilespmem:v17+s11+$0x0], $0xffff;
	v11 =	vadd.f32 v12, v11;
	v12 =	vmul.f32 v9, v9  }
0x162: {  	v21 =	vor.u32 $0x5, v10;
	v17 =	vld.idx.msk [tilespmem:v17+s12+$0x0], $0xffff;
	v9 =	vor.u32 $0x207F, v0  }
0x163: {  	v23 =	vld.idx.msk [tilespmem:v18+s11+$0x0], $0xffff;
	v19 =	vsub.f32 v20, v19;
	v11 =	vadd.f32 v12, v11;
	v12 =	vmul.f32 v14, v14  }
0x164: {  	v18 =	vld.idx.msk [tilespmem:v18+s12+$0x0], $0xffff;
	v15 =	vsub.f32 v22, v15  }
0x165: {  	v14 =	vor.u32 $0x6, v10;
	v20 =	vld.idx.msk [tilespmem:v13+s11+$0x0], $0xffff;
	v19 =	vmul.f32 v19, v19;
	v11 =	vadd.f32 v12, v11  }
0x166: {  	v10 =	vor.u32 $0x7, v10;
	v12 =	vld.idx.msk [tilespmem:v13+s12+$0x0], $0xffff  }
0x167: {  	v13 =	vmul.f32 v15, v15;
	v15 =	vsub.f32 v16, v17;
	v17 =	vld.idx.msk [tilespmem:v21+s11+$0x0], $0xffff;
	v11 =	vadd.f32 v19, v11  }
0x168: {  	v16 =	vld.idx.msk [tilespmem:v9+s12+$0x0], $0xffff  }
0x169: {  	v19 =	vld.idx.msk [tilespmem:v21+s12+$0x0], $0xffff;
	v11 =	vadd.f32 v13, v11;
	v13 =	vmul.f32 v15, v15;
	v15 =	vsub.f32 v23, v18  }
0x16a: {  	v18 =	vld.idx.msk [tilespmem:v14+s11+$0x0], $0xffff  }
0x16b: {  	v14 =	vld.idx.msk [tilespmem:v14+s12+$0x0], $0xffff;
	v12 =	vsub.f32 v20, v12;
	v11 =	vadd.f32 v13, v11;
	v13 =	vmul.f32 v15, v15  }
0x16c: {  	v15 =	vld.idx.msk [tilespmem:v10+s11+$0x0], $0xffff  }
0x16d: {  	v20 =	vsub.f32 $0.0e+00, v16;
	v10 =	vld.idx.msk [tilespmem:v10+s12+$0x0], $0xffff;
	v12 =	vmul.f32 v12, v12;
	v11 =	vadd.f32 v13, v11  }
0x16e: {  	v13 =	vsub.f32 v17, v19  }
0x16f: {  	v17 =	vmul.f32 $1.442695020e+00, v20;
	v11 =	vadd.f32 v12, v11;
	v12 =	vld.idx.msk [tilespmem:v9+s11+$0x0], $0xffff  }
0x170: {  	v14 =	vsub.f32 v18, v14;
	v13 =	vmul.f32 v13, v13  }
0x171: {  	(erf) = vpow2.f32 v17  }
0x172: {  	v10 =	vsub.f32 v15, v10;
	v11 =	vadd.f32 v13, v11;
	v13 =	vmul.f32 v14, v14;
	_ =	sdelay $0x1  }
0x173: {  	v10 =	vmul.f32 v10, v10;
	v11 =	vadd.f32 v13, v11;
	v12 =	vsub.f32 v12, v16;
	_ =	sdelay $0x1  }
0x174: {  	v10 =	vadd.f32 v10, v11;
	v11 =	vmul.f32 v12, v12;
	_ =	sdelay $0x2  }
0x175: {  	v10 =	vsub.f32 v10, v11  }
0x176: {  	v11 =	vpop (erf)  }
0x177: {  	v10 =	vmul.f32 v11, v10;
	_ =	sdelay $0x1  }
0x178: {  	v10 =	vadd.f32 $1.000000000e+00, v10;
	_ =	sdelay $0x1  }
0x179: {  	(erf) = vrcp.f32 v10;
	_ =	sdelay $0x8  }
0x17a: {  	v10 =	vpop (erf)  }
0x17b: {  	s24 =	sadd.s32 $0x100, s22;
	[tilespmem:s22+$0x12040] =	vst v10  }
0x17c: {  	[tilespmem:s11], [sflag:$0x1] =	stream.indirect.gather [hbm4b:s2+s10], $0x80, s24, s10, $0xb8;
	[tilespmem:$0x16000] =	vst v63  }
0x17d: {  	s31 =	sadd.s32 $0x4100, s22  }
0x17e: {  	v10 =	vimm.s32 $0x0;
	[tilespmem:s12], [sflag:$0x2] =	stream.indirect.gather [hbm4b:s2+s10], $0x80, s31, s10, $0xb8;
	[tilespmem:$0x16000] =	vst v63  }
0x17f: {  	v11 =	vand.u32 $0xFFFFFFF8, v10;
	_ =	swait.ge [sflag:s17], $0x2800  }
0x180: {  	v14 =	vadd.s32 v0, v11;
	[sflag:s17] =	ssyncset.done $0x0  }
0x181: {  	[sflag:s17] =	ssyncadd.s32 $0xFFFFD800  }
0x182: {  	v11 =	vor.u32 $0x1, v14;
	_ =	swait.ge [sflag:s18], $0x2800  }
0x183: {  	[sflag:s18] =	ssyncset.done $0x0  }
0x184: {  	[sflag:s18] =	ssyncadd.s32 $0xFFFFD800  }
0x185: {  	v12 =	vor.u32 $0x2, v14;
	v13 =	vld.idx.msk [tilespmem:v14+s13+$0x0], $0xffff  }
0x186: {  	v16 =	vld.idx.msk [tilespmem:v14+s14+$0x0], $0xffff  }
0x187: {  	v15 =	vor.u32 $0x3, v14;
	v17 =	vld.idx.msk [tilespmem:v11+s13+$0x0], $0xffff  }
0x188: {  	v19 =	vld.idx.msk [tilespmem:v11+s14+$0x0], $0xffff  }
0x189: {  	v18 =	vor.u32 $0x4, v14  }
0x18a: {  	v22 =	vld.idx.msk [tilespmem:v12+s13+$0x0], $0xffff  }
0x18b: {  	v23 =	vor.u32 $0x5, v14;
	v24 =	vld.idx.msk [tilespmem:v12+s14+$0x0], $0xffff  }
0x18c: {  	v12 =	vld.idx.msk [tilespmem:v15+s13+$0x0], $0xffff  }
0x18d: {  	v20 =	vsub.f32 v13, v16;
	v16 =	vld.idx.msk [tilespmem:v15+s14+$0x0], $0xffff;
	v19 =	vsub.f32 v17, v19;
	v17 =	vor.u32 $0x6, v14  }
0x18e: {  	v11 =	vadd.s32 $0x8, v10;
	v13 =	vld.idx.msk [tilespmem:v18+s13+$0x0], $0xffff  }
0x18f: {  	v10 =	vand.u32 $0xFFFFFFF8, v11;
	v18 =	vld.idx.msk [tilespmem:v18+s14+$0x0], $0xffff;
	v15 =	vor.u32 $0x7, v14;
	v20 =	vmul.f32 v20, v20  }
0x190: {  	v21 =	vimm.f32 $0.0e+00;
	v10 =	vadd.s32 v0, v10;
	v14 =	vld.idx.msk [tilespmem:v23+s13+$0x0], $0xffff  }
0x191: {  	s24 =	simm.s32 $0xE;
	v22 =	vsub.f32 v22, v24;
	v20 =	vadd.f32 v20, v21;
	v21 =	vmul.f32 v19, v19;
	v19 =	vld.idx.msk [tilespmem:v23+s14+$0x0], $0xffff  }
.LBB2_13:
0x192: {  	p0 =	sne.s32 s24, $0x1;
	v23 =	vor.u32 $0x1, v10;
	v24 =	vld.idx.msk [tilespmem:v17+s13+$0x0], $0xffff  }
0x193: {  	v12 =	vsub.f32 v12, v16;
	v20 =	vadd.f32 v21, v20;
	v21 =	vmul.f32 v22, v22;
	v16 =	vld.idx.msk [tilespmem:v17+s14+$0x0], $0xffff  }
0x194: {  	v17 =	vor.u32 $0x2, v10;
	v22 =	vld.idx.msk [tilespmem:v15+s13+$0x0], $0xffff  }
0x195: {  	v12 =	vmul.f32 v12, v12;
	v13 =	vsub.f32 v13, v18;
	v20 =	vadd.f32 v21, v20;
	v15 =	vld.idx.msk [tilespmem:v15+s14+$0x0], $0xffff  }
0x196: {  	v21 =	vor.u32 $0x3, v10;
	v18 =	vld.idx.msk [tilespmem:v10+s13+$0x0], $0xffff  }
0x197: {  	v13 =	vmul.f32 v13, v13;
	v14 =	vsub.f32 v14, v19;
	v25 =	vld.idx.msk [tilespmem:v10+s14+$0x0], $0xffff;
	v12 =	vadd.f32 v12, v20  }
0x198: {  	v20 =	vor.u32 $0x4, v10;
	v19 =	vld.idx.msk [tilespmem:v23+s13+$0x0], $0xffff  }
0x199: {  	v23 =	vld.idx.msk [tilespmem:v23+s14+$0x0], $0xffff;
	v12 =	vadd.f32 v13, v12;
	v13 =	vmul.f32 v14, v14;
	v14 =	vsub.f32 v24, v16  }
0x19a: {  	v26 =	vor.u32 $0x5, v10;
	v24 =	vld.idx.msk [tilespmem:v17+s13+$0x0], $0xffff  }
0x19b: {  	v15 =	vsub.f32 v22, v15;
	v27 =	vld.idx.msk [tilespmem:v17+s14+$0x0], $0xffff;
	v13 =	vadd.f32 v13, v12;
	v14 =	vmul.f32 v14, v14  }
0x19c: {  	v11 =	vadd.s32 $0x8, v11;
	v17 =	vor.u32 $0x6, v10;
	v12 =	vld.idx.msk [tilespmem:v21+s13+$0x0], $0xffff  }
.Ltmp5:
0x19d: {  	v18 =	vsub.f32 v18, v25;
	v16 =	vld.idx.msk [tilespmem:v21+s14+$0x0], $0xffff;
	v14 =	vadd.f32 v14, v13;
	v21 =	vmul.f32 v15, v15;
	(pc) =	sbr.rel @p0 .LBB2_13-.Ltmp5, $4  }
0x19e: {  	v22 =	vand.u32 $0xFFFFFFF8, v11;
	v15 =	vor.u32 $0x7, v10;
	v13 =	vld.idx.msk [tilespmem:v20+s13+$0x0], $0xffff  }
0x19f: {  	v25 =	vmul.f32 v18, v18;
	v19 =	vsub.f32 v19, v23;
	v18 =	vld.idx.msk [tilespmem:v20+s14+$0x0], $0xffff;
	v20 =	vadd.f32 v21, v14  }
0x1a0: {  	v10 =	vadd.s32 v0, v22;
	v14 =	vld.idx.msk [tilespmem:v26+s13+$0x0], $0xffff  }
0x1a1: {  	s24 =	sadd.s32 $0xFFFFFFFF, s24;
	v21 =	vmul.f32 v19, v19;
	v22 =	vsub.f32 v24, v27;
	v20 =	vadd.f32 v25, v20;
	v19 =	vld.idx.msk [tilespmem:v26+s14+$0x0], $0xffff  }
0x1a2: {  	_ =	sdelay $0x3  }
0x1a3: {  	v11 =	vld.idx.msk [tilespmem:v17+s13+$0x0], $0xffff;
	v12 =	vsub.f32 v12, v16  }
0x1a4: {  	v16 =	vor.u32 $0x1, v10;
	v17 =	vld.idx.msk [tilespmem:v17+s14+$0x0], $0xffff;
	v20 =	vadd.f32 v21, v20;
	v21 =	vmul.f32 v22, v22  }
0x1a5: {  	v22 =	vld.idx.msk [tilespmem:v15+s13+$0x0], $0xffff  }
0x1a6: {  	v15 =	vld.idx.msk [tilespmem:v15+s14+$0x0], $0xffff;
	v12 =	vmul.f32 v12, v12;
	v13 =	vsub.f32 v13, v18;
	v20 =	vadd.f32 v21, v20  }
0x1a7: {  	v18 =	vor.u32 $0x2, v10;
	v21 =	vld.idx.msk [tilespmem:v10+s13+$0x0], $0xffff  }
0x1a8: {  	v13 =	vmul.f32 v13, v13;
	v14 =	vsub.f32 v14, v19;
	v12 =	vadd.f32 v12, v20;
	v20 =	vld.idx.msk [tilespmem:v10+s14+$0x0], $0xffff  }
0x1a9: {  	v19 =	vor.u32 $0x3, v10;
	v23 =	vld.idx.msk [tilespmem:v16+s13+$0x0], $0xffff  }
0x1aa: {  	v11 =	vsub.f32 v11, v17;
	v16 =	vld.idx.msk [tilespmem:v16+s14+$0x0], $0xffff;
	v12 =	vadd.f32 v13, v12;
	v13 =	vmul.f32 v14, v14  }
0x1ab: {  	v14 =	vor.u32 $0x4, v10  }
0x1ac: {  	v17 =	vld.idx.msk [tilespmem:v18+s13+$0x0], $0xffff;
	v11 =	vmul.f32 v11, v11;
	v12 =	vadd.f32 v13, v12;
	v13 =	vsub.f32 v22, v15  }
0x1ad: {  	v18 =	vld.idx.msk [tilespmem:v18+s14+$0x0], $0xffff;
	v15 =	vor.u32 $0x5, v10  }
0x1ae: {  	v22 =	vld.idx.msk [tilespmem:v19+s13+$0x0], $0xffff;
	v20 =	vsub.f32 v21, v20;
	v11 =	vadd.f32 v11, v12;
	v12 =	vmul.f32 v13, v13  }
0x1af: {  	v19 =	vld.idx.msk [tilespmem:v19+s14+$0x0], $0xffff;
	v16 =	vsub.f32 v23, v16  }
0x1b0: {  	v13 =	vor.u32 $0x6, v10;
	v21 =	vld.idx.msk [tilespmem:v14+s13+$0x0], $0xffff;
	v20 =	vmul.f32 v20, v20;
	v11 =	vadd.f32 v12, v11  }
0x1b1: {  	v10 =	vor.u32 $0x7, v10;
	v12 =	vld.idx.msk [tilespmem:v14+s14+$0x0], $0xffff  }
0x1b2: {  	v14 =	vmul.f32 v16, v16;
	v16 =	vsub.f32 v17, v18;
	v17 =	vld.idx.msk [tilespmem:v1+s14+$0x0], $0xffff;
	v11 =	vadd.f32 v20, v11  }
0x1b3: {  	v18 =	vld.idx.msk [tilespmem:v15+s13+$0x0], $0xffff  }
0x1b4: {  	v15 =	vld.idx.msk [tilespmem:v15+s14+$0x0], $0xffff;
	v11 =	vadd.f32 v14, v11;
	v14 =	vmul.f32 v16, v16;
	v16 =	vsub.f32 v22, v19  }
0x1b5: {  	v19 =	vld.idx.msk [tilespmem:v13+s13+$0x0], $0xffff  }
0x1b6: {  	v13 =	vld.idx.msk [tilespmem:v13+s14+$0x0], $0xffff;
	v12 =	vsub.f32 v21, v12;
	v11 =	vadd.f32 v14, v11;
	v14 =	vmul.f32 v16, v16  }
0x1b7: {  	v16 =	vld.idx.msk [tilespmem:v10+s13+$0x0], $0xffff  }
0x1b8: {  	v20 =	vsub.f32 $0.0e+00, v17;
	v10 =	vld.idx.msk [tilespmem:v10+s14+$0x0], $0xffff;
	v12 =	vmul.f32 v12, v12;
	v11 =	vadd.f32 v14, v11  }
0x1b9: {  	v14 =	vsub.f32 v18, v15  }
0x1ba: {  	v15 =	vmul.f32 $1.442695020e+00, v20;
	v11 =	vadd.f32 v12, v11;
	v12 =	vld.idx.msk [tilespmem:v1+s13+$0x0], $0xffff  }
0x1bb: {  	v13 =	vsub.f32 v19, v13;
	v14 =	vmul.f32 v14, v14  }
0x1bc: {  	(erf) = vpow2.f32 v15  }
0x1bd: {  	v13 =	vmul.f32 v13, v13;
	v10 =	vsub.f32 v16, v10;
	v11 =	vadd.f32 v14, v11;
	_ =	sdelay $0x1  }
0x1be: {  	v10 =	vmul.f32 v10, v10;
	v11 =	vadd.f32 v13, v11;
	v12 =	vsub.f32 v12, v17;
	_ =	sdelay $0x1  }
0x1bf: {  	v10 =	vadd.f32 v10, v11;
	v11 =	vmul.f32 v12, v12;
	_ =	sdelay $0x2  }
0x1c0: {  	v10 =	vsub.f32 v10, v11  }
0x1c1: {  	v11 =	vpop (erf)  }
0x1c2: {  	v10 =	vmul.f32 v11, v10;
	_ =	sdelay $0x1  }
0x1c3: {  	v10 =	vadd.f32 $1.000000000e+00, v10;
	_ =	sdelay $0x1  }
0x1c4: {  	(erf) = vrcp.f32 v10;
	_ =	sdelay $0x3  }
0x1c5: {  	v10 =	vimm.s32 $0x0  }
0x1c6: {  	v11 =	vand.u32 $0xFFFFFFF8, v10  }
0x1c7: {  	v14 =	vadd.s32 v2, v11;
	_ =	sdelay $0x1  }
0x1c8: {  	v11 =	vor.u32 $0x1, v14  }
0x1c9: {  	v12 =	vpop (erf)  }
0x1ca: {  	[tilespmem:s23+$0x12000] =	vst v12  }
0x1cb: {  	v12 =	vor.u32 $0x2, v14;
	v13 =	vld.idx.msk [tilespmem:v14+s13+$0x0], $0xffff  }
0x1cc: {  	v16 =	vld.idx.msk [tilespmem:v14+s14+$0x0], $0xffff  }
0x1cd: {  	v15 =	vor.u32 $0x3, v14;
	v17 =	vld.idx.msk [tilespmem:v11+s13+$0x0], $0xffff  }
0x1ce: {  	v19 =	vld.idx.msk [tilespmem:v11+s14+$0x0], $0xffff  }
0x1cf: {  	v18 =	vor.u32 $0x4, v14  }
0x1d0: {  	v22 =	vld.idx.msk [tilespmem:v12+s13+$0x0], $0xffff  }
0x1d1: {  	v23 =	vor.u32 $0x5, v14;
	v24 =	vld.idx.msk [tilespmem:v12+s14+$0x0], $0xffff  }
0x1d2: {  	v12 =	vld.idx.msk [tilespmem:v15+s13+$0x0], $0xffff  }
0x1d3: {  	v20 =	vsub.f32 v13, v16;
	v16 =	vld.idx.msk [tilespmem:v15+s14+$0x0], $0xffff;
	v19 =	vsub.f32 v17, v19;
	v17 =	vor.u32 $0x6, v14  }
0x1d4: {  	v11 =	vadd.s32 $0x8, v10;
	v13 =	vld.idx.msk [tilespmem:v18+s13+$0x0], $0xffff  }
0x1d5: {  	v10 =	vand.u32 $0xFFFFFFF8, v11;
	v18 =	vld.idx.msk [tilespmem:v18+s14+$0x0], $0xffff;
	v15 =	vor.u32 $0x7, v14;
	v20 =	vmul.f32 v20, v20  }
0x1d6: {  	v21 =	vimm.f32 $0.0e+00;
	v10 =	vadd.s32 v2, v10;
	v14 =	vld.idx.msk [tilespmem:v23+s13+$0x0], $0xffff  }
0x1d7: {  	s23 =	simm.s32 $0xE;
	v20 =	vadd.f32 v20, v21;
	v21 =	vmul.f32 v19, v19;
	v22 =	vsub.f32 v22, v24;
	v19 =	vld.idx.msk [tilespmem:v23+s14+$0x0], $0xffff  }
.LBB2_15:
0x1d8: {  	p0 =	sne.s32 s23, $0x1;
	v23 =	vor.u32 $0x1, v10;
	v24 =	vld.idx.msk [tilespmem:v17+s13+$0x0], $0xffff  }
0x1d9: {  	v12 =	vsub.f32 v12, v16;
	v20 =	vadd.f32 v21, v20;
	v21 =	vmul.f32 v22, v22;
	v16 =	vld.idx.msk [tilespmem:v17+s14+$0x0], $0xffff  }
0x1da: {  	v17 =	vor.u32 $0x2, v10;
	v22 =	vld.idx.msk [tilespmem:v15+s13+$0x0], $0xffff  }
0x1db: {  	v12 =	vmul.f32 v12, v12;
	v13 =	vsub.f32 v13, v18;
	v20 =	vadd.f32 v21, v20;
	v15 =	vld.idx.msk [tilespmem:v15+s14+$0x0], $0xffff  }
0x1dc: {  	v21 =	vor.u32 $0x3, v10;
	v18 =	vld.idx.msk [tilespmem:v10+s13+$0x0], $0xffff  }
0x1dd: {  	v13 =	vmul.f32 v13, v13;
	v14 =	vsub.f32 v14, v19;
	v25 =	vld.idx.msk [tilespmem:v10+s14+$0x0], $0xffff;
	v12 =	vadd.f32 v12, v20  }
0x1de: {  	v20 =	vor.u32 $0x4, v10;
	v19 =	vld.idx.msk [tilespmem:v23+s13+$0x0], $0xffff  }
0x1df: {  	v23 =	vld.idx.msk [tilespmem:v23+s14+$0x0], $0xffff;
	v12 =	vadd.f32 v13, v12;
	v13 =	vmul.f32 v14, v14;
	v14 =	vsub.f32 v24, v16  }
0x1e0: {  	v26 =	vor.u32 $0x5, v10;
	v24 =	vld.idx.msk [tilespmem:v17+s13+$0x0], $0xffff  }
0x1e1: {  	v15 =	vsub.f32 v22, v15;
	v27 =	vld.idx.msk [tilespmem:v17+s14+$0x0], $0xffff;
	v13 =	vadd.f32 v13, v12;
	v14 =	vmul.f32 v14, v14  }
0x1e2: {  	v11 =	vadd.s32 $0x8, v11;
	v17 =	vor.u32 $0x6, v10;
	v12 =	vld.idx.msk [tilespmem:v21+s13+$0x0], $0xffff  }
.Ltmp6:
0x1e3: {  	v18 =	vsub.f32 v18, v25;
	v16 =	vld.idx.msk [tilespmem:v21+s14+$0x0], $0xffff;
	v14 =	vadd.f32 v14, v13;
	v21 =	vmul.f32 v15, v15;
	(pc) =	sbr.rel @p0 .LBB2_15-.Ltmp6, $4  }
0x1e4: {  	v22 =	vand.u32 $0xFFFFFFF8, v11;
	v15 =	vor.u32 $0x7, v10;
	v13 =	vld.idx.msk [tilespmem:v20+s13+$0x0], $0xffff  }
0x1e5: {  	v25 =	vmul.f32 v18, v18;
	v19 =	vsub.f32 v19, v23;
	v18 =	vld.idx.msk [tilespmem:v20+s14+$0x0], $0xffff;
	v20 =	vadd.f32 v21, v14  }
0x1e6: {  	v10 =	vadd.s32 v2, v22;
	v14 =	vld.idx.msk [tilespmem:v26+s13+$0x0], $0xffff  }
0x1e7: {  	s23 =	sadd.s32 $0xFFFFFFFF, s23;
	v21 =	vmul.f32 v19, v19;
	v22 =	vsub.f32 v24, v27;
	v20 =	vadd.f32 v25, v20;
	v19 =	vld.idx.msk [tilespmem:v26+s14+$0x0], $0xffff  }
0x1e8: {  	_ =	sdelay $0x3  }
0x1e9: {  	v11 =	vld.idx.msk [tilespmem:v17+s13+$0x0], $0xffff;
	v12 =	vsub.f32 v12, v16  }
0x1ea: {  	v16 =	vor.u32 $0x1, v10;
	v17 =	vld.idx.msk [tilespmem:v17+s14+$0x0], $0xffff;
	v20 =	vadd.f32 v21, v20;
	v21 =	vmul.f32 v22, v22  }
0x1eb: {  	v22 =	vld.idx.msk [tilespmem:v15+s13+$0x0], $0xffff  }
0x1ec: {  	v15 =	vld.idx.msk [tilespmem:v15+s14+$0x0], $0xffff;
	v12 =	vmul.f32 v12, v12;
	v13 =	vsub.f32 v13, v18;
	v20 =	vadd.f32 v21, v20  }
0x1ed: {  	v18 =	vor.u32 $0x2, v10;
	v21 =	vld.idx.msk [tilespmem:v10+s13+$0x0], $0xffff  }
0x1ee: {  	v13 =	vmul.f32 v13, v13;
	v14 =	vsub.f32 v14, v19;
	v12 =	vadd.f32 v12, v20;
	v20 =	vld.idx.msk [tilespmem:v10+s14+$0x0], $0xffff  }
0x1ef: {  	v19 =	vor.u32 $0x3, v10;
	v23 =	vld.idx.msk [tilespmem:v16+s13+$0x0], $0xffff  }
0x1f0: {  	v11 =	vsub.f32 v11, v17;
	v16 =	vld.idx.msk [tilespmem:v16+s14+$0x0], $0xffff;
	v12 =	vadd.f32 v13, v12;
	v13 =	vmul.f32 v14, v14  }
0x1f1: {  	v14 =	vor.u32 $0x4, v10  }
0x1f2: {  	v17 =	vld.idx.msk [tilespmem:v18+s13+$0x0], $0xffff;
	v11 =	vmul.f32 v11, v11;
	v12 =	vadd.f32 v13, v12;
	v13 =	vsub.f32 v22, v15  }
0x1f3: {  	v18 =	vld.idx.msk [tilespmem:v18+s14+$0x0], $0xffff;
	v15 =	vor.u32 $0x5, v10  }
0x1f4: {  	v22 =	vld.idx.msk [tilespmem:v19+s13+$0x0], $0xffff;
	v20 =	vsub.f32 v21, v20;
	v11 =	vadd.f32 v11, v12;
	v12 =	vmul.f32 v13, v13  }
0x1f5: {  	v19 =	vld.idx.msk [tilespmem:v19+s14+$0x0], $0xffff;
	v16 =	vsub.f32 v23, v16  }
0x1f6: {  	v13 =	vor.u32 $0x6, v10;
	v21 =	vld.idx.msk [tilespmem:v14+s13+$0x0], $0xffff;
	v20 =	vmul.f32 v20, v20;
	v11 =	vadd.f32 v12, v11  }
0x1f7: {  	v10 =	vor.u32 $0x7, v10;
	v12 =	vld.idx.msk [tilespmem:v14+s14+$0x0], $0xffff  }
0x1f8: {  	v14 =	vmul.f32 v16, v16;
	v16 =	vsub.f32 v17, v18;
	v17 =	vld.idx.msk [tilespmem:v3+s14+$0x0], $0xffff;
	v11 =	vadd.f32 v20, v11  }
0x1f9: {  	v18 =	vld.idx.msk [tilespmem:v15+s13+$0x0], $0xffff  }
0x1fa: {  	v15 =	vld.idx.msk [tilespmem:v15+s14+$0x0], $0xffff;
	v11 =	vadd.f32 v14, v11;
	v14 =	vmul.f32 v16, v16;
	v16 =	vsub.f32 v22, v19  }
0x1fb: {  	v19 =	vld.idx.msk [tilespmem:v13+s13+$0x0], $0xffff  }
0x1fc: {  	v13 =	vld.idx.msk [tilespmem:v13+s14+$0x0], $0xffff;
	v12 =	vsub.f32 v21, v12;
	v11 =	vadd.f32 v14, v11;
	v14 =	vmul.f32 v16, v16  }
0x1fd: {  	v16 =	vld.idx.msk [tilespmem:v10+s13+$0x0], $0xffff  }
0x1fe: {  	v20 =	vsub.f32 $0.0e+00, v17;
	v10 =	vld.idx.msk [tilespmem:v10+s14+$0x0], $0xffff;
	v12 =	vmul.f32 v12, v12;
	v11 =	vadd.f32 v14, v11  }
0x1ff: {  	v14 =	vsub.f32 v18, v15  }
0x200: {  	v15 =	vmul.f32 $1.442695020e+00, v20;
	v11 =	vadd.f32 v12, v11;
	v12 =	vld.idx.msk [tilespmem:v3+s13+$0x0], $0xffff  }
0x201: {  	v13 =	vsub.f32 v19, v13;
	v14 =	vmul.f32 v14, v14  }
0x202: {  	(erf) = vpow2.f32 v15  }
0x203: {  	v13 =	vmul.f32 v13, v13;
	v10 =	vsub.f32 v16, v10;
	v11 =	vadd.f32 v14, v11;
	_ =	sdelay $0x1  }
0x204: {  	v10 =	vmul.f32 v10, v10;
	v11 =	vadd.f32 v13, v11;
	v12 =	vsub.f32 v12, v17;
	_ =	sdelay $0x1  }
0x205: {  	v10 =	vadd.f32 v10, v11;
	v11 =	vmul.f32 v12, v12;
	_ =	sdelay $0x2  }
0x206: {  	v10 =	vsub.f32 v10, v11  }
0x207: {  	v11 =	vpop (erf)  }
0x208: {  	v10 =	vmul.f32 v11, v10;
	_ =	sdelay $0x1  }
0x209: {  	v10 =	vadd.f32 $1.000000000e+00, v10;
	_ =	sdelay $0x1  }
0x20a: {  	(erf) = vrcp.f32 v10;
	_ =	sdelay $0x3  }
0x20b: {  	v10 =	vimm.s32 $0x0  }
0x20c: {  	v11 =	vand.u32 $0xFFFFFFF8, v10  }
0x20d: {  	v14 =	vadd.s32 v4, v11;
	_ =	sdelay $0x1  }
0x20e: {  	v11 =	vor.u32 $0x1, v14  }
0x20f: {  	v12 =	vpop (erf)  }
0x210: {  	[tilespmem:s22+$0x12090] =	vst v12  }
0x211: {  	v12 =	vor.u32 $0x2, v14;
	v13 =	vld.idx.msk [tilespmem:v14+s13+$0x0], $0xffff  }
0x212: {  	v16 =	vld.idx.msk [tilespmem:v14+s14+$0x0], $0xffff  }
0x213: {  	v15 =	vor.u32 $0x3, v14;
	v17 =	vld.idx.msk [tilespmem:v11+s13+$0x0], $0xffff  }
0x214: {  	v19 =	vld.idx.msk [tilespmem:v11+s14+$0x0], $0xffff  }
0x215: {  	v18 =	vor.u32 $0x4, v14  }
0x216: {  	v22 =	vld.idx.msk [tilespmem:v12+s13+$0x0], $0xffff  }
0x217: {  	v23 =	vor.u32 $0x5, v14;
	v24 =	vld.idx.msk [tilespmem:v12+s14+$0x0], $0xffff  }
0x218: {  	v12 =	vld.idx.msk [tilespmem:v15+s13+$0x0], $0xffff  }
0x219: {  	v20 =	vsub.f32 v13, v16;
	v16 =	vld.idx.msk [tilespmem:v15+s14+$0x0], $0xffff;
	v19 =	vsub.f32 v17, v19;
	v17 =	vor.u32 $0x6, v14  }
0x21a: {  	v11 =	vadd.s32 $0x8, v10;
	v13 =	vld.idx.msk [tilespmem:v18+s13+$0x0], $0xffff  }
0x21b: {  	v10 =	vand.u32 $0xFFFFFFF8, v11;
	v18 =	vld.idx.msk [tilespmem:v18+s14+$0x0], $0xffff;
	v15 =	vor.u32 $0x7, v14;
	v20 =	vmul.f32 v20, v20  }
0x21c: {  	v21 =	vimm.f32 $0.0e+00;
	v10 =	vadd.s32 v4, v10;
	v14 =	vld.idx.msk [tilespmem:v23+s13+$0x0], $0xffff  }
0x21d: {  	s23 =	simm.s32 $0xE;
	v20 =	vadd.f32 v20, v21;
	v21 =	vmul.f32 v19, v19;
	v22 =	vsub.f32 v22, v24;
	v19 =	vld.idx.msk [tilespmem:v23+s14+$0x0], $0xffff  }
.LBB2_17:
0x21e: {  	p0 =	sne.s32 s23, $0x1;
	v23 =	vor.u32 $0x1, v10;
	v24 =	vld.idx.msk [tilespmem:v17+s13+$0x0], $0xffff  }
0x21f: {  	v12 =	vsub.f32 v12, v16;
	v20 =	vadd.f32 v21, v20;
	v21 =	vmul.f32 v22, v22;
	v16 =	vld.idx.msk [tilespmem:v17+s14+$0x0], $0xffff  }
0x220: {  	v17 =	vor.u32 $0x2, v10;
	v22 =	vld.idx.msk [tilespmem:v15+s13+$0x0], $0xffff  }
0x221: {  	v12 =	vmul.f32 v12, v12;
	v13 =	vsub.f32 v13, v18;
	v20 =	vadd.f32 v21, v20;
	v15 =	vld.idx.msk [tilespmem:v15+s14+$0x0], $0xffff  }
0x222: {  	v21 =	vor.u32 $0x3, v10;
	v18 =	vld.idx.msk [tilespmem:v10+s13+$0x0], $0xffff  }
0x223: {  	v13 =	vmul.f32 v13, v13;
	v14 =	vsub.f32 v14, v19;
	v25 =	vld.idx.msk [tilespmem:v10+s14+$0x0], $0xffff;
	v12 =	vadd.f32 v12, v20  }
0x224: {  	v20 =	vor.u32 $0x4, v10;
	v19 =	vld.idx.msk [tilespmem:v23+s13+$0x0], $0xffff  }
0x225: {  	v23 =	vld.idx.msk [tilespmem:v23+s14+$0x0], $0xffff;
	v12 =	vadd.f32 v13, v12;
	v13 =	vmul.f32 v14, v14;
	v14 =	vsub.f32 v24, v16  }
0x226: {  	v26 =	vor.u32 $0x5, v10;
	v24 =	vld.idx.msk [tilespmem:v17+s13+$0x0], $0xffff  }
0x227: {  	v15 =	vsub.f32 v22, v15;
	v27 =	vld.idx.msk [tilespmem:v17+s14+$0x0], $0xffff;
	v13 =	vadd.f32 v13, v12;
	v14 =	vmul.f32 v14, v14  }
0x228: {  	v11 =	vadd.s32 $0x8, v11;
	v17 =	vor.u32 $0x6, v10;
	v12 =	vld.idx.msk [tilespmem:v21+s13+$0x0], $0xffff  }
.Ltmp7:
0x229: {  	v18 =	vsub.f32 v18, v25;
	v16 =	vld.idx.msk [tilespmem:v21+s14+$0x0], $0xffff;
	v14 =	vadd.f32 v14, v13;
	v21 =	vmul.f32 v15, v15;
	(pc) =	sbr.rel @p0 .LBB2_17-.Ltmp7, $4  }
0x22a: {  	v22 =	vand.u32 $0xFFFFFFF8, v11;
	v15 =	vor.u32 $0x7, v10;
	v13 =	vld.idx.msk [tilespmem:v20+s13+$0x0], $0xffff  }
0x22b: {  	v25 =	vmul.f32 v18, v18;
	v19 =	vsub.f32 v19, v23;
	v18 =	vld.idx.msk [tilespmem:v20+s14+$0x0], $0xffff;
	v20 =	vadd.f32 v21, v14  }
0x22c: {  	v10 =	vadd.s32 v4, v22;
	v14 =	vld.idx.msk [tilespmem:v26+s13+$0x0], $0xffff  }
0x22d: {  	s23 =	sadd.s32 $0xFFFFFFFF, s23;
	v21 =	vmul.f32 v19, v19;
	v22 =	vsub.f32 v24, v27;
	v20 =	vadd.f32 v25, v20;
	v19 =	vld.idx.msk [tilespmem:v26+s14+$0x0], $0xffff  }
0x22e: {  	_ =	sdelay $0x3  }
0x22f: {  	v11 =	vld.idx.msk [tilespmem:v17+s13+$0x0], $0xffff;
	v12 =	vsub.f32 v12, v16  }
0x230: {  	v16 =	vor.u32 $0x1, v10;
	v17 =	vld.idx.msk [tilespmem:v17+s14+$0x0], $0xffff;
	v20 =	vadd.f32 v21, v20;
	v21 =	vmul.f32 v22, v22  }
0x231: {  	v22 =	vld.idx.msk [tilespmem:v15+s13+$0x0], $0xffff  }
0x232: {  	v15 =	vld.idx.msk [tilespmem:v15+s14+$0x0], $0xffff;
	v12 =	vmul.f32 v12, v12;
	v13 =	vsub.f32 v13, v18;
	v20 =	vadd.f32 v21, v20  }
0x233: {  	v18 =	vor.u32 $0x2, v10;
	v21 =	vld.idx.msk [tilespmem:v10+s13+$0x0], $0xffff  }
0x234: {  	v13 =	vmul.f32 v13, v13;
	v14 =	vsub.f32 v14, v19;
	v12 =	vadd.f32 v12, v20;
	v20 =	vld.idx.msk [tilespmem:v10+s14+$0x0], $0xffff  }
0x235: {  	v19 =	vor.u32 $0x3, v10;
	v23 =	vld.idx.msk [tilespmem:v16+s13+$0x0], $0xffff  }
0x236: {  	v11 =	vsub.f32 v11, v17;
	v16 =	vld.idx.msk [tilespmem:v16+s14+$0x0], $0xffff;
	v12 =	vadd.f32 v13, v12;
	v13 =	vmul.f32 v14, v14  }
0x237: {  	v14 =	vor.u32 $0x4, v10  }
0x238: {  	v17 =	vld.idx.msk [tilespmem:v18+s13+$0x0], $0xffff;
	v11 =	vmul.f32 v11, v11;
	v12 =	vadd.f32 v13, v12;
	v13 =	vsub.f32 v22, v15  }
0x239: {  	v18 =	vld.idx.msk [tilespmem:v18+s14+$0x0], $0xffff;
	v15 =	vor.u32 $0x5, v10  }
0x23a: {  	v22 =	vld.idx.msk [tilespmem:v19+s13+$0x0], $0xffff;
	v20 =	vsub.f32 v21, v20;
	v11 =	vadd.f32 v11, v12;
	v12 =	vmul.f32 v13, v13  }
0x23b: {  	v19 =	vld.idx.msk [tilespmem:v19+s14+$0x0], $0xffff;
	v16 =	vsub.f32 v23, v16  }
0x23c: {  	v13 =	vor.u32 $0x6, v10;
	v21 =	vld.idx.msk [tilespmem:v14+s13+$0x0], $0xffff;
	v20 =	vmul.f32 v20, v20;
	v11 =	vadd.f32 v12, v11  }
0x23d: {  	v10 =	vor.u32 $0x7, v10;
	v12 =	vld.idx.msk [tilespmem:v14+s14+$0x0], $0xffff  }
0x23e: {  	v14 =	vmul.f32 v16, v16;
	v16 =	vsub.f32 v17, v18;
	v17 =	vld.idx.msk [tilespmem:v7+s14+$0x0], $0xffff;
	v11 =	vadd.f32 v20, v11  }
0x23f: {  	v18 =	vld.idx.msk [tilespmem:v15+s13+$0x0], $0xffff  }
0x240: {  	v15 =	vld.idx.msk [tilespmem:v15+s14+$0x0], $0xffff;
	v11 =	vadd.f32 v14, v11;
	v14 =	vmul.f32 v16, v16;
	v16 =	vsub.f32 v22, v19  }
0x241: {  	v19 =	vld.idx.msk [tilespmem:v13+s13+$0x0], $0xffff  }
0x242: {  	v13 =	vld.idx.msk [tilespmem:v13+s14+$0x0], $0xffff;
	v12 =	vsub.f32 v21, v12;
	v11 =	vadd.f32 v14, v11;
	v14 =	vmul.f32 v16, v16  }
0x243: {  	v16 =	vld.idx.msk [tilespmem:v10+s13+$0x0], $0xffff  }
0x244: {  	v20 =	vsub.f32 $0.0e+00, v17;
	v10 =	vld.idx.msk [tilespmem:v10+s14+$0x0], $0xffff;
	v12 =	vmul.f32 v12, v12;
	v11 =	vadd.f32 v14, v11  }
0x245: {  	v14 =	vsub.f32 v18, v15  }
0x246: {  	v15 =	vmul.f32 $1.442695020e+00, v20;
	v11 =	vadd.f32 v12, v11;
	v12 =	vld.idx.msk [tilespmem:v7+s13+$0x0], $0xffff  }
0x247: {  	v13 =	vsub.f32 v19, v13;
	v14 =	vmul.f32 v14, v14  }
0x248: {  	(erf) = vpow2.f32 v15  }
0x249: {  	v13 =	vmul.f32 v13, v13;
	v10 =	vsub.f32 v16, v10;
	v11 =	vadd.f32 v14, v11;
	_ =	sdelay $0x1  }
0x24a: {  	v10 =	vmul.f32 v10, v10;
	v11 =	vadd.f32 v13, v11;
	v12 =	vsub.f32 v12, v17;
	_ =	sdelay $0x1  }
0x24b: {  	v10 =	vadd.f32 v10, v11;
	v11 =	vmul.f32 v12, v12;
	_ =	sdelay $0x2  }
0x24c: {  	v10 =	vsub.f32 v10, v11  }
0x24d: {  	v11 =	vpop (erf)  }
0x24e: {  	v10 =	vmul.f32 v11, v10;
	_ =	sdelay $0x1  }
0x24f: {  	v10 =	vadd.f32 $1.000000000e+00, v10;
	_ =	sdelay $0x1  }
0x250: {  	(erf) = vrcp.f32 v10;
	_ =	sdelay $0x3  }
0x251: {  	v10 =	vimm.s32 $0x0  }
0x252: {  	v11 =	vand.u32 $0xFFFFFFF8, v10  }
0x253: {  	v14 =	vadd.s32 v5, v11;
	_ =	sdelay $0x1  }
0x254: {  	v11 =	vor.u32 $0x1, v14  }
0x255: {  	v12 =	vpop (erf)  }
0x256: {  	[tilespmem:s22+$0x120A0] =	vst v12  }
0x257: {  	v12 =	vor.u32 $0x2, v14;
	v13 =	vld.idx.msk [tilespmem:v14+s13+$0x0], $0xffff  }
0x258: {  	v16 =	vld.idx.msk [tilespmem:v14+s14+$0x0], $0xffff  }
0x259: {  	v15 =	vor.u32 $0x3, v14;
	v17 =	vld.idx.msk [tilespmem:v11+s13+$0x0], $0xffff  }
0x25a: {  	v19 =	vld.idx.msk [tilespmem:v11+s14+$0x0], $0xffff  }
0x25b: {  	v18 =	vor.u32 $0x4, v14  }
0x25c: {  	v22 =	vld.idx.msk [tilespmem:v12+s13+$0x0], $0xffff  }
0x25d: {  	v23 =	vor.u32 $0x5, v14;
	v24 =	vld.idx.msk [tilespmem:v12+s14+$0x0], $0xffff  }
0x25e: {  	v12 =	vld.idx.msk [tilespmem:v15+s13+$0x0], $0xffff  }
0x25f: {  	v20 =	vsub.f32 v13, v16;
	v16 =	vld.idx.msk [tilespmem:v15+s14+$0x0], $0xffff;
	v19 =	vsub.f32 v17, v19;
	v17 =	vor.u32 $0x6, v14  }
0x260: {  	v11 =	vadd.s32 $0x8, v10;
	v13 =	vld.idx.msk [tilespmem:v18+s13+$0x0], $0xffff  }
0x261: {  	v10 =	vand.u32 $0xFFFFFFF8, v11;
	v18 =	vld.idx.msk [tilespmem:v18+s14+$0x0], $0xffff;
	v15 =	vor.u32 $0x7, v14;
	v20 =	vmul.f32 v20, v20  }
0x262: {  	v21 =	vimm.f32 $0.0e+00;
	v10 =	vadd.s32 v5, v10;
	v14 =	vld.idx.msk [tilespmem:v23+s13+$0x0], $0xffff  }
0x263: {  	s23 =	simm.s32 $0xE;
	v20 =	vadd.f32 v20, v21;
	v21 =	vmul.f32 v19, v19;
	v22 =	vsub.f32 v22, v24;
	v19 =	vld.idx.msk [tilespmem:v23+s14+$0x0], $0xffff  }
.LBB2_19:
0x264: {  	p0 =	sne.s32 s23, $0x1;
	v23 =	vor.u32 $0x1, v10;
	v24 =	vld.idx.msk [tilespmem:v17+s13+$0x0], $0xffff  }
0x265: {  	v12 =	vsub.f32 v12, v16;
	v20 =	vadd.f32 v21, v20;
	v21 =	vmul.f32 v22, v22;
	v16 =	vld.idx.msk [tilespmem:v17+s14+$0x0], $0xffff  }
0x266: {  	v17 =	vor.u32 $0x2, v10;
	v22 =	vld.idx.msk [tilespmem:v15+s13+$0x0], $0xffff  }
0x267: {  	v12 =	vmul.f32 v12, v12;
	v13 =	vsub.f32 v13, v18;
	v20 =	vadd.f32 v21, v20;
	v15 =	vld.idx.msk [tilespmem:v15+s14+$0x0], $0xffff  }
0x268: {  	v21 =	vor.u32 $0x3, v10;
	v18 =	vld.idx.msk [tilespmem:v10+s13+$0x0], $0xffff  }
0x269: {  	v13 =	vmul.f32 v13, v13;
	v14 =	vsub.f32 v14, v19;
	v25 =	vld.idx.msk [tilespmem:v10+s14+$0x0], $0xffff;
	v12 =	vadd.f32 v12, v20  }
0x26a: {  	v20 =	vor.u32 $0x4, v10;
	v19 =	vld.idx.msk [tilespmem:v23+s13+$0x0], $0xffff  }
0x26b: {  	v23 =	vld.idx.msk [tilespmem:v23+s14+$0x0], $0xffff;
	v12 =	vadd.f32 v13, v12;
	v13 =	vmul.f32 v14, v14;
	v14 =	vsub.f32 v24, v16  }
0x26c: {  	v26 =	vor.u32 $0x5, v10;
	v24 =	vld.idx.msk [tilespmem:v17+s13+$0x0], $0xffff  }
0x26d: {  	v15 =	vsub.f32 v22, v15;
	v27 =	vld.idx.msk [tilespmem:v17+s14+$0x0], $0xffff;
	v13 =	vadd.f32 v13, v12;
	v14 =	vmul.f32 v14, v14  }
0x26e: {  	v11 =	vadd.s32 $0x8, v11;
	v17 =	vor.u32 $0x6, v10;
	v12 =	vld.idx.msk [tilespmem:v21+s13+$0x0], $0xffff  }
.Ltmp8:
0x26f: {  	v18 =	vsub.f32 v18, v25;
	v16 =	vld.idx.msk [tilespmem:v21+s14+$0x0], $0xffff;
	v14 =	vadd.f32 v14, v13;
	v21 =	vmul.f32 v15, v15;
	(pc) =	sbr.rel @p0 .LBB2_19-.Ltmp8, $4  }
0x270: {  	v22 =	vand.u32 $0xFFFFFFF8, v11;
	v15 =	vor.u32 $0x7, v10;
	v13 =	vld.idx.msk [tilespmem:v20+s13+$0x0], $0xffff  }
0x271: {  	v25 =	vmul.f32 v18, v18;
	v19 =	vsub.f32 v19, v23;
	v18 =	vld.idx.msk [tilespmem:v20+s14+$0x0], $0xffff;
	v20 =	vadd.f32 v21, v14  }
0x272: {  	v10 =	vadd.s32 v5, v22;
	v14 =	vld.idx.msk [tilespmem:v26+s13+$0x0], $0xffff  }
0x273: {  	s23 =	sadd.s32 $0xFFFFFFFF, s23;
	v21 =	vmul.f32 v19, v19;
	v22 =	vsub.f32 v24, v27;
	v20 =	vadd.f32 v25, v20;
	v19 =	vld.idx.msk [tilespmem:v26+s14+$0x0], $0xffff  }
0x274: {  	_ =	sdelay $0x3  }
0x275: {  	v11 =	vld.idx.msk [tilespmem:v17+s13+$0x0], $0xffff;
	v12 =	vsub.f32 v12, v16  }
0x276: {  	v16 =	vor.u32 $0x1, v10;
	v17 =	vld.idx.msk [tilespmem:v17+s14+$0x0], $0xffff;
	v20 =	vadd.f32 v21, v20;
	v21 =	vmul.f32 v22, v22  }
0x277: {  	v22 =	vld.idx.msk [tilespmem:v15+s13+$0x0], $0xffff  }
0x278: {  	v15 =	vld.idx.msk [tilespmem:v15+s14+$0x0], $0xffff;
	v12 =	vmul.f32 v12, v12;
	v13 =	vsub.f32 v13, v18;
	v20 =	vadd.f32 v21, v20  }
0x279: {  	v18 =	vor.u32 $0x2, v10;
	v21 =	vld.idx.msk [tilespmem:v10+s13+$0x0], $0xffff  }
0x27a: {  	v13 =	vmul.f32 v13, v13;
	v14 =	vsub.f32 v14, v19;
	v12 =	vadd.f32 v12, v20;
	v20 =	vld.idx.msk [tilespmem:v10+s14+$0x0], $0xffff  }
0x27b: {  	v19 =	vor.u32 $0x3, v10;
	v23 =	vld.idx.msk [tilespmem:v16+s13+$0x0], $0xffff  }
0x27c: {  	v11 =	vsub.f32 v11, v17;
	v16 =	vld.idx.msk [tilespmem:v16+s14+$0x0], $0xffff;
	v12 =	vadd.f32 v13, v12;
	v13 =	vmul.f32 v14, v14  }
0x27d: {  	v14 =	vor.u32 $0x4, v10  }
0x27e: {  	v17 =	vld.idx.msk [tilespmem:v18+s13+$0x0], $0xffff;
	v11 =	vmul.f32 v11, v11;
	v12 =	vadd.f32 v13, v12;
	v13 =	vsub.f32 v22, v15  }
0x27f: {  	v18 =	vld.idx.msk [tilespmem:v18+s14+$0x0], $0xffff;
	v15 =	vor.u32 $0x5, v10  }
0x280: {  	v22 =	vld.idx.msk [tilespmem:v19+s13+$0x0], $0xffff;
	v20 =	vsub.f32 v21, v20;
	v11 =	vadd.f32 v11, v12;
	v12 =	vmul.f32 v13, v13  }
0x281: {  	v19 =	vld.idx.msk [tilespmem:v19+s14+$0x0], $0xffff;
	v16 =	vsub.f32 v23, v16  }
0x282: {  	v13 =	vor.u32 $0x6, v10;
	v21 =	vld.idx.msk [tilespmem:v14+s13+$0x0], $0xffff;
	v20 =	vmul.f32 v20, v20;
	v11 =	vadd.f32 v12, v11  }
0x283: {  	v10 =	vor.u32 $0x7, v10;
	v12 =	vld.idx.msk [tilespmem:v14+s14+$0x0], $0xffff  }
0x284: {  	v14 =	vmul.f32 v16, v16;
	v16 =	vsub.f32 v17, v18;
	v17 =	vld.idx.msk [tilespmem:v8+s14+$0x0], $0xffff;
	v11 =	vadd.f32 v20, v11  }
0x285: {  	v18 =	vld.idx.msk [tilespmem:v15+s13+$0x0], $0xffff  }
0x286: {  	v15 =	vld.idx.msk [tilespmem:v15+s14+$0x0], $0xffff;
	v11 =	vadd.f32 v14, v11;
	v14 =	vmul.f32 v16, v16;
	v16 =	vsub.f32 v22, v19  }
0x287: {  	v19 =	vld.idx.msk [tilespmem:v13+s13+$0x0], $0xffff  }
0x288: {  	v13 =	vld.idx.msk [tilespmem:v13+s14+$0x0], $0xffff;
	v12 =	vsub.f32 v21, v12;
	v11 =	vadd.f32 v14, v11;
	v14 =	vmul.f32 v16, v16  }
0x289: {  	v16 =	vld.idx.msk [tilespmem:v10+s13+$0x0], $0xffff  }
0x28a: {  	v20 =	vsub.f32 $0.0e+00, v17;
	v10 =	vld.idx.msk [tilespmem:v10+s14+$0x0], $0xffff;
	v12 =	vmul.f32 v12, v12;
	v11 =	vadd.f32 v14, v11  }
0x28b: {  	v14 =	vsub.f32 v18, v15  }
0x28c: {  	v15 =	vmul.f32 $1.442695020e+00, v20;
	v11 =	vadd.f32 v12, v11;
	v12 =	vld.idx.msk [tilespmem:v8+s13+$0x0], $0xffff  }
0x28d: {  	v13 =	vsub.f32 v19, v13;
	v14 =	vmul.f32 v14, v14  }
0x28e: {  	(erf) = vpow2.f32 v15  }
0x28f: {  	v13 =	vmul.f32 v13, v13;
	v10 =	vsub.f32 v16, v10;
	v11 =	vadd.f32 v14, v11;
	_ =	sdelay $0x1  }
0x290: {  	v10 =	vmul.f32 v10, v10;
	v11 =	vadd.f32 v13, v11;
	v12 =	vsub.f32 v12, v17;
	_ =	sdelay $0x1  }
0x291: {  	v10 =	vadd.f32 v10, v11;
	v11 =	vmul.f32 v12, v12;
	_ =	sdelay $0x2  }
0x292: {  	v10 =	vsub.f32 v10, v11  }
0x293: {  	v11 =	vpop (erf)  }
0x294: {  	v10 =	vmul.f32 v11, v10;
	_ =	sdelay $0x1  }
0x295: {  	v10 =	vadd.f32 $1.000000000e+00, v10;
	_ =	sdelay $0x1  }
0x296: {  	(erf) = vrcp.f32 v10;
	_ =	sdelay $0x3  }
0x297: {  	v10 =	vimm.s32 $0x0  }
0x298: {  	v11 =	vand.u32 $0xFFFFFFF8, v10  }
0x299: {  	v14 =	vadd.s32 v6, v11;
	_ =	sdelay $0x1  }
0x29a: {  	v11 =	vor.u32 $0x1, v14  }
0x29b: {  	v12 =	vpop (erf)  }
0x29c: {  	[tilespmem:s22+$0x120B0] =	vst v12  }
0x29d: {  	v12 =	vor.u32 $0x2, v14;
	v13 =	vld.idx.msk [tilespmem:v14+s13+$0x0], $0xffff  }
0x29e: {  	v16 =	vld.idx.msk [tilespmem:v14+s14+$0x0], $0xffff  }
0x29f: {  	v15 =	vor.u32 $0x3, v14;
	v17 =	vld.idx.msk [tilespmem:v11+s13+$0x0], $0xffff  }
0x2a0: {  	v19 =	vld.idx.msk [tilespmem:v11+s14+$0x0], $0xffff  }
0x2a1: {  	v18 =	vor.u32 $0x4, v14  }
0x2a2: {  	v22 =	vld.idx.msk [tilespmem:v12+s13+$0x0], $0xffff  }
0x2a3: {  	v23 =	vor.u32 $0x5, v14;
	v24 =	vld.idx.msk [tilespmem:v12+s14+$0x0], $0xffff  }
0x2a4: {  	v12 =	vld.idx.msk [tilespmem:v15+s13+$0x0], $0xffff  }
0x2a5: {  	v20 =	vsub.f32 v13, v16;
	v16 =	vld.idx.msk [tilespmem:v15+s14+$0x0], $0xffff;
	v19 =	vsub.f32 v17, v19;
	v17 =	vor.u32 $0x6, v14  }
0x2a6: {  	v11 =	vadd.s32 $0x8, v10;
	v13 =	vld.idx.msk [tilespmem:v18+s13+$0x0], $0xffff  }
0x2a7: {  	v10 =	vand.u32 $0xFFFFFFF8, v11;
	v18 =	vld.idx.msk [tilespmem:v18+s14+$0x0], $0xffff;
	v15 =	vor.u32 $0x7, v14;
	v20 =	vmul.f32 v20, v20  }
0x2a8: {  	v21 =	vimm.f32 $0.0e+00;
	v10 =	vadd.s32 v6, v10;
	v14 =	vld.idx.msk [tilespmem:v23+s13+$0x0], $0xffff  }
0x2a9: {  	s23 =	simm.s32 $0xE;
	v20 =	vadd.f32 v20, v21;
	v21 =	vmul.f32 v19, v19;
	v22 =	vsub.f32 v22, v24;
	v19 =	vld.idx.msk [tilespmem:v23+s14+$0x0], $0xffff  }
.LBB2_21:
0x2aa: {  	p0 =	sne.s32 s23, $0x1;
	v23 =	vor.u32 $0x1, v10;
	v24 =	vld.idx.msk [tilespmem:v17+s13+$0x0], $0xffff  }
0x2ab: {  	v12 =	vsub.f32 v12, v16;
	v20 =	vadd.f32 v21, v20;
	v21 =	vmul.f32 v22, v22;
	v16 =	vld.idx.msk [tilespmem:v17+s14+$0x0], $0xffff  }
0x2ac: {  	v17 =	vor.u32 $0x2, v10;
	v22 =	vld.idx.msk [tilespmem:v15+s13+$0x0], $0xffff  }
0x2ad: {  	v12 =	vmul.f32 v12, v12;
	v13 =	vsub.f32 v13, v18;
	v20 =	vadd.f32 v21, v20;
	v15 =	vld.idx.msk [tilespmem:v15+s14+$0x0], $0xffff  }
0x2ae: {  	v21 =	vor.u32 $0x3, v10;
	v18 =	vld.idx.msk [tilespmem:v10+s13+$0x0], $0xffff  }
0x2af: {  	v13 =	vmul.f32 v13, v13;
	v14 =	vsub.f32 v14, v19;
	v25 =	vld.idx.msk [tilespmem:v10+s14+$0x0], $0xffff;
	v12 =	vadd.f32 v12, v20  }
0x2b0: {  	v20 =	vor.u32 $0x4, v10;
	v19 =	vld.idx.msk [tilespmem:v23+s13+$0x0], $0xffff  }
0x2b1: {  	v23 =	vld.idx.msk [tilespmem:v23+s14+$0x0], $0xffff;
	v12 =	vadd.f32 v13, v12;
	v13 =	vmul.f32 v14, v14;
	v14 =	vsub.f32 v24, v16  }
0x2b2: {  	v26 =	vor.u32 $0x5, v10;
	v24 =	vld.idx.msk [tilespmem:v17+s13+$0x0], $0xffff  }
0x2b3: {  	v15 =	vsub.f32 v22, v15;
	v27 =	vld.idx.msk [tilespmem:v17+s14+$0x0], $0xffff;
	v13 =	vadd.f32 v13, v12;
	v14 =	vmul.f32 v14, v14  }
0x2b4: {  	v11 =	vadd.s32 $0x8, v11;
	v17 =	vor.u32 $0x6, v10;
	v12 =	vld.idx.msk [tilespmem:v21+s13+$0x0], $0xffff  }
.Ltmp9:
0x2b5: {  	v18 =	vsub.f32 v18, v25;
	v16 =	vld.idx.msk [tilespmem:v21+s14+$0x0], $0xffff;
	v14 =	vadd.f32 v14, v13;
	v21 =	vmul.f32 v15, v15;
	(pc) =	sbr.rel @p0 .LBB2_21-.Ltmp9, $4  }
0x2b6: {  	v22 =	vand.u32 $0xFFFFFFF8, v11;
	v15 =	vor.u32 $0x7, v10;
	v13 =	vld.idx.msk [tilespmem:v20+s13+$0x0], $0xffff  }
0x2b7: {  	v25 =	vmul.f32 v18, v18;
	v19 =	vsub.f32 v19, v23;
	v18 =	vld.idx.msk [tilespmem:v20+s14+$0x0], $0xffff;
	v20 =	vadd.f32 v21, v14  }
0x2b8: {  	v10 =	vadd.s32 v6, v22;
	v14 =	vld.idx.msk [tilespmem:v26+s13+$0x0], $0xffff  }
0x2b9: {  	s23 =	sadd.s32 $0xFFFFFFFF, s23;
	v21 =	vmul.f32 v19, v19;
	v22 =	vsub.f32 v24, v27;
	v20 =	vadd.f32 v25, v20;
	v19 =	vld.idx.msk [tilespmem:v26+s14+$0x0], $0xffff  }
0x2ba: {  	_ =	sdelay $0x3  }
0x2bb: {  	v11 =	vld.idx.msk [tilespmem:v17+s13+$0x0], $0xffff  }
0x2bc: {  	v12 =	vsub.f32 v12, v16;
	v34 =	vld.idx.msk [tilespmem:v17+s14+$0x0], $0xffff;
	v20 =	vadd.f32 v21, v20;
	v32 =	vmul.f32 v22, v22  }
0x2bd: {  	v33 =	vor.u32 $0x1, v10;
	v35 =	vld.idx.msk [tilespmem:v15+s13+$0x0], $0xffff  }
0x2be: {  	v37 =	vld.idx.msk [tilespmem:v15+s14+$0x0], $0xffff;
	v12 =	vmul.f32 v12, v12;
	v13 =	vsub.f32 v13, v18;
	v20 =	vadd.f32 v32, v20  }
0x2bf: {  	v36 =	vor.u32 $0x2, v10;
	v38 =	vld.idx.msk [tilespmem:v10+s13+$0x0], $0xffff  }
0x2c0: {  	v40 =	vld.idx.msk [tilespmem:v10+s14+$0x0], $0xffff;
	v13 =	vmul.f32 v13, v13;
	v14 =	vsub.f32 v14, v19;
	v12 =	vadd.f32 v12, v20  }
0x2c1: {  	v39 =	vor.u32 $0x3, v10;
	v53 =	vld.idx.msk [tilespmem:v9+s14+$0x0], $0xffff  }
0x2c2: {  	v23 =	vld.idx.msk [tilespmem:v33+s13+$0x0], $0xffff;
	v11 =	vsub.f32 v11, v34;
	v41 =	vmul.f32 v14, v14;
	v12 =	vadd.f32 v13, v12  }
0x2c3: {  	v42 =	vor.u32 $0x4, v10;
	v16 =	vld.idx.msk [tilespmem:v33+s14+$0x0], $0xffff  }
0x2c4: {  	v43 =	vld.idx.msk [tilespmem:v36+s13+$0x0], $0xffff;
	v44 =	vsub.f32 v35, v37;
	v11 =	vmul.f32 v11, v11;
	v12 =	vadd.f32 v41, v12  }
0x2c5: {  	v45 =	vor.u32 $0x5, v10;
	v18 =	vld.idx.msk [tilespmem:v36+s14+$0x0], $0xffff  }
0x2c6: {  	v46 =	vld.idx.msk [tilespmem:v39+s13+$0x0], $0xffff;
	v20 =	vsub.f32 v38, v40;
	v47 =	vmul.f32 v44, v44;
	v11 =	vadd.f32 v11, v12  }
0x2c7: {  	v48 =	vor.u32 $0x6, v10;
	v19 =	vld.idx.msk [tilespmem:v39+s14+$0x0], $0xffff  }
0x2c8: {  	v49 =	vld.idx.msk [tilespmem:v42+s13+$0x0], $0xffff;
	v20 =	vmul.f32 v20, v20;
	v16 =	vsub.f32 v23, v16;
	v11 =	vadd.f32 v47, v11  }
0x2c9: {  	v10 =	vor.u32 $0x7, v10;
	v50 =	vld.idx.msk [tilespmem:v42+s14+$0x0], $0xffff  }
0x2ca: {  	v54 =	vld.idx.msk [tilespmem:v45+s13+$0x0], $0xffff;
	v52 =	vsub.f32 v43, v18;
	v51 =	vmul.f32 v16, v16;
	v11 =	vadd.f32 v20, v11  }
0x2cb: {  	v15 =	vld.idx.msk [tilespmem:v45+s14+$0x0], $0xffff  }
0x2cc: {  	v57 =	vld.idx.msk [tilespmem:v48+s13+$0x0], $0xffff;
	v56 =	vsub.f32 v46, v19;
	v55 =	vmul.f32 v52, v52;
	v11 =	vadd.f32 v51, v11  }
0x2cd: {  	v13 =	vld.idx.msk [tilespmem:v48+s14+$0x0], $0xffff  }
0x2ce: {  	v59 =	vld.idx.msk [tilespmem:v10+s13+$0x0], $0xffff;
	v12 =	vsub.f32 v49, v50;
	v58 =	vmul.f32 v56, v56;
	v11 =	vadd.f32 v55, v11  }
0x2cf: {  	v60 =	vsub.f32 $0.0e+00, v53;
	v10 =	vld.idx.msk [tilespmem:v10+s14+$0x0], $0xffff  }
0x2d0: {  	v61 =	vsub.f32 v54, v15;
	v12 =	vmul.f32 v12, v12;
	v11 =	vadd.f32 v58, v11  }
0x2d1: {  	v63 =	vld.idx.msk [tilespmem:v9+s13+$0x0], $0xffff;
	v62 =	vmul.f32 $1.442695020e+00, v60  }
0x2d2: {  	v14 =	vmul.f32 v61, v61;
	v13 =	vsub.f32 v57, v13;
	v11 =	vadd.f32 v12, v11  }
0x2d3: {  	(erf) = vpow2.f32 v62  }
0x2d4: {  	v10 =	vsub.f32 v59, v10;
	v13 =	vmul.f32 v13, v13;
	v11 =	vadd.f32 v14, v11;
	_ =	sdelay $0x1  }
0x2d5: {  	v10 =	vmul.f32 v10, v10;
	v12 =	vsub.f32 v63, v53;
	v11 =	vadd.f32 v13, v11;
	_ =	sdelay $0x1  }
0x2d6: {  	v10 =	vadd.f32 v10, v11;
	v11 =	vmul.f32 v12, v12;
	_ =	sdelay $0x2  }
0x2d7: {  	v10 =	vsub.f32 v10, v11  }
0x2d8: {  	v11 =	vpop (erf)  }
0x2d9: {  	v10 =	vmul.f32 v11, v10;
	_ =	sdelay $0x1  }
0x2da: {  	v10 =	vadd.f32 $1.000000000e+00, v10;
	_ =	sdelay $0x1  }
0x2db: {  	(erf) = vrcp.f32 v10;
	_ =	sdelay $0x3  }
0x2dc: {  	s21 =	sadd.s32 $0x1, s21  }
0x2dd: {  	p0 =	sne.s32 s21, $0x3E  }
.Ltmp10:
0x2de: {  	_ = 	snop;
	(pc) =	sbr.rel @p0 .LBB2_2-.Ltmp10, $3  }
0x2df: {  	_ =	sdelay $0x1  }
0x2e0: {  	v10 =	vpop (erf)  }
0x2e1: {  	[tilespmem:s22+$0x120C0] =	vst v10  }
0x2e2: {  	v10 =	vimm.s32 $0x0  }
0x2e3: {  	_ =	swait.ge [sflag:s15], $0x2800;
	v11 =	vand.u32 $0xFFFFFFF8, v10  }
0x2e4: {  	[sflag:s15] =	ssyncset.done $0x0;
	v14 =	vadd.s32 v0, v11  }
0x2e5: {  	[sflag:s15] =	ssyncadd.s32 $0xFFFFD800  }
0x2e6: {  	_ =	swait.ge [sflag:s16], $0x2800;
	v11 =	vor.u32 $0x1, v14  }
0x2e7: {  	[sflag:s16] =	ssyncset.done $0x0  }
0x2e8: {  	[sflag:s16] =	ssyncadd.s32 $0xFFFFD800  }
0x2e9: {  	v12 =	vor.u32 $0x2, v14;
	v13 =	vld.idx.msk [tilespmem:v14+s11+$0x0], $0xffff  }
0x2ea: {  	v16 =	vld.idx.msk [tilespmem:v14+s12+$0x0], $0xffff  }
0x2eb: {  	v15 =	vor.u32 $0x3, v14;
	v17 =	vld.idx.msk [tilespmem:v11+s11+$0x0], $0xffff  }
0x2ec: {  	v19 =	vld.idx.msk [tilespmem:v11+s12+$0x0], $0xffff  }
0x2ed: {  	v18 =	vor.u32 $0x4, v14  }
0x2ee: {  	v22 =	vld.idx.msk [tilespmem:v12+s11+$0x0], $0xffff  }
0x2ef: {  	v23 =	vor.u32 $0x5, v14;
	v24 =	vld.idx.msk [tilespmem:v12+s12+$0x0], $0xffff  }
0x2f0: {  	v12 =	vld.idx.msk [tilespmem:v15+s11+$0x0], $0xffff  }
0x2f1: {  	v20 =	vsub.f32 v13, v16;
	v16 =	vld.idx.msk [tilespmem:v15+s12+$0x0], $0xffff;
	v19 =	vsub.f32 v17, v19;
	v17 =	vor.u32 $0x6, v14  }
0x2f2: {  	v11 =	vadd.s32 $0x8, v10;
	v13 =	vld.idx.msk [tilespmem:v18+s11+$0x0], $0xffff  }
0x2f3: {  	v10 =	vand.u32 $0xFFFFFFF8, v11;
	v18 =	vld.idx.msk [tilespmem:v18+s12+$0x0], $0xffff;
	v15 =	vor.u32 $0x7, v14;
	v20 =	vmul.f32 v20, v20  }
0x2f4: {  	v21 =	vimm.f32 $0.0e+00;
	v10 =	vadd.s32 v0, v10;
	v14 =	vld.idx.msk [tilespmem:v23+s11+$0x0], $0xffff  }
0x2f5: {  	s21 =	simm.s32 $0xE;
	v22 =	vsub.f32 v22, v24;
	v20 =	vadd.f32 v20, v21;
	v21 =	vmul.f32 v19, v19;
	v19 =	vld.idx.msk [tilespmem:v23+s12+$0x0], $0xffff  }
.LBB2_24:
0x2f6: {  	p0 =	sne.s32 s21, $0x1;
	v23 =	vor.u32 $0x1, v10;
	v24 =	vld.idx.msk [tilespmem:v17+s11+$0x0], $0xffff  }
0x2f7: {  	v12 =	vsub.f32 v12, v16;
	v20 =	vadd.f32 v21, v20;
	v21 =	vmul.f32 v22, v22;
	v16 =	vld.idx.msk [tilespmem:v17+s12+$0x0], $0xffff  }
0x2f8: {  	v17 =	vor.u32 $0x2, v10;
	v22 =	vld.idx.msk [tilespmem:v15+s11+$0x0], $0xffff  }
0x2f9: {  	v12 =	vmul.f32 v12, v12;
	v13 =	vsub.f32 v13, v18;
	v20 =	vadd.f32 v21, v20;
	v15 =	vld.idx.msk [tilespmem:v15+s12+$0x0], $0xffff  }
0x2fa: {  	v21 =	vor.u32 $0x3, v10;
	v18 =	vld.idx.msk [tilespmem:v10+s11+$0x0], $0xffff  }
0x2fb: {  	v13 =	vmul.f32 v13, v13;
	v14 =	vsub.f32 v14, v19;
	v25 =	vld.idx.msk [tilespmem:v10+s12+$0x0], $0xffff;
	v12 =	vadd.f32 v12, v20  }
0x2fc: {  	v20 =	vor.u32 $0x4, v10;
	v19 =	vld.idx.msk [tilespmem:v23+s11+$0x0], $0xffff  }
0x2fd: {  	v23 =	vld.idx.msk [tilespmem:v23+s12+$0x0], $0xffff;
	v12 =	vadd.f32 v13, v12;
	v13 =	vmul.f32 v14, v14;
	v14 =	vsub.f32 v24, v16  }
0x2fe: {  	v26 =	vor.u32 $0x5, v10;
	v24 =	vld.idx.msk [tilespmem:v17+s11+$0x0], $0xffff  }
0x2ff: {  	v15 =	vsub.f32 v22, v15;
	v27 =	vld.idx.msk [tilespmem:v17+s12+$0x0], $0xffff;
	v13 =	vadd.f32 v13, v12;
	v14 =	vmul.f32 v14, v14  }
0x300: {  	v11 =	vadd.s32 $0x8, v11;
	v17 =	vor.u32 $0x6, v10;
	v12 =	vld.idx.msk [tilespmem:v21+s11+$0x0], $0xffff  }
.Ltmp11:
0x301: {  	v18 =	vsub.f32 v18, v25;
	v16 =	vld.idx.msk [tilespmem:v21+s12+$0x0], $0xffff;
	v14 =	vadd.f32 v14, v13;
	v21 =	vmul.f32 v15, v15;
	(pc) =	sbr.rel @p0 .LBB2_24-.Ltmp11, $4  }
0x302: {  	v22 =	vand.u32 $0xFFFFFFF8, v11;
	v15 =	vor.u32 $0x7, v10;
	v13 =	vld.idx.msk [tilespmem:v20+s11+$0x0], $0xffff  }
0x303: {  	v25 =	vmul.f32 v18, v18;
	v19 =	vsub.f32 v19, v23;
	v18 =	vld.idx.msk [tilespmem:v20+s12+$0x0], $0xffff;
	v20 =	vadd.f32 v21, v14  }
0x304: {  	v10 =	vadd.s32 v0, v22;
	v14 =	vld.idx.msk [tilespmem:v26+s11+$0x0], $0xffff  }
0x305: {  	s21 =	sadd.s32 $0xFFFFFFFF, s21;
	v21 =	vmul.f32 v19, v19;
	v22 =	vsub.f32 v24, v27;
	v20 =	vadd.f32 v25, v20;
	v19 =	vld.idx.msk [tilespmem:v26+s12+$0x0], $0xffff  }
0x306: {  	_ =	sdelay $0x3  }
0x307: {  	v11 =	vld.idx.msk [tilespmem:v17+s11+$0x0], $0xffff;
	v12 =	vsub.f32 v12, v16  }
0x308: {  	v16 =	vor.u32 $0x1, v10;
	v17 =	vld.idx.msk [tilespmem:v17+s12+$0x0], $0xffff;
	v20 =	vadd.f32 v21, v20;
	v21 =	vmul.f32 v22, v22  }
0x309: {  	v22 =	vld.idx.msk [tilespmem:v15+s11+$0x0], $0xffff  }
0x30a: {  	v15 =	vld.idx.msk [tilespmem:v15+s12+$0x0], $0xffff;
	v12 =	vmul.f32 v12, v12;
	v13 =	vsub.f32 v13, v18;
	v20 =	vadd.f32 v21, v20  }
0x30b: {  	v18 =	vor.u32 $0x2, v10;
	v21 =	vld.idx.msk [tilespmem:v10+s11+$0x0], $0xffff  }
0x30c: {  	v13 =	vmul.f32 v13, v13;
	v14 =	vsub.f32 v14, v19;
	v12 =	vadd.f32 v12, v20;
	v20 =	vld.idx.msk [tilespmem:v10+s12+$0x0], $0xffff  }
0x30d: {  	v19 =	vor.u32 $0x3, v10;
	v23 =	vld.idx.msk [tilespmem:v16+s11+$0x0], $0xffff  }
0x30e: {  	v11 =	vsub.f32 v11, v17;
	v16 =	vld.idx.msk [tilespmem:v16+s12+$0x0], $0xffff;
	v12 =	vadd.f32 v13, v12;
	v13 =	vmul.f32 v14, v14  }
0x30f: {  	v14 =	vor.u32 $0x4, v10  }
0x310: {  	v17 =	vld.idx.msk [tilespmem:v18+s11+$0x0], $0xffff;
	v11 =	vmul.f32 v11, v11;
	v12 =	vadd.f32 v13, v12;
	v13 =	vsub.f32 v22, v15  }
0x311: {  	v18 =	vld.idx.msk [tilespmem:v18+s12+$0x0], $0xffff;
	v15 =	vor.u32 $0x5, v10  }
0x312: {  	v22 =	vld.idx.msk [tilespmem:v19+s11+$0x0], $0xffff;
	v20 =	vsub.f32 v21, v20;
	v11 =	vadd.f32 v11, v12;
	v12 =	vmul.f32 v13, v13  }
0x313: {  	v19 =	vld.idx.msk [tilespmem:v19+s12+$0x0], $0xffff;
	v16 =	vsub.f32 v23, v16  }
0x314: {  	v13 =	vor.u32 $0x6, v10;
	v21 =	vld.idx.msk [tilespmem:v14+s11+$0x0], $0xffff;
	v20 =	vmul.f32 v20, v20;
	v11 =	vadd.f32 v12, v11  }
0x315: {  	v10 =	vor.u32 $0x7, v10;
	v12 =	vld.idx.msk [tilespmem:v14+s12+$0x0], $0xffff  }
0x316: {  	v14 =	vmul.f32 v16, v16;
	v16 =	vsub.f32 v17, v18;
	v17 =	vld.idx.msk [tilespmem:v1+s12+$0x0], $0xffff;
	v11 =	vadd.f32 v20, v11  }
0x317: {  	v18 =	vld.idx.msk [tilespmem:v15+s11+$0x0], $0xffff  }
0x318: {  	v15 =	vld.idx.msk [tilespmem:v15+s12+$0x0], $0xffff;
	v11 =	vadd.f32 v14, v11;
	v14 =	vmul.f32 v16, v16;
	v16 =	vsub.f32 v22, v19  }
0x319: {  	v19 =	vld.idx.msk [tilespmem:v13+s11+$0x0], $0xffff  }
0x31a: {  	v13 =	vld.idx.msk [tilespmem:v13+s12+$0x0], $0xffff;
	v12 =	vsub.f32 v21, v12;
	v11 =	vadd.f32 v14, v11;
	v14 =	vmul.f32 v16, v16  }
0x31b: {  	v16 =	vld.idx.msk [tilespmem:v10+s11+$0x0], $0xffff  }
0x31c: {  	v20 =	vsub.f32 $0.0e+00, v17;
	v10 =	vld.idx.msk [tilespmem:v10+s12+$0x0], $0xffff;
	v12 =	vmul.f32 v12, v12;
	v11 =	vadd.f32 v14, v11  }
0x31d: {  	v14 =	vsub.f32 v18, v15  }
0x31e: {  	v15 =	vmul.f32 $1.442695020e+00, v20;
	v11 =	vadd.f32 v12, v11;
	v12 =	vld.idx.msk [tilespmem:v1+s11+$0x0], $0xffff  }
0x31f: {  	v13 =	vsub.f32 v19, v13;
	v14 =	vmul.f32 v14, v14  }
0x320: {  	(erf) = vpow2.f32 v15  }
0x321: {  	v13 =	vmul.f32 v13, v13;
	v10 =	vsub.f32 v16, v10;
	v11 =	vadd.f32 v14, v11;
	_ =	sdelay $0x1  }
0x322: {  	v10 =	vmul.f32 v10, v10;
	v11 =	vadd.f32 v13, v11;
	v12 =	vsub.f32 v12, v17;
	_ =	sdelay $0x1  }
0x323: {  	v10 =	vadd.f32 v10, v11;
	v11 =	vmul.f32 v12, v12;
	_ =	sdelay $0x2  }
0x324: {  	v10 =	vsub.f32 v10, v11  }
0x325: {  	v11 =	vpop (erf)  }
0x326: {  	v10 =	vmul.f32 v11, v10;
	_ =	sdelay $0x1  }
0x327: {  	v10 =	vadd.f32 $1.000000000e+00, v10;
	_ =	sdelay $0x1  }
0x328: {  	(erf) = vrcp.f32 v10;
	_ =	sdelay $0x3  }
0x329: {  	v10 =	vimm.s32 $0x0  }
0x32a: {  	v11 =	vand.u32 $0xFFFFFFF8, v10  }
0x32b: {  	v14 =	vadd.s32 v2, v11;
	_ =	sdelay $0x1  }
0x32c: {  	v11 =	vor.u32 $0x1, v14  }
0x32d: {  	v12 =	vpop (erf)  }
0x32e: {  	[tilespmem:$0x15E00] =	vst v12  }
0x32f: {  	v12 =	vor.u32 $0x2, v14;
	v13 =	vld.idx.msk [tilespmem:v14+s11+$0x0], $0xffff  }
0x330: {  	v16 =	vld.idx.msk [tilespmem:v14+s12+$0x0], $0xffff  }
0x331: {  	v15 =	vor.u32 $0x3, v14;
	v17 =	vld.idx.msk [tilespmem:v11+s11+$0x0], $0xffff  }
0x332: {  	v19 =	vld.idx.msk [tilespmem:v11+s12+$0x0], $0xffff  }
0x333: {  	v18 =	vor.u32 $0x4, v14  }
0x334: {  	v22 =	vld.idx.msk [tilespmem:v12+s11+$0x0], $0xffff  }
0x335: {  	v23 =	vor.u32 $0x5, v14;
	v24 =	vld.idx.msk [tilespmem:v12+s12+$0x0], $0xffff  }
0x336: {  	v12 =	vld.idx.msk [tilespmem:v15+s11+$0x0], $0xffff  }
0x337: {  	v20 =	vsub.f32 v13, v16;
	v16 =	vld.idx.msk [tilespmem:v15+s12+$0x0], $0xffff;
	v19 =	vsub.f32 v17, v19;
	v17 =	vor.u32 $0x6, v14  }
0x338: {  	v11 =	vadd.s32 $0x8, v10;
	v13 =	vld.idx.msk [tilespmem:v18+s11+$0x0], $0xffff  }
0x339: {  	v10 =	vand.u32 $0xFFFFFFF8, v11;
	v18 =	vld.idx.msk [tilespmem:v18+s12+$0x0], $0xffff;
	v15 =	vor.u32 $0x7, v14;
	v20 =	vmul.f32 v20, v20  }
0x33a: {  	v21 =	vimm.f32 $0.0e+00;
	v10 =	vadd.s32 v2, v10;
	v14 =	vld.idx.msk [tilespmem:v23+s11+$0x0], $0xffff  }
0x33b: {  	s21 =	simm.s32 $0xE;
	v20 =	vadd.f32 v20, v21;
	v21 =	vmul.f32 v19, v19;
	v22 =	vsub.f32 v22, v24;
	v19 =	vld.idx.msk [tilespmem:v23+s12+$0x0], $0xffff  }
.LBB2_26:
0x33c: {  	p0 =	sne.s32 s21, $0x1;
	v23 =	vor.u32 $0x1, v10;
	v24 =	vld.idx.msk [tilespmem:v17+s11+$0x0], $0xffff  }
0x33d: {  	v12 =	vsub.f32 v12, v16;
	v20 =	vadd.f32 v21, v20;
	v21 =	vmul.f32 v22, v22;
	v16 =	vld.idx.msk [tilespmem:v17+s12+$0x0], $0xffff  }
0x33e: {  	v17 =	vor.u32 $0x2, v10;
	v22 =	vld.idx.msk [tilespmem:v15+s11+$0x0], $0xffff  }
0x33f: {  	v12 =	vmul.f32 v12, v12;
	v13 =	vsub.f32 v13, v18;
	v20 =	vadd.f32 v21, v20;
	v15 =	vld.idx.msk [tilespmem:v15+s12+$0x0], $0xffff  }
0x340: {  	v21 =	vor.u32 $0x3, v10;
	v18 =	vld.idx.msk [tilespmem:v10+s11+$0x0], $0xffff  }
0x341: {  	v13 =	vmul.f32 v13, v13;
	v14 =	vsub.f32 v14, v19;
	v25 =	vld.idx.msk [tilespmem:v10+s12+$0x0], $0xffff;
	v12 =	vadd.f32 v12, v20  }
0x342: {  	v20 =	vor.u32 $0x4, v10;
	v19 =	vld.idx.msk [tilespmem:v23+s11+$0x0], $0xffff  }
0x343: {  	v23 =	vld.idx.msk [tilespmem:v23+s12+$0x0], $0xffff;
	v12 =	vadd.f32 v13, v12;
	v13 =	vmul.f32 v14, v14;
	v14 =	vsub.f32 v24, v16  }
0x344: {  	v26 =	vor.u32 $0x5, v10;
	v24 =	vld.idx.msk [tilespmem:v17+s11+$0x0], $0xffff  }
0x345: {  	v15 =	vsub.f32 v22, v15;
	v27 =	vld.idx.msk [tilespmem:v17+s12+$0x0], $0xffff;
	v13 =	vadd.f32 v13, v12;
	v14 =	vmul.f32 v14, v14  }
0x346: {  	v11 =	vadd.s32 $0x8, v11;
	v17 =	vor.u32 $0x6, v10;
	v12 =	vld.idx.msk [tilespmem:v21+s11+$0x0], $0xffff  }
.Ltmp12:
0x347: {  	v18 =	vsub.f32 v18, v25;
	v16 =	vld.idx.msk [tilespmem:v21+s12+$0x0], $0xffff;
	v14 =	vadd.f32 v14, v13;
	v21 =	vmul.f32 v15, v15;
	(pc) =	sbr.rel @p0 .LBB2_26-.Ltmp12, $4  }
0x348: {  	v22 =	vand.u32 $0xFFFFFFF8, v11;
	v15 =	vor.u32 $0x7, v10;
	v13 =	vld.idx.msk [tilespmem:v20+s11+$0x0], $0xffff  }
0x349: {  	v25 =	vmul.f32 v18, v18;
	v19 =	vsub.f32 v19, v23;
	v18 =	vld.idx.msk [tilespmem:v20+s12+$0x0], $0xffff;
	v20 =	vadd.f32 v21, v14  }
0x34a: {  	v10 =	vadd.s32 v2, v22;
	v14 =	vld.idx.msk [tilespmem:v26+s11+$0x0], $0xffff  }
0x34b: {  	s21 =	sadd.s32 $0xFFFFFFFF, s21;
	v21 =	vmul.f32 v19, v19;
	v22 =	vsub.f32 v24, v27;
	v20 =	vadd.f32 v25, v20;
	v19 =	vld.idx.msk [tilespmem:v26+s12+$0x0], $0xffff  }
0x34c: {  	_ =	sdelay $0x3  }
0x34d: {  	v11 =	vld.idx.msk [tilespmem:v17+s11+$0x0], $0xffff;
	v12 =	vsub.f32 v12, v16  }
0x34e: {  	v16 =	vor.u32 $0x1, v10;
	v17 =	vld.idx.msk [tilespmem:v17+s12+$0x0], $0xffff;
	v20 =	vadd.f32 v21, v20;
	v21 =	vmul.f32 v22, v22  }
0x34f: {  	v22 =	vld.idx.msk [tilespmem:v15+s11+$0x0], $0xffff  }
0x350: {  	v15 =	vld.idx.msk [tilespmem:v15+s12+$0x0], $0xffff;
	v12 =	vmul.f32 v12, v12;
	v13 =	vsub.f32 v13, v18;
	v20 =	vadd.f32 v21, v20  }
0x351: {  	v18 =	vor.u32 $0x2, v10;
	v21 =	vld.idx.msk [tilespmem:v10+s11+$0x0], $0xffff  }
0x352: {  	v13 =	vmul.f32 v13, v13;
	v14 =	vsub.f32 v14, v19;
	v12 =	vadd.f32 v12, v20;
	v20 =	vld.idx.msk [tilespmem:v10+s12+$0x0], $0xffff  }
0x353: {  	v19 =	vor.u32 $0x3, v10;
	v23 =	vld.idx.msk [tilespmem:v16+s11+$0x0], $0xffff  }
0x354: {  	v11 =	vsub.f32 v11, v17;
	v16 =	vld.idx.msk [tilespmem:v16+s12+$0x0], $0xffff;
	v12 =	vadd.f32 v13, v12;
	v13 =	vmul.f32 v14, v14  }
0x355: {  	v14 =	vor.u32 $0x4, v10  }
0x356: {  	v17 =	vld.idx.msk [tilespmem:v18+s11+$0x0], $0xffff;
	v11 =	vmul.f32 v11, v11;
	v12 =	vadd.f32 v13, v12;
	v13 =	vsub.f32 v22, v15  }
0x357: {  	v18 =	vld.idx.msk [tilespmem:v18+s12+$0x0], $0xffff;
	v15 =	vor.u32 $0x5, v10  }
0x358: {  	v22 =	vld.idx.msk [tilespmem:v19+s11+$0x0], $0xffff;
	v20 =	vsub.f32 v21, v20;
	v11 =	vadd.f32 v11, v12;
	v12 =	vmul.f32 v13, v13  }
0x359: {  	v19 =	vld.idx.msk [tilespmem:v19+s12+$0x0], $0xffff;
	v16 =	vsub.f32 v23, v16  }
0x35a: {  	v13 =	vor.u32 $0x6, v10;
	v21 =	vld.idx.msk [tilespmem:v14+s11+$0x0], $0xffff;
	v20 =	vmul.f32 v20, v20;
	v11 =	vadd.f32 v12, v11  }
0x35b: {  	v10 =	vor.u32 $0x7, v10;
	v12 =	vld.idx.msk [tilespmem:v14+s12+$0x0], $0xffff  }
0x35c: {  	v14 =	vmul.f32 v16, v16;
	v16 =	vsub.f32 v17, v18;
	v17 =	vld.idx.msk [tilespmem:v3+s12+$0x0], $0xffff;
	v11 =	vadd.f32 v20, v11  }
0x35d: {  	v18 =	vld.idx.msk [tilespmem:v15+s11+$0x0], $0xffff  }
0x35e: {  	v15 =	vld.idx.msk [tilespmem:v15+s12+$0x0], $0xffff;
	v11 =	vadd.f32 v14, v11;
	v14 =	vmul.f32 v16, v16;
	v16 =	vsub.f32 v22, v19  }
0x35f: {  	v19 =	vld.idx.msk [tilespmem:v13+s11+$0x0], $0xffff  }
0x360: {  	v13 =	vld.idx.msk [tilespmem:v13+s12+$0x0], $0xffff;
	v12 =	vsub.f32 v21, v12;
	v11 =	vadd.f32 v14, v11;
	v14 =	vmul.f32 v16, v16  }
0x361: {  	v16 =	vld.idx.msk [tilespmem:v10+s11+$0x0], $0xffff  }
0x362: {  	v20 =	vsub.f32 $0.0e+00, v17;
	v10 =	vld.idx.msk [tilespmem:v10+s12+$0x0], $0xffff;
	v12 =	vmul.f32 v12, v12;
	v11 =	vadd.f32 v14, v11  }
0x363: {  	v14 =	vsub.f32 v18, v15  }
0x364: {  	v15 =	vmul.f32 $1.442695020e+00, v20;
	v11 =	vadd.f32 v12, v11;
	v12 =	vld.idx.msk [tilespmem:v3+s11+$0x0], $0xffff  }
0x365: {  	v13 =	vsub.f32 v19, v13;
	v14 =	vmul.f32 v14, v14  }
0x366: {  	(erf) = vpow2.f32 v15  }
0x367: {  	v13 =	vmul.f32 v13, v13;
	v10 =	vsub.f32 v16, v10;
	v11 =	vadd.f32 v14, v11;
	_ =	sdelay $0x1  }
0x368: {  	v10 =	vmul.f32 v10, v10;
	v11 =	vadd.f32 v13, v11;
	v12 =	vsub.f32 v12, v17;
	_ =	sdelay $0x1  }
0x369: {  	v10 =	vadd.f32 v10, v11;
	v11 =	vmul.f32 v12, v12;
	_ =	sdelay $0x2  }
0x36a: {  	v10 =	vsub.f32 v10, v11  }
0x36b: {  	v11 =	vpop (erf)  }
0x36c: {  	v10 =	vmul.f32 v11, v10;
	_ =	sdelay $0x1  }
0x36d: {  	v10 =	vadd.f32 $1.000000000e+00, v10;
	_ =	sdelay $0x1  }
0x36e: {  	(erf) = vrcp.f32 v10;
	_ =	sdelay $0x3  }
0x36f: {  	v10 =	vimm.s32 $0x0  }
0x370: {  	v11 =	vand.u32 $0xFFFFFFF8, v10  }
0x371: {  	v14 =	vadd.s32 v4, v11;
	_ =	sdelay $0x1  }
0x372: {  	v11 =	vor.u32 $0x1, v14  }
0x373: {  	v12 =	vpop (erf)  }
0x374: {  	[tilespmem:$0x15E10] =	vst v12  }
0x375: {  	v12 =	vor.u32 $0x2, v14;
	v13 =	vld.idx.msk [tilespmem:v14+s11+$0x0], $0xffff  }
0x376: {  	v16 =	vld.idx.msk [tilespmem:v14+s12+$0x0], $0xffff  }
0x377: {  	v15 =	vor.u32 $0x3, v14;
	v17 =	vld.idx.msk [tilespmem:v11+s11+$0x0], $0xffff  }
0x378: {  	v19 =	vld.idx.msk [tilespmem:v11+s12+$0x0], $0xffff  }
0x379: {  	v18 =	vor.u32 $0x4, v14  }
0x37a: {  	v22 =	vld.idx.msk [tilespmem:v12+s11+$0x0], $0xffff  }
0x37b: {  	v23 =	vor.u32 $0x5, v14;
	v24 =	vld.idx.msk [tilespmem:v12+s12+$0x0], $0xffff  }
0x37c: {  	v12 =	vld.idx.msk [tilespmem:v15+s11+$0x0], $0xffff  }
0x37d: {  	v20 =	vsub.f32 v13, v16;
	v16 =	vld.idx.msk [tilespmem:v15+s12+$0x0], $0xffff;
	v19 =	vsub.f32 v17, v19;
	v17 =	vor.u32 $0x6, v14  }
0x37e: {  	v11 =	vadd.s32 $0x8, v10;
	v13 =	vld.idx.msk [tilespmem:v18+s11+$0x0], $0xffff  }
0x37f: {  	v10 =	vand.u32 $0xFFFFFFF8, v11;
	v18 =	vld.idx.msk [tilespmem:v18+s12+$0x0], $0xffff;
	v15 =	vor.u32 $0x7, v14;
	v20 =	vmul.f32 v20, v20  }
0x380: {  	v21 =	vimm.f32 $0.0e+00;
	v10 =	vadd.s32 v4, v10;
	v14 =	vld.idx.msk [tilespmem:v23+s11+$0x0], $0xffff  }
0x381: {  	s21 =	simm.s32 $0xE;
	v20 =	vadd.f32 v20, v21;
	v21 =	vmul.f32 v19, v19;
	v22 =	vsub.f32 v22, v24;
	v19 =	vld.idx.msk [tilespmem:v23+s12+$0x0], $0xffff  }
.LBB2_28:
0x382: {  	p0 =	sne.s32 s21, $0x1;
	v23 =	vor.u32 $0x1, v10;
	v24 =	vld.idx.msk [tilespmem:v17+s11+$0x0], $0xffff  }
0x383: {  	v12 =	vsub.f32 v12, v16;
	v20 =	vadd.f32 v21, v20;
	v21 =	vmul.f32 v22, v22;
	v16 =	vld.idx.msk [tilespmem:v17+s12+$0x0], $0xffff  }
0x384: {  	v17 =	vor.u32 $0x2, v10;
	v22 =	vld.idx.msk [tilespmem:v15+s11+$0x0], $0xffff  }
0x385: {  	v12 =	vmul.f32 v12, v12;
	v13 =	vsub.f32 v13, v18;
	v20 =	vadd.f32 v21, v20;
	v15 =	vld.idx.msk [tilespmem:v15+s12+$0x0], $0xffff  }
0x386: {  	v21 =	vor.u32 $0x3, v10;
	v18 =	vld.idx.msk [tilespmem:v10+s11+$0x0], $0xffff  }
0x387: {  	v13 =	vmul.f32 v13, v13;
	v14 =	vsub.f32 v14, v19;
	v25 =	vld.idx.msk [tilespmem:v10+s12+$0x0], $0xffff;
	v12 =	vadd.f32 v12, v20  }
0x388: {  	v20 =	vor.u32 $0x4, v10;
	v19 =	vld.idx.msk [tilespmem:v23+s11+$0x0], $0xffff  }
0x389: {  	v23 =	vld.idx.msk [tilespmem:v23+s12+$0x0], $0xffff;
	v12 =	vadd.f32 v13, v12;
	v13 =	vmul.f32 v14, v14;
	v14 =	vsub.f32 v24, v16  }
0x38a: {  	v26 =	vor.u32 $0x5, v10;
	v24 =	vld.idx.msk [tilespmem:v17+s11+$0x0], $0xffff  }
0x38b: {  	v15 =	vsub.f32 v22, v15;
	v27 =	vld.idx.msk [tilespmem:v17+s12+$0x0], $0xffff;
	v13 =	vadd.f32 v13, v12;
	v14 =	vmul.f32 v14, v14  }
0x38c: {  	v11 =	vadd.s32 $0x8, v11;
	v17 =	vor.u32 $0x6, v10;
	v12 =	vld.idx.msk [tilespmem:v21+s11+$0x0], $0xffff  }
.Ltmp13:
0x38d: {  	v18 =	vsub.f32 v18, v25;
	v16 =	vld.idx.msk [tilespmem:v21+s12+$0x0], $0xffff;
	v14 =	vadd.f32 v14, v13;
	v21 =	vmul.f32 v15, v15;
	(pc) =	sbr.rel @p0 .LBB2_28-.Ltmp13, $4  }
0x38e: {  	v22 =	vand.u32 $0xFFFFFFF8, v11;
	v15 =	vor.u32 $0x7, v10;
	v13 =	vld.idx.msk [tilespmem:v20+s11+$0x0], $0xffff  }
0x38f: {  	v25 =	vmul.f32 v18, v18;
	v19 =	vsub.f32 v19, v23;
	v18 =	vld.idx.msk [tilespmem:v20+s12+$0x0], $0xffff;
	v20 =	vadd.f32 v21, v14  }
0x390: {  	v10 =	vadd.s32 v4, v22;
	v14 =	vld.idx.msk [tilespmem:v26+s11+$0x0], $0xffff  }
0x391: {  	s21 =	sadd.s32 $0xFFFFFFFF, s21;
	v21 =	vmul.f32 v19, v19;
	v22 =	vsub.f32 v24, v27;
	v20 =	vadd.f32 v25, v20;
	v19 =	vld.idx.msk [tilespmem:v26+s12+$0x0], $0xffff  }
0x392: {  	_ =	sdelay $0x3  }
0x393: {  	v11 =	vld.idx.msk [tilespmem:v17+s11+$0x0], $0xffff;
	v12 =	vsub.f32 v12, v16  }
0x394: {  	v16 =	vor.u32 $0x1, v10;
	v17 =	vld.idx.msk [tilespmem:v17+s12+$0x0], $0xffff;
	v20 =	vadd.f32 v21, v20;
	v21 =	vmul.f32 v22, v22  }
0x395: {  	v22 =	vld.idx.msk [tilespmem:v15+s11+$0x0], $0xffff;
	v13 =	vsub.f32 v13, v18  }
0x396: {  	v15 =	vld.idx.msk [tilespmem:v15+s12+$0x0], $0xffff;
	v12 =	vmul.f32 v12, v12;
	v18 =	vor.u32 $0x2, v10;
	v20 =	vadd.f32 v21, v20  }
0x397: {  	v21 =	vld.idx.msk [tilespmem:v10+s11+$0x0], $0xffff;
	v13 =	vmul.f32 v13, v13  }
0x398: {  	v14 =	vsub.f32 v14, v19;
	v19 =	vor.u32 $0x3, v10;
	v12 =	vadd.f32 v12, v20;
	v20 =	vld.idx.msk [tilespmem:v10+s12+$0x0], $0xffff  }
0x399: {  	v23 =	vld.idx.msk [tilespmem:v16+s11+$0x0], $0xffff;
	v11 =	vsub.f32 v11, v17  }
0x39a: {  	v16 =	vld.idx.msk [tilespmem:v16+s12+$0x0], $0xffff;
	v12 =	vadd.f32 v13, v12;
	v13 =	vmul.f32 v14, v14;
	v14 =	vor.u32 $0x4, v10  }
0x39b: {  	v17 =	vld.idx.msk [tilespmem:v18+s11+$0x0], $0xffff  }
0x39c: {  	v11 =	vmul.f32 v11, v11;
	v18 =	vld.idx.msk [tilespmem:v18+s12+$0x0], $0xffff;
	v12 =	vadd.f32 v13, v12;
	v13 =	vsub.f32 v22, v15  }
0x39d: {  	v15 =	vor.u32 $0x5, v10;
	v22 =	vld.idx.msk [tilespmem:v19+s11+$0x0], $0xffff  }
0x39e: {  	v19 =	vld.idx.msk [tilespmem:v19+s12+$0x0], $0xffff;
	v20 =	vsub.f32 v21, v20;
	v11 =	vadd.f32 v11, v12;
	v12 =	vmul.f32 v13, v13  }
0x39f: {  	v16 =	vsub.f32 v23, v16;
	v13 =	vor.u32 $0x6, v10;
	v21 =	vld.idx.msk [tilespmem:v14+s11+$0x0], $0xffff  }
0x3a0: {  	v20 =	vmul.f32 v20, v20;
	v11 =	vadd.f32 v12, v11;
	v12 =	vld.idx.msk [tilespmem:v14+s12+$0x0], $0xffff  }
0x3a1: {  	v10 =	vor.u32 $0x7, v10;
	v14 =	vmul.f32 v16, v16;
	v16 =	vsub.f32 v17, v18;
	v17 =	vld.idx.msk [tilespmem:v7+s12+$0x0], $0xffff  }
0x3a2: {  	v18 =	vld.idx.msk [tilespmem:v15+s11+$0x0], $0xffff;
	v11 =	vadd.f32 v20, v11  }
0x3a3: {  	v15 =	vld.idx.msk [tilespmem:v15+s12+$0x0], $0xffff  }
0x3a4: {  	v11 =	vadd.f32 v14, v11;
	v14 =	vmul.f32 v16, v16;
	v16 =	vsub.f32 v22, v19;
	v19 =	vld.idx.msk [tilespmem:v13+s11+$0x0], $0xffff  }
0x3a5: {  	v13 =	vld.idx.msk [tilespmem:v13+s12+$0x0], $0xffff  }
0x3a6: {  	v12 =	vsub.f32 v21, v12;
	v11 =	vadd.f32 v14, v11;
	v14 =	vmul.f32 v16, v16;
	v16 =	vld.idx.msk [tilespmem:v10+s11+$0x0], $0xffff  }
0x3a7: {  	v20 =	vsub.f32 $0.0e+00, v17;
	v10 =	vld.idx.msk [tilespmem:v10+s12+$0x0], $0xffff  }
0x3a8: {  	v12 =	vmul.f32 v12, v12;
	v11 =	vadd.f32 v14, v11;
	v14 =	vsub.f32 v18, v15  }
0x3a9: {  	v15 =	vmul.f32 $1.442695020e+00, v20  }
0x3aa: {  	v7 =	vld.idx.msk [tilespmem:v7+s11+$0x0], $0xffff;
	v13 =	vsub.f32 v19, v13;
	v11 =	vadd.f32 v12, v11;
	v12 =	vmul.f32 v14, v14  }
0x3ab: {  	(erf) = vpow2.f32 v15  }
0x3ac: {  	v10 =	vsub.f32 v16, v10;
	v11 =	vadd.f32 v12, v11;
	v12 =	vmul.f32 v13, v13;
	_ =	sdelay $0x1  }
0x3ad: {  	v10 =	vmul.f32 v10, v10;
	v11 =	vadd.f32 v12, v11  }
0x3ae: {  	v7 =	vsub.f32 v7, v17  }
0x3af: {  	v10 =	vadd.f32 v10, v11  }
0x3b0: {  	v7 =	vmul.f32 v7, v7;
	_ =	sdelay $0x1  }
0x3b1: {  	v7 =	vsub.f32 v10, v7  }
0x3b2: {  	v10 =	vpop (erf)  }
0x3b3: {  	v7 =	vmul.f32 v10, v7;
	_ =	sdelay $0x1  }
0x3b4: {  	v7 =	vadd.f32 $1.000000000e+00, v7;
	_ =	sdelay $0x1  }
0x3b5: {  	(erf) = vrcp.f32 v7;
	_ =	sdelay $0x3  }
0x3b6: {  	v7 =	vimm.s32 $0x0  }
0x3b7: {  	v10 =	vand.u32 $0xFFFFFFF8, v7  }
0x3b8: {  	v13 =	vadd.s32 v5, v10;
	_ =	sdelay $0x1  }
0x3b9: {  	v10 =	vor.u32 $0x1, v13  }
0x3ba: {  	v11 =	vpop (erf)  }
0x3bb: {  	[tilespmem:$0x15E20] =	vst v11  }
0x3bc: {  	v11 =	vor.u32 $0x2, v13;
	v12 =	vld.idx.msk [tilespmem:v13+s11+$0x0], $0xffff  }
0x3bd: {  	v15 =	vld.idx.msk [tilespmem:v13+s12+$0x0], $0xffff  }
0x3be: {  	v14 =	vor.u32 $0x3, v13;
	v16 =	vld.idx.msk [tilespmem:v10+s11+$0x0], $0xffff  }
0x3bf: {  	v18 =	vld.idx.msk [tilespmem:v10+s12+$0x0], $0xffff  }
0x3c0: {  	v17 =	vor.u32 $0x4, v13  }
0x3c1: {  	v21 =	vld.idx.msk [tilespmem:v11+s11+$0x0], $0xffff  }
0x3c2: {  	v22 =	vor.u32 $0x5, v13;
	v23 =	vld.idx.msk [tilespmem:v11+s12+$0x0], $0xffff  }
0x3c3: {  	v11 =	vld.idx.msk [tilespmem:v14+s11+$0x0], $0xffff  }
0x3c4: {  	v19 =	vsub.f32 v12, v15;
	v15 =	vld.idx.msk [tilespmem:v14+s12+$0x0], $0xffff;
	v18 =	vsub.f32 v16, v18;
	v16 =	vor.u32 $0x6, v13  }
0x3c5: {  	v10 =	vadd.s32 $0x8, v7;
	v12 =	vld.idx.msk [tilespmem:v17+s11+$0x0], $0xffff  }
0x3c6: {  	v7 =	vand.u32 $0xFFFFFFF8, v10;
	v17 =	vld.idx.msk [tilespmem:v17+s12+$0x0], $0xffff;
	v14 =	vor.u32 $0x7, v13;
	v19 =	vmul.f32 v19, v19  }
0x3c7: {  	v20 =	vimm.f32 $0.0e+00;
	v7 =	vadd.s32 v5, v7;
	v13 =	vld.idx.msk [tilespmem:v22+s11+$0x0], $0xffff  }
0x3c8: {  	s21 =	simm.s32 $0xE;
	v19 =	vadd.f32 v19, v20;
	v20 =	vmul.f32 v18, v18;
	v21 =	vsub.f32 v21, v23;
	v18 =	vld.idx.msk [tilespmem:v22+s12+$0x0], $0xffff  }
.LBB2_30:
0x3c9: {  	p0 =	sne.s32 s21, $0x1;
	v22 =	vor.u32 $0x1, v7;
	v23 =	vld.idx.msk [tilespmem:v16+s11+$0x0], $0xffff  }
0x3ca: {  	v11 =	vsub.f32 v11, v15;
	v19 =	vadd.f32 v20, v19;
	v20 =	vmul.f32 v21, v21;
	v15 =	vld.idx.msk [tilespmem:v16+s12+$0x0], $0xffff  }
0x3cb: {  	v16 =	vor.u32 $0x2, v7;
	v21 =	vld.idx.msk [tilespmem:v14+s11+$0x0], $0xffff  }
0x3cc: {  	v11 =	vmul.f32 v11, v11;
	v12 =	vsub.f32 v12, v17;
	v19 =	vadd.f32 v20, v19;
	v14 =	vld.idx.msk [tilespmem:v14+s12+$0x0], $0xffff  }
0x3cd: {  	v20 =	vor.u32 $0x3, v7;
	v17 =	vld.idx.msk [tilespmem:v7+s11+$0x0], $0xffff  }
0x3ce: {  	v12 =	vmul.f32 v12, v12;
	v13 =	vsub.f32 v13, v18;
	v24 =	vld.idx.msk [tilespmem:v7+s12+$0x0], $0xffff;
	v11 =	vadd.f32 v11, v19  }
0x3cf: {  	v19 =	vor.u32 $0x4, v7;
	v18 =	vld.idx.msk [tilespmem:v22+s11+$0x0], $0xffff  }
0x3d0: {  	v22 =	vld.idx.msk [tilespmem:v22+s12+$0x0], $0xffff;
	v11 =	vadd.f32 v12, v11;
	v12 =	vmul.f32 v13, v13;
	v13 =	vsub.f32 v23, v15  }
0x3d1: {  	v25 =	vor.u32 $0x5, v7;
	v23 =	vld.idx.msk [tilespmem:v16+s11+$0x0], $0xffff  }
0x3d2: {  	v14 =	vsub.f32 v21, v14;
	v26 =	vld.idx.msk [tilespmem:v16+s12+$0x0], $0xffff;
	v12 =	vadd.f32 v12, v11;
	v13 =	vmul.f32 v13, v13  }
0x3d3: {  	v10 =	vadd.s32 $0x8, v10;
	v16 =	vor.u32 $0x6, v7;
	v11 =	vld.idx.msk [tilespmem:v20+s11+$0x0], $0xffff  }
.Ltmp14:
0x3d4: {  	v17 =	vsub.f32 v17, v24;
	v15 =	vld.idx.msk [tilespmem:v20+s12+$0x0], $0xffff;
	v13 =	vadd.f32 v13, v12;
	v20 =	vmul.f32 v14, v14;
	(pc) =	sbr.rel @p0 .LBB2_30-.Ltmp14, $4  }
0x3d5: {  	v21 =	vand.u32 $0xFFFFFFF8, v10;
	v14 =	vor.u32 $0x7, v7;
	v12 =	vld.idx.msk [tilespmem:v19+s11+$0x0], $0xffff  }
0x3d6: {  	v24 =	vmul.f32 v17, v17;
	v18 =	vsub.f32 v18, v22;
	v17 =	vld.idx.msk [tilespmem:v19+s12+$0x0], $0xffff;
	v19 =	vadd.f32 v20, v13  }
0x3d7: {  	v7 =	vadd.s32 v5, v21;
	v13 =	vld.idx.msk [tilespmem:v25+s11+$0x0], $0xffff  }
0x3d8: {  	s21 =	sadd.s32 $0xFFFFFFFF, s21;
	v20 =	vmul.f32 v18, v18;
	v21 =	vsub.f32 v23, v26;
	v19 =	vadd.f32 v24, v19;
	v18 =	vld.idx.msk [tilespmem:v25+s12+$0x0], $0xffff  }
0x3d9: {  	_ =	sdelay $0x3  }
0x3da: {  	v5 =	vld.idx.msk [tilespmem:v16+s11+$0x0], $0xffff;
	v11 =	vsub.f32 v11, v15;
	v10 =	vadd.f32 v20, v19;
	v19 =	vmul.f32 v21, v21  }
0x3db: {  	v15 =	vor.u32 $0x1, v7;
	v16 =	vld.idx.msk [tilespmem:v16+s12+$0x0], $0xffff  }
0x3dc: {  	v20 =	vld.idx.msk [tilespmem:v14+s11+$0x0], $0xffff;
	v11 =	vmul.f32 v11, v11;
	v10 =	vadd.f32 v19, v10  }
0x3dd: {  	v14 =	vld.idx.msk [tilespmem:v14+s12+$0x0], $0xffff;
	v12 =	vsub.f32 v12, v17;
	v17 =	vor.u32 $0x2, v7  }
0x3de: {  	v19 =	vld.idx.msk [tilespmem:v7+s11+$0x0], $0xffff;
	v10 =	vadd.f32 v11, v10  }
0x3df: {  	v11 =	vmul.f32 v12, v12;
	v12 =	vsub.f32 v13, v18;
	v13 =	vor.u32 $0x3, v7;
	v18 =	vld.idx.msk [tilespmem:v7+s12+$0x0], $0xffff  }
0x3e0: {  	v62 =	vld.idx.msk [tilespmem:v15+s11+$0x0], $0xffff;
	v5 =	vsub.f32 v5, v16  }
0x3e1: {  	v15 =	vld.idx.msk [tilespmem:v15+s12+$0x0], $0xffff;
	v10 =	vadd.f32 v11, v10;
	v11 =	vmul.f32 v12, v12;
	v12 =	vor.u32 $0x4, v7  }
0x3e2: {  	v16 =	vld.idx.msk [tilespmem:v17+s11+$0x0], $0xffff  }
0x3e3: {  	v5 =	vmul.f32 v5, v5;
	v17 =	vld.idx.msk [tilespmem:v17+s12+$0x0], $0xffff;
	v10 =	vadd.f32 v11, v10;
	v11 =	vsub.f32 v20, v14  }
0x3e4: {  	v14 =	vor.u32 $0x5, v7;
	v20 =	vld.idx.msk [tilespmem:v13+s11+$0x0], $0xffff  }
0x3e5: {  	v18 =	vsub.f32 v19, v18;
	v13 =	vld.idx.msk [tilespmem:v13+s12+$0x0], $0xffff;
	v5 =	vadd.f32 v5, v10;
	v10 =	vmul.f32 v11, v11  }
0x3e6: {  	v15 =	vsub.f32 v62, v15;
	v11 =	vor.u32 $0x6, v7;
	v19 =	vld.idx.msk [tilespmem:v12+s11+$0x0], $0xffff  }
0x3e7: {  	v18 =	vmul.f32 v18, v18;
	v5 =	vadd.f32 v10, v5;
	v10 =	vld.idx.msk [tilespmem:v12+s12+$0x0], $0xffff  }
0x3e8: {  	v7 =	vor.u32 $0x7, v7;
	v12 =	vmul.f32 v15, v15;
	v15 =	vsub.f32 v16, v17;
	v16 =	vld.idx.msk [tilespmem:v8+s12+$0x0], $0xffff  }
0x3e9: {  	v17 =	vld.idx.msk [tilespmem:v14+s11+$0x0], $0xffff;
	v5 =	vadd.f32 v18, v5  }
0x3ea: {  	v14 =	vld.idx.msk [tilespmem:v14+s12+$0x0], $0xffff  }
0x3eb: {  	v13 =	vsub.f32 v20, v13;
	v5 =	vadd.f32 v12, v5;
	v12 =	vmul.f32 v15, v15;
	v15 =	vld.idx.msk [tilespmem:v11+s11+$0x0], $0xffff  }
0x3ec: {  	v11 =	vld.idx.msk [tilespmem:v11+s12+$0x0], $0xffff  }
0x3ed: {  	v10 =	vsub.f32 v19, v10;
	v5 =	vadd.f32 v12, v5;
	v12 =	vmul.f32 v13, v13;
	v13 =	vld.idx.msk [tilespmem:v7+s11+$0x0], $0xffff  }
0x3ee: {  	v18 =	vsub.f32 $0.0e+00, v16;
	v7 =	vld.idx.msk [tilespmem:v7+s12+$0x0], $0xffff  }
0x3ef: {  	v10 =	vmul.f32 v10, v10;
	v5 =	vadd.f32 v12, v5;
	v12 =	vsub.f32 v17, v14  }
0x3f0: {  	v8 =	vld.idx.msk [tilespmem:v8+s11+$0x0], $0xffff;
	v14 =	vmul.f32 $1.442695020e+00, v18  }
0x3f1: {  	v11 =	vsub.f32 v15, v11;
	v5 =	vadd.f32 v10, v5;
	v10 =	vmul.f32 v12, v12  }
0x3f2: {  	(erf) = vpow2.f32 v14  }
0x3f3: {  	v7 =	vsub.f32 v13, v7;
	v5 =	vadd.f32 v10, v5;
	v10 =	vmul.f32 v11, v11;
	_ =	sdelay $0x1  }
0x3f4: {  	v8 =	vsub.f32 v8, v16;
	v7 =	vmul.f32 v7, v7;
	v5 =	vadd.f32 v10, v5;
	_ =	sdelay $0x1  }
0x3f5: {  	v5 =	vadd.f32 v7, v5;
	v7 =	vmul.f32 v8, v8;
	_ =	sdelay $0x2  }
0x3f6: {  	v5 =	vsub.f32 v5, v7  }
0x3f7: {  	v7 =	vpop (erf)  }
0x3f8: {  	v5 =	vmul.f32 v7, v5;
	_ =	sdelay $0x1  }
0x3f9: {  	v5 =	vadd.f32 $1.000000000e+00, v5;
	_ =	sdelay $0x1  }
0x3fa: {  	(erf) = vrcp.f32 v5;
	_ =	sdelay $0x3  }
0x3fb: {  	v5 =	vimm.s32 $0x0  }
0x3fc: {  	v7 =	vand.u32 $0xFFFFFFF8, v5  }
0x3fd: {  	v11 =	vadd.s32 v6, v7;
	_ =	sdelay $0x1  }
0x3fe: {  	v7 =	vor.u32 $0x1, v11  }
0x3ff: {  	v8 =	vpop (erf)  }
0x400: {  	[tilespmem:$0x15E30] =	vst v8  }
0x401: {  	v8 =	vor.u32 $0x2, v11;
	v10 =	vld.idx.msk [tilespmem:v11+s11+$0x0], $0xffff  }
0x402: {  	v13 =	vld.idx.msk [tilespmem:v11+s12+$0x0], $0xffff  }
0x403: {  	v12 =	vor.u32 $0x3, v11;
	v14 =	vld.idx.msk [tilespmem:v7+s11+$0x0], $0xffff  }
0x404: {  	v16 =	vld.idx.msk [tilespmem:v7+s12+$0x0], $0xffff  }
0x405: {  	v15 =	vor.u32 $0x4, v11  }
0x406: {  	v19 =	vld.idx.msk [tilespmem:v8+s11+$0x0], $0xffff  }
0x407: {  	v20 =	vor.u32 $0x5, v11;
	v63 =	vld.idx.msk [tilespmem:v8+s12+$0x0], $0xffff  }
0x408: {  	v8 =	vld.idx.msk [tilespmem:v12+s11+$0x0], $0xffff  }
0x409: {  	v17 =	vsub.f32 v10, v13;
	v13 =	vld.idx.msk [tilespmem:v12+s12+$0x0], $0xffff;
	v16 =	vsub.f32 v14, v16;
	v14 =	vor.u32 $0x6, v11  }
0x40a: {  	v7 =	vadd.s32 $0x8, v5;
	v10 =	vld.idx.msk [tilespmem:v15+s11+$0x0], $0xffff  }
0x40b: {  	v5 =	vand.u32 $0xFFFFFFF8, v7;
	v15 =	vld.idx.msk [tilespmem:v15+s12+$0x0], $0xffff;
	v12 =	vor.u32 $0x7, v11;
	v17 =	vmul.f32 v17, v17  }
0x40c: {  	v18 =	vimm.f32 $0.0e+00;
	v5 =	vadd.s32 v6, v5;
	v11 =	vld.idx.msk [tilespmem:v20+s11+$0x0], $0xffff  }
0x40d: {  	s21 =	simm.s32 $0xE;
	v17 =	vadd.f32 v17, v18;
	v18 =	vmul.f32 v16, v16;
	v19 =	vsub.f32 v19, v63;
	v16 =	vld.idx.msk [tilespmem:v20+s12+$0x0], $0xffff  }
.LBB2_32:
0x40e: {  	p0 =	sne.s32 s21, $0x1;
	v20 =	vor.u32 $0x1, v5;
	v21 =	vld.idx.msk [tilespmem:v14+s11+$0x0], $0xffff  }
0x40f: {  	v8 =	vsub.f32 v8, v13;
	v17 =	vadd.f32 v18, v17;
	v18 =	vmul.f32 v19, v19;
	v13 =	vld.idx.msk [tilespmem:v14+s12+$0x0], $0xffff  }
0x410: {  	v14 =	vor.u32 $0x2, v5;
	v19 =	vld.idx.msk [tilespmem:v12+s11+$0x0], $0xffff  }
0x411: {  	v8 =	vmul.f32 v8, v8;
	v10 =	vsub.f32 v10, v15;
	v17 =	vadd.f32 v18, v17;
	v12 =	vld.idx.msk [tilespmem:v12+s12+$0x0], $0xffff  }
0x412: {  	v18 =	vor.u32 $0x3, v5;
	v15 =	vld.idx.msk [tilespmem:v5+s11+$0x0], $0xffff  }
0x413: {  	v10 =	vmul.f32 v10, v10;
	v11 =	vsub.f32 v11, v16;
	v22 =	vld.idx.msk [tilespmem:v5+s12+$0x0], $0xffff;
	v8 =	vadd.f32 v8, v17  }
0x414: {  	v17 =	vor.u32 $0x4, v5;
	v16 =	vld.idx.msk [tilespmem:v20+s11+$0x0], $0xffff  }
0x415: {  	v20 =	vld.idx.msk [tilespmem:v20+s12+$0x0], $0xffff;
	v8 =	vadd.f32 v10, v8;
	v10 =	vmul.f32 v11, v11;
	v11 =	vsub.f32 v21, v13  }
0x416: {  	v23 =	vor.u32 $0x5, v5;
	v21 =	vld.idx.msk [tilespmem:v14+s11+$0x0], $0xffff  }
0x417: {  	v12 =	vsub.f32 v19, v12;
	v24 =	vld.idx.msk [tilespmem:v14+s12+$0x0], $0xffff;
	v10 =	vadd.f32 v10, v8;
	v11 =	vmul.f32 v11, v11  }
0x418: {  	v7 =	vadd.s32 $0x8, v7;
	v14 =	vor.u32 $0x6, v5;
	v8 =	vld.idx.msk [tilespmem:v18+s11+$0x0], $0xffff  }
.Ltmp15:
0x419: {  	v15 =	vsub.f32 v15, v22;
	v13 =	vld.idx.msk [tilespmem:v18+s12+$0x0], $0xffff;
	v11 =	vadd.f32 v11, v10;
	v18 =	vmul.f32 v12, v12;
	(pc) =	sbr.rel @p0 .LBB2_32-.Ltmp15, $4  }
0x41a: {  	v19 =	vand.u32 $0xFFFFFFF8, v7;
	v12 =	vor.u32 $0x7, v5;
	v10 =	vld.idx.msk [tilespmem:v17+s11+$0x0], $0xffff  }
0x41b: {  	v22 =	vmul.f32 v15, v15;
	v16 =	vsub.f32 v16, v20;
	v15 =	vld.idx.msk [tilespmem:v17+s12+$0x0], $0xffff;
	v17 =	vadd.f32 v18, v11  }
0x41c: {  	v5 =	vadd.s32 v6, v19;
	v11 =	vld.idx.msk [tilespmem:v23+s11+$0x0], $0xffff  }
0x41d: {  	s21 =	sadd.s32 $0xFFFFFFFF, s21;
	v18 =	vmul.f32 v16, v16;
	v19 =	vsub.f32 v21, v24;
	v17 =	vadd.f32 v22, v17;
	v16 =	vld.idx.msk [tilespmem:v23+s12+$0x0], $0xffff  }
0x41e: {  	_ =	sdelay $0x3  }
0x41f: {  	v6 =	vld.idx.msk [tilespmem:v14+s11+$0x0], $0xffff;
	v8 =	vsub.f32 v8, v13;
	v7 =	vadd.f32 v18, v17;
	v32 =	vmul.f32 v19, v19  }
0x420: {  	v33 =	vor.u32 $0x1, v5;
	v34 =	vld.idx.msk [tilespmem:v14+s12+$0x0], $0xffff  }
0x421: {  	v35 =	vld.idx.msk [tilespmem:v12+s11+$0x0], $0xffff;
	v8 =	vmul.f32 v8, v8;
	v10 =	vsub.f32 v10, v15;
	v7 =	vadd.f32 v32, v7  }
0x422: {  	v36 =	vor.u32 $0x2, v5;
	v37 =	vld.idx.msk [tilespmem:v12+s12+$0x0], $0xffff  }
0x423: {  	v38 =	vld.idx.msk [tilespmem:v5+s11+$0x0], $0xffff;
	v39 =	vmul.f32 v10, v10;
	v40 =	vsub.f32 v11, v16;
	v7 =	vadd.f32 v8, v7  }
0x424: {  	v41 =	vor.u32 $0x3, v5;
	v42 =	vld.idx.msk [tilespmem:v5+s12+$0x0], $0xffff  }
0x425: {  	v43 =	vld.idx.msk [tilespmem:v33+s11+$0x0], $0xffff;
	v6 =	vsub.f32 v6, v34;
	v44 =	vmul.f32 v40, v40;
	v7 =	vadd.f32 v39, v7  }
0x426: {  	v45 =	vor.u32 $0x4, v5;
	v13 =	vld.idx.msk [tilespmem:v33+s12+$0x0], $0xffff  }
0x427: {  	v46 =	vld.idx.msk [tilespmem:v36+s11+$0x0], $0xffff;
	v47 =	vsub.f32 v35, v37;
	v6 =	vmul.f32 v6, v6;
	v7 =	vadd.f32 v44, v7  }
0x428: {  	v48 =	vor.u32 $0x5, v5;
	v15 =	vld.idx.msk [tilespmem:v36+s12+$0x0], $0xffff  }
0x429: {  	v49 =	vld.idx.msk [tilespmem:v41+s11+$0x0], $0xffff;
	v16 =	vsub.f32 v38, v42;
	v6 =	vadd.f32 v6, v7;
	v7 =	vmul.f32 v47, v47  }
0x42a: {  	v50 =	vor.u32 $0x6, v5;
	v11 =	vld.idx.msk [tilespmem:v41+s12+$0x0], $0xffff  }
0x42b: {  	v51 =	vld.idx.msk [tilespmem:v45+s11+$0x0], $0xffff;
	v16 =	vmul.f32 v16, v16;
	v13 =	vsub.f32 v43, v13;
	v6 =	vadd.f32 v7, v6  }
0x42c: {  	v5 =	vor.u32 $0x7, v5;
	v7 =	vld.idx.msk [tilespmem:v45+s12+$0x0], $0xffff  }
0x42d: {  	v54 =	vld.idx.msk [tilespmem:v9+s12+$0x0], $0xffff;
	v53 =	vsub.f32 v46, v15;
	v52 =	vmul.f32 v13, v13;
	v6 =	vadd.f32 v16, v6  }
0x42e: {  	v55 =	vld.idx.msk [tilespmem:v48+s11+$0x0], $0xffff  }
0x42f: {  	v12 =	vld.idx.msk [tilespmem:v48+s12+$0x0], $0xffff;
	v11 =	vsub.f32 v49, v11;
	v56 =	vmul.f32 v53, v53;
	v6 =	vadd.f32 v52, v6  }
0x430: {  	v57 =	vld.idx.msk [tilespmem:v50+s11+$0x0], $0xffff  }
0x431: {  	v8 =	vld.idx.msk [tilespmem:v50+s12+$0x0], $0xffff;
	v58 =	vmul.f32 v11, v11;
	v7 =	vsub.f32 v51, v7;
	v6 =	vadd.f32 v56, v6  }
0x432: {  	v59 =	vld.idx.msk [tilespmem:v5+s11+$0x0], $0xffff  }
0x433: {  	v60 =	vsub.f32 $0.0e+00, v54;
	v5 =	vld.idx.msk [tilespmem:v5+s12+$0x0], $0xffff;
	v7 =	vmul.f32 v7, v7;
	v6 =	vadd.f32 v58, v6  }
0x434: {  	v61 =	vsub.f32 v55, v12  }
0x435: {  	v62 =	vmul.f32 $1.442695020e+00, v60;
	v6 =	vadd.f32 v7, v6;
	v7 =	vld.idx.msk [tilespmem:v9+s11+$0x0], $0xffff  }
0x436: {  	v8 =	vsub.f32 v57, v8;
	v63 =	vmul.f32 v61, v61  }
0x437: {  	(erf) = vpow2.f32 v62  }
0x438: {  	v5 =	vsub.f32 v59, v5;
	v8 =	vmul.f32 v8, v8;
	v6 =	vadd.f32 v63, v6;
	_ =	sdelay $0x1  }
0x439: {  	v5 =	vmul.f32 v5, v5;
	v6 =	vadd.f32 v8, v6;
	v7 =	vsub.f32 v7, v54;
	_ =	sdelay $0x1  }
0x43a: {  	v5 =	vadd.f32 v5, v6;
	v6 =	vmul.f32 v7, v7;
	_ =	sdelay $0x2  }
0x43b: {  	v5 =	vsub.f32 v5, v6  }
0x43c: {  	v6 =	vpop (erf)  }
0x43d: {  	v5 =	vmul.f32 v6, v5;
	_ =	sdelay $0x1  }
0x43e: {  	v5 =	vadd.f32 $1.000000000e+00, v5;
	_ =	sdelay $0x1  }
0x43f: {  	(erf) = vrcp.f32 v5;
	_ =	sdelay $0x7  }
0x440: {  	s20 =	sadd.s32 $0x1, s20  }
0x441: {  	p0 =	sne.s32 s20, s7;
	v5 =	vpop (erf)  }
.Ltmp16:
0x442: {  	[tilespmem:$0x15E40] =	vst v5;
	(pc) =	sbr.rel @p0 .LBB2_1-.Ltmp16, $4  }
0x443: {  	[hbm4b:s6+s3] =	stream.linear.scatter [tilespmem:s19], [sflag:$0x5], $0x3E80, $0x38;
	[tilespmem:$0x16000] =	vst v63  }
0x444: {  	_ =	swait.ge [sflag:s8], $0x3E80  }
0x445: {  	[sflag:s8] =	ssyncset.done $0x0  }
0x446: {  	[sflag:s8] =	ssyncadd.s32 $0xFFFFC180  }
0x447: {  	_ =	sfence.sel $0x180000  }
0x448: {  	[bflag:$0x0] =	sbarrier.arrive $0xFFFF  }
0x449: {  	p0 =	sne.s32 s1, $0x0;
	_ =	strace $0x90000047  }
0x44a: {  	s0 =	sadd.s32 @!p0 $0x100000, s0;
	[bflag:$0x2] =	sbarrier.arrive $0xFFFF  }
0x44b: {  	[sflag:s0] =	ssyncadd.tile.s32 @!p0 $0x1;
	_ =	shalt  }
.Lfunc_end2:
_tile_overlayer_lowered:
.L_overlay_start_2:
0x44c: {  	(tag) =	ssettag $0x2  }
0x44d: {  	s0 =	rddreg [dreg:$0x0];
	s2 =	stileid.u32  }
0x44e: {  	s1 =	rddreg [dreg:$0x1];
	p0 =	sne.s32 s2, $0x0  }
0x44f: {  	s3 =	rddreg [dreg:$0x2];
	[bflag:$0x3] =	sbarrier.arrive $0xFFFF;
	s2 =	simm.s32 @!p0 $0x1C05  }
0x450: {  	[timem:s3], [sflag:s2] =	dma.local @!p0 [hbm:s0], s1  }
0x451: {  	s0 =	simm.s32 @!p0 $0x5  }
0x452: {  	_ =	swait.ge @!p0 [sflag:s0], s1  }
0x453: {  	s1 =	ssub.s32 @!p0 $0x0, s1;
	[sflag:s0] =	ssyncset.done @!p0 $0x0  }
0x454: {  	[sflag:s0] =	ssyncadd.s32 @!p0 s1  }
0x455: {  	[bflag:$0x3] =	sbarrier.arrive $0xFFFF  }
0x456: {  	_ =	shalt  }

</sc_bundles>
